<compile_context>
chip_gen: v7x
topology: tpu7x:2x2x1
jax: 0.10.2.dev20260603
libtpu: 0.0.44.dev20260713+nightly
codegen_flags: <defaults>
</compile_context>

<pallas_src>
import jax
import jax.numpy as jnp
from jax import lax
from jax.experimental import pallas as pl
from jax.experimental.pallas import tpu as pltpu
from jax.experimental.pallas import tpu_sc as plsc

_NUM_EXPERTS = 64
_TOP_K = 2
_B, _S, _D = 4, 8192, 768
_N = _B * _S
_NC, _NS, _L = 2, 16, 16
_NW = _NC * _NS
_TOK_W = _N // _NW
_CH = 64
_NCHUNK = _TOK_W // _CH
_NPAIR = _NCHUNK // 2


def _body(x_hbm, i0_hbm, i1_hbm, xbuf0, xbuf1, fbuf, oi0buf, oi1buf,
          sem0, sem1):
    wid = lax.axis_index("s") * _NC + lax.axis_index("c")
    tok0 = wid * _TOK_W

    row_ids = lax.iota(jnp.int32, _L)
    swap_ids = lax.bitwise_xor(row_ids, 8)

    def start(c, buf, sem):
        src0 = pl.multiple_of(tok0 + c * _CH, 8)
        pltpu.async_copy(x_hbm.at[pl.ds(src0, _CH)], buf, sem)

    def wait(buf, sem):
        pltpu.make_async_copy(x_hbm.at[pl.ds(0, _CH)], buf, sem).wait()

    def compute(c, xbuf):
        @plsc.parallel_loop(0, _CH, 1, unroll=4)
        def tok_step(t):
            for k in range(3):
                acc = None
                for q in range(8):
                    a = xbuf[t, pl.ds(k * 256 + q * _L, _L)]
                    b = xbuf[t, pl.ds(k * 256 + 128 + q * _L, _L)]
                    w = a + b
                    acc = w if acc is None else acc + w
                    acc = acc + w.at[swap_ids].get(
                        mode="promise_in_bounds")
                fbuf[pl.ds((t * 3 + k) * _L, _L)] = acc

        def group_step(g, _):
            fb0 = (g * _L + row_ids) * (3 * _L)
            gk = []
            for k in range(3):
                cols = [plsc.load_gather(fbuf, [fb0 + k * _L + s])
                        for s in range(8)]
                gk.append(((cols[0] + cols[4]) + (cols[2] + cols[6]))
                          + ((cols[1] + cols[5]) + (cols[3] + cols[7])))
            tot = (gk[0] + gk[1]) + gk[2]
            h = (jnp.abs(tot) * 1000.0).astype(jnp.int32) % _NUM_EXPERTS
            h1 = (h + 1) % _NUM_EXPERTS
            pos = c * _CH + g * _L
            oi0buf[pl.ds(pos, _L)] = h
            oi1buf[pl.ds(pos, _L)] = h1
            return 0

        lax.fori_loop(0, _CH // _L, group_step, 0)

    start(0, xbuf0, sem0)

    def chunk_pair(cp, _):
        c0 = cp * 2
        start(c0 + 1, xbuf1, sem1)
        wait(xbuf0, sem0)
        compute(c0, xbuf0)

        @pl.when(cp < _NPAIR - 1)
        def _():
            start(c0 + 2, xbuf0, sem0)

        wait(xbuf1, sem1)
        compute(c0 + 1, xbuf1)
        return 0

    lax.fori_loop(0, _NPAIR, chunk_pair, 0)

    out0 = pl.multiple_of(tok0, 8)
    pltpu.sync_copy(oi0buf, i0_hbm.at[pl.ds(out0, _TOK_W)])
    pltpu.sync_copy(oi1buf, i1_hbm.at[pl.ds(out0, _TOK_W)])


@jax.jit
def kernel(x):
    mesh = plsc.VectorSubcoreMesh(
        core_axis_name="c", subcore_axis_name="s",
        num_cores=_NC, num_subcores=_NS)
    run = pl.kernel(
        _body,
        out_type=(
            jax.ShapeDtypeStruct((_N,), jnp.int32),
            jax.ShapeDtypeStruct((_N,), jnp.int32),
        ),
        mesh=mesh,
        compiler_params=pltpu.CompilerParams(
            needs_layout_passes=False, use_tc_tiling_on_sc=True),
        scratch_types=(
            pltpu.VMEM((_CH, _D), jnp.float32),
            pltpu.VMEM((_CH, _D), jnp.float32),
            pltpu.VMEM((_CH * 3 * _L,), jnp.float32),
            pltpu.VMEM((_TOK_W,), jnp.int32),
            pltpu.VMEM((_TOK_W,), jnp.int32),
            pltpu.SemaphoreType.DMA,
            pltpu.SemaphoreType.DMA,
        ),
    )
    i0, i1 = run(x.reshape(_N, _D))
    idx = jnp.stack(
        [i0.reshape(_B, _S), i1.reshape(_B, _S)], axis=-1)
    w = jnp.full((_B, _S, _TOP_K), 1.0 / _TOP_K, dtype=x.dtype)
    return (idx, w)

# --- scband reference (transcript-rebuilt; emitter-appended) ---
"""Pipeline reference for scband-hash-router-14972255994096 (READ-ONLY COPY).

The authoritative reference and input builder live on the scoring server;
editing this copy changes nothing except your own understanding.
"""

import jax, jax.numpy as jnp
import numpy as np

NUM_EXPERTS = 64
TOP_K = 2

def setup_inputs(seed: int = 0) -> dict:
    key = jax.random.key(seed)
    x = jax.random.normal(key, (4, 8192, 768), dtype=jnp.float32)
    return {"x": x}

def reference(x):
    # hash_values = |sum(x, -1)|, scaled and truncated to int, mod num_experts
    hash_values = jnp.abs(jnp.sum(x, axis=-1))
    hash_values = (hash_values * 1000.0).astype(jnp.int32) % NUM_EXPERTS
    expert_indices = []
    for k in range(TOP_K):
        indices = (hash_values + k) % NUM_EXPERTS
        expert_indices.append(indices)
    expert_indices = jnp.stack(expert_indices, axis=-1)
    expert_weights = jnp.ones(expert_indices.shape, dtype=x.dtype) / TOP_K
    return (expert_indices, expert_weights)

if __name__ == "__main__":
    import jax
    _d = setup_inputs()
    print(jax.jit(kernel)(*tuple(_d.values())))

</pallas_src>

<mosaic_0001>
#map = affine_map<(d0, d1) -> (0, 0)>
#map1 = affine_map<(d0, d1) -> (0)>
module attributes {stable_mosaic.version = 14 : i64} {
  func.func @_body(%arg0: i32, %arg1: i32, %arg2: memref<32768x768xf32, #tpu.memory_space<hbm>>, %arg3: memref<32768xi32, #tpu.memory_space<hbm>>, %arg4: memref<32768xi32, #tpu.memory_space<hbm>>, %arg5: memref<64x768xf32, #tpu.memory_space<vmem>>, %arg6: memref<64x768xf32, #tpu.memory_space<vmem>>, %arg7: memref<3072xf32, #tpu.memory_space<vmem>>, %arg8: memref<1024xi32, #tpu.memory_space<vmem>>, %arg9: memref<1024xi32, #tpu.memory_space<vmem>>, %arg10: memref<!tpu.dma_semaphore, #tpu.memory_space<semaphore_mem>>, %arg11: memref<!tpu.dma_semaphore, #tpu.memory_space<semaphore_mem>>) attributes {dimension_semantics = [#tpu.dimension_semantics<core_parallel>, #tpu.dimension_semantics<subcore_parallel>], iteration_bounds = array<i64: 2, 16>, scalar_prefetch = 0 : i64, scratch_operands = 7 : i64, tpu.core_type = #tpu.core_type<sc_vector_subcore>, window_params = [{transform_indices = #map}, {transform_indices = #map1}, {transform_indices = #map1}]} {
    %mul3A = arith.constant 2 : i32
    %mul3A_0 = arith.muli %arg1, %mul3A : i32
    %add3A = arith.addi %mul3A_0, %arg0 : i32
    %mul3A_1 = arith.constant 1024 : i32
    %mul3A_2 = arith.muli %add3A, %mul3A_1 : i32
    %iota3A = tpu.iota {dimensions = array<i32: 0>} : vector<16xi32>
    %xor3A = arith.constant 8 : i32
    %xor3A_3 = vector.broadcast %xor3A : i32 to vector<16xi32>
    %xor3A_4 = arith.xori %iota3A, %xor3A_3 : vector<16xi32>
    %add3A_5 = arith.constant 0 : i32
    %add3A_6 = arith.addi %mul3A_2, %add3A_5 : i32
    %multiple_of3A = tpu.assume_multiple %add3A_6, 8 : i32
    %dma_start3A = arith.constant 0 : i32
    %dma_start3A_7 = tpu.memref_slice %arg2[%multiple_of3A, %dma_start3A] : memref<32768x768xf32, #tpu.memory_space<hbm>> -> memref<64x768xf32, #tpu.memory_space<hbm>>
    %dma_start3A_8 = arith.constant 0 : i32
    %dma_start3A_9 = tpu.memref_slice %arg2[%multiple_of3A, %dma_start3A_8] : memref<32768x768xf32, #tpu.memory_space<hbm>> -> memref<64x768xf32, #tpu.memory_space<hbm>>
    tpu.enqueue_dma source(%dma_start3A_9 : memref<64x768xf32, #tpu.memory_space<hbm>>) target(%arg5 : memref<64x768xf32, #tpu.memory_space<vmem>>) target_semaphore(%arg10 : memref<!tpu.dma_semaphore, #tpu.memory_space<semaphore_mem>>)
    %scan3A = arith.constant 0 : i32
    %scan3A_10 = arith.constant 0 : i32
    %scan3A_11 = arith.constant 8 : i32
    %scan3A_12 = arith.addi %scan3A_10, %scan3A_11 : i32
    %scan3A_13 = arith.constant 1 : i32
    %scan3A_14 = scf.for %scan3A_17 = %scan3A_10 to %scan3A_12 step %scan3A_13 iter_args(%scan3A_18 = %scan3A) -> (i32)  : i32 {
      %mul3A_19 = arith.constant 2 : i32
      %mul3A_20 = arith.muli %scan3A_17, %mul3A_19 : i32
      %add3A_21 = arith.constant 1 : i32
      %add3A_22 = arith.addi %mul3A_20, %add3A_21 : i32
      %mul3A_23 = arith.constant 64 : i32
      %mul3A_24 = arith.muli %add3A_22, %mul3A_23 : i32
      %add3A_25 = arith.addi %mul3A_2, %mul3A_24 : i32
      %multiple_of3A_26 = tpu.assume_multiple %add3A_25, 8 : i32
      %dma_start3A_27 = arith.constant 0 : i32
      %dma_start3A_28 = tpu.memref_slice %arg2[%multiple_of3A_26, %dma_start3A_27] : memref<32768x768xf32, #tpu.memory_space<hbm>> -> memref<64x768xf32, #tpu.memory_space<hbm>>
      %dma_start3A_29 = arith.constant 0 : i32
      %dma_start3A_30 = tpu.memref_slice %arg2[%multiple_of3A_26, %dma_start3A_29] : memref<32768x768xf32, #tpu.memory_space<hbm>> -> memref<64x768xf32, #tpu.memory_space<hbm>>
      tpu.enqueue_dma source(%dma_start3A_30 : memref<64x768xf32, #tpu.memory_space<hbm>>) target(%arg6 : memref<64x768xf32, #tpu.memory_space<vmem>>) target_semaphore(%arg11 : memref<!tpu.dma_semaphore, #tpu.memory_space<semaphore_mem>>)
      %dma_wait3A = arith.constant 0 : i32
      %dma_wait3A_31 = arith.constant 0 : i32
      %dma_wait3A_32 = tpu.memref_slice %arg2[%dma_wait3A, %dma_wait3A_31] : memref<32768x768xf32, #tpu.memory_space<hbm>> -> memref<64x768xf32, #tpu.memory_space<hbm>>
      %dma_wait3A_33 = arith.constant 0 : i32
      %dma_wait3A_34 = arith.constant 0 : i32
      %dma_wait3A_35 = tpu.memref_slice %arg2[%dma_wait3A_33, %dma_wait3A_34] : memref<32768x768xf32, #tpu.memory_space<hbm>> -> memref<64x768xf32, #tpu.memory_space<hbm>>
      tpu.wait_dma2 semaphore(%arg10 : memref<!tpu.dma_semaphore, #tpu.memory_space<semaphore_mem>>) src(%dma_wait3A_35 : memref<64x768xf32, #tpu.memory_space<hbm>>) dst(%arg5 : memref<64x768xf32, #tpu.memory_space<vmem>>)
      %parallel_loop3A = arith.constant 0 : i32
      %parallel_loop3A_36 = arith.constant 64 : i32
      %parallel_loop3A_37 = arith.constant 1 : i32
      scf.for %parallel_loop3A_66 = %parallel_loop3A to %parallel_loop3A_36 step %parallel_loop3A_37  : i32 {
        %parallel_loop3A_67 = arith.index_cast %parallel_loop3A_66 : i32 to index
        %parallel_loop3A_68 = arith.constant 0 : index
        %parallel_loop3A_69 = tpu.vector_load %arg5[%parallel_loop3A_67, %parallel_loop3A_68] {strides = array<i32>} : memref<64x768xf32, #tpu.memory_space<vmem>>, vector<16xf32>,
        %parallel_loop3A_70 = arith.index_cast %parallel_loop3A_66 : i32 to index
        %parallel_loop3A_71 = arith.constant 128 : index
        %parallel_loop3A_72 = tpu.vector_load %arg5[%parallel_loop3A_70, %parallel_loop3A_71] {strides = array<i32>} : memref<64x768xf32, #tpu.memory_space<vmem>>, vector<16xf32>,
        %parallel_loop3A_73 = arith.addf %parallel_loop3A_69, %parallel_loop3A_72 : vector<16xf32>
        %parallel_loop3A_74 = arith.constant 0 : i32
        %parallel_loop3A_75 = vector.broadcast %parallel_loop3A_74 : i32 to vector<16xi32>
        %parallel_loop3A_76 = arith.cmpi slt, %xor3A_4, %parallel_loop3A_75 : vector<16xi32>
        %parallel_loop3A_77 = arith.constant 16 : i32
        %parallel_loop3A_78 = vector.broadcast %parallel_loop3A_77 : i32 to vector<16xi32>
        %parallel_loop3A_79 = arith.addi %xor3A_4, %parallel_loop3A_78 : vector<16xi32>
        %parallel_loop3A_80 = arith.select %parallel_loop3A_76, %parallel_loop3A_79, %xor3A_4 : vector<16xi1>, vector<16xi32>
        %parallel_loop3A_81 = vector.shape_cast %parallel_loop3A_80 : vector<16xi32> to vector<16x1xi32>
        %parallel_loop3A_82 = vector.shape_cast %parallel_loop3A_81 : vector<16x1xi32> to vector<16xi32>
        %parallel_loop3A_83 = tpu.dynamic_gather %parallel_loop3A_73[%parallel_loop3A_82] in [0] : vector<16xf32>, vector<16xi32> -> vector<16xf32>
        %parallel_loop3A_84 = arith.addf %parallel_loop3A_73, %parallel_loop3A_83 : vector<16xf32>
        %parallel_loop3A_85 = arith.index_cast %parallel_loop3A_66 : i32 to index
        %parallel_loop3A_86 = arith.constant 16 : index
        %parallel_loop3A_87 = tpu.vector_load %arg5[%parallel_loop3A_85, %parallel_loop3A_86] {strides = array<i32>} : memref<64x768xf32, #tpu.memory_space<vmem>>, vector<16xf32>,
        %parallel_loop3A_88 = arith.index_cast %parallel_loop3A_66 : i32 to index
        %parallel_loop3A_89 = arith.constant 144 : index
        %parallel_loop3A_90 = tpu.vector_load %arg5[%parallel_loop3A_88, %parallel_loop3A_89] {strides = array<i32>} : memref<64x768xf32, #tpu.memory_space<vmem>>, vector<16xf32>,
        %parallel_loop3A_91 = arith.addf %parallel_loop3A_87, %parallel_loop3A_90 : vector<16xf32>
        %parallel_loop3A_92 = arith.addf %parallel_loop3A_84, %parallel_loop3A_91 : vector<16xf32>
        %parallel_loop3A_93 = arith.constant 0 : i32
        %parallel_loop3A_94 = vector.broadcast %parallel_loop3A_93 : i32 to vector<16xi32>
        %parallel_loop3A_95 = arith.cmpi slt, %xor3A_4, %parallel_loop3A_94 : vector<16xi32>
        %parallel_loop3A_96 = arith.constant 16 : i32
        %parallel_loop3A_97 = vector.broadcast %parallel_loop3A_96 : i32 to vector<16xi32>
        %parallel_loop3A_98 = arith.addi %xor3A_4, %parallel_loop3A_97 : vector<16xi32>
        %parallel_loop3A_99 = arith.select %parallel_loop3A_95, %parallel_loop3A_98, %xor3A_4 : vector<16xi1>, vector<16xi32>
        %parallel_loop3A_100 = vector.shape_cast %parallel_loop3A_99 : vector<16xi32> to vector<16x1xi32>
        %parallel_loop3A_101 = vector.shape_cast %parallel_loop3A_100 : vector<16x1xi32> to vector<16xi32>
        %parallel_loop3A_102 = tpu.dynamic_gather %parallel_loop3A_91[%parallel_loop3A_101] in [0] : vector<16xf32>, vector<16xi32> -> vector<16xf32>
        %parallel_loop3A_103 = arith.addf %parallel_loop3A_92, %parallel_loop3A_102 : vector<16xf32>
        %parallel_loop3A_104 = arith.index_cast %parallel_loop3A_66 : i32 to index
        %parallel_loop3A_105 = arith.constant 32 : index
        %parallel_loop3A_106 = tpu.vector_load %arg5[%parallel_loop3A_104, %parallel_loop3A_105] {strides = array<i32>} : memref<64x768xf32, #tpu.memory_space<vmem>>, vector<16xf32>,
        %parallel_loop3A_107 = arith.index_cast %parallel_loop3A_66 : i32 to index
        %parallel_loop3A_108 = arith.constant 160 : index
        %parallel_loop3A_109 = tpu.vector_load %arg5[%parallel_loop3A_107, %parallel_loop3A_108] {strides = array<i32>} : memref<64x768xf32, #tpu.memory_space<vmem>>, vector<16xf32>,
        %parallel_loop3A_110 = arith.addf %parallel_loop3A_106, %parallel_loop3A_109 : vector<16xf32>
        %parallel_loop3A_111 = arith.addf %parallel_loop3A_103, %parallel_loop3A_110 : vector<16xf32>
        %parallel_loop3A_112 = arith.constant 0 : i32
        %parallel_loop3A_113 = vector.broadcast %parallel_loop3A_112 : i32 to vector<16xi32>
        %parallel_loop3A_114 = arith.cmpi slt, %xor3A_4, %parallel_loop3A_113 : vector<16xi32>
        %parallel_loop3A_115 = arith.constant 16 : i32
        %parallel_loop3A_116 = vector.broadcast %parallel_loop3A_115 : i32 to vector<16xi32>
        %parallel_loop3A_117 = arith.addi %xor3A_4, %parallel_loop3A_116 : vector<16xi32>
        %parallel_loop3A_118 = arith.select %parallel_loop3A_114, %parallel_loop3A_117, %xor3A_4 : vector<16xi1>, vector<16xi32>
        %parallel_loop3A_119 = vector.shape_cast %parallel_loop3A_118 : vector<16xi32> to vector<16x1xi32>
        %parallel_loop3A_120 = vector.shape_cast %parallel_loop3A_119 : vector<16x1xi32> to vector<16xi32>
        %parallel_loop3A_121 = tpu.dynamic_gather %parallel_loop3A_110[%parallel_loop3A_120] in [0] : vector<16xf32>, vector<16xi32> -> vector<16xf32>
        %parallel_loop3A_122 = arith.addf %parallel_loop3A_111, %parallel_loop3A_121 : vector<16xf32>
        %parallel_loop3A_123 = arith.index_cast %parallel_loop3A_66 : i32 to index
        %parallel_loop3A_124 = arith.constant 48 : index
        %parallel_loop3A_125 = tpu.vector_load %arg5[%parallel_loop3A_123, %parallel_loop3A_124] {strides = array<i32>} : memref<64x768xf32, #tpu.memory_space<vmem>>, vector<16xf32>,
        %parallel_loop3A_126 = arith.index_cast %parallel_loop3A_66 : i32 to index
        %parallel_loop3A_127 = arith.constant 176 : index
        %parallel_loop3A_128 = tpu.vector_load %arg5[%parallel_loop3A_126, %parallel_loop3A_127] {strides = array<i32>} : memref<64x768xf32, #tpu.memory_space<vmem>>, vector<16xf32>,
        %parallel_loop3A_129 = arith.addf %parallel_loop3A_125, %parallel_loop3A_128 : vector<16xf32>
        %parallel_loop3A_130 = arith.addf %parallel_loop3A_122, %parallel_loop3A_129 : vector<16xf32>
        %parallel_loop3A_131 = arith.constant 0 : i32
        %parallel_loop3A_132 = vector.broadcast %parallel_loop3A_131 : i32 to vector<16xi32>
        %parallel_loop3A_133 = arith.cmpi slt, %xor3A_4, %parallel_loop3A_132 : vector<16xi32>
        %parallel_loop3A_134 = arith.constant 16 : i32
        %parallel_loop3A_135 = vector.broadcast %parallel_loop3A_134 : i32 to vector<16xi32>
        %parallel_loop3A_136 = arith.addi %xor3A_4, %parallel_loop3A_135 : vector<16xi32>
        %parallel_loop3A_137 = arith.select %parallel_loop3A_133, %parallel_loop3A_136, %xor3A_4 : vector<16xi1>, vector<16xi32>
        %parallel_loop3A_138 = vector.shape_cast %parallel_loop3A_137 : vector<16xi32> to vector<16x1xi32>
        %parallel_loop3A_139 = vector.shape_cast %parallel_loop3A_138 : vector<16x1xi32> to vector<16xi32>
        %parallel_loop3A_140 = tpu.dynamic_gather %parallel_loop3A_129[%parallel_loop3A_139] in [0] : vector<16xf32>, vector<16xi32> -> vector<16xf32>
        %parallel_loop3A_141 = arith.addf %parallel_loop3A_130, %parallel_loop3A_140 : vector<16xf32>
        %parallel_loop3A_142 = arith.index_cast %parallel_loop3A_66 : i32 to index
        %parallel_loop3A_143 = arith.constant 64 : index
        %parallel_loop3A_144 = tpu.vector_load %arg5[%parallel_loop3A_142, %parallel_loop3A_143] {strides = array<i32>} : memref<64x768xf32, #tpu.memory_space<vmem>>, vector<16xf32>,
        %parallel_loop3A_145 = arith.index_cast %parallel_loop3A_66 : i32 to index
        %parallel_loop3A_146 = arith.constant 192 : index
        %parallel_loop3A_147 = tpu.vector_load %arg5[%parallel_loop3A_145, %parallel_loop3A_146] {strides = array<i32>} : memref<64x768xf32, #tpu.memory_space<vmem>>, vector<16xf32>,
        %parallel_loop3A_148 = arith.addf %parallel_loop3A_144, %parallel_loop3A_147 : vector<16xf32>
        %parallel_loop3A_149 = arith.addf %parallel_loop3A_141, %parallel_loop3A_148 : vector<16xf32>
        %parallel_loop3A_150 = arith.constant 0 : i32
        %parallel_loop3A_151 = vector.broadcast %parallel_loop3A_150 : i32 to vector<16xi32>
        %parallel_loop3A_152 = arith.cmpi slt, %xor3A_4, %parallel_loop3A_151 : vector<16xi32>
        %parallel_loop3A_153 = arith.constant 16 : i32
        %parallel_loop3A_154 = vector.broadcast %parallel_loop3A_153 : i32 to vector<16xi32>
        %parallel_loop3A_155 = arith.addi %xor3A_4, %parallel_loop3A_154 : vector<16xi32>
        %parallel_loop3A_156 = arith.select %parallel_loop3A_152, %parallel_loop3A_155, %xor3A_4 : vector<16xi1>, vector<16xi32>
        %parallel_loop3A_157 = vector.shape_cast %parallel_loop3A_156 : vector<16xi32> to vector<16x1xi32>
        %parallel_loop3A_158 = vector.shape_cast %parallel_loop3A_157 : vector<16x1xi32> to vector<16xi32>
        %parallel_loop3A_159 = tpu.dynamic_gather %parallel_loop3A_148[%parallel_loop3A_158] in [0] : vector<16xf32>, vector<16xi32> -> vector<16xf32>
        %parallel_loop3A_160 = arith.addf %parallel_loop3A_149, %parallel_loop3A_159 : vector<16xf32>
        %parallel_loop3A_161 = arith.index_cast %parallel_loop3A_66 : i32 to index
        %parallel_loop3A_162 = arith.constant 80 : index
        %parallel_loop3A_163 = tpu.vector_load %arg5[%parallel_loop3A_161, %parallel_loop3A_162] {strides = array<i32>} : memref<64x768xf32, #tpu.memory_space<vmem>>, vector<16xf32>,
        %parallel_loop3A_164 = arith.index_cast %parallel_loop3A_66 : i32 to index
        %parallel_loop3A_165 = arith.constant 208 : index
        %parallel_loop3A_166 = tpu.vector_load %arg5[%parallel_loop3A_164, %parallel_loop3A_165] {strides = array<i32>} : memref<64x768xf32, #tpu.memory_space<vmem>>, vector<16xf32>,
        %parallel_loop3A_167 = arith.addf %parallel_loop3A_163, %parallel_loop3A_166 : vector<16xf32>
        %parallel_loop3A_168 = arith.addf %parallel_loop3A_160, %parallel_loop3A_167 : vector<16xf32>
        %parallel_loop3A_169 = arith.constant 0 : i32
        %parallel_loop3A_170 = vector.broadcast %parallel_loop3A_169 : i32 to vector<16xi32>
        %parallel_loop3A_171 = arith.cmpi slt, %xor3A_4, %parallel_loop3A_170 : vector<16xi32>
        %parallel_loop3A_172 = arith.constant 16 : i32
        %parallel_loop3A_173 = vector.broadcast %parallel_loop3A_172 : i32 to vector<16xi32>
        %parallel_loop3A_174 = arith.addi %xor3A_4, %parallel_loop3A_173 : vector<16xi32>
        %parallel_loop3A_175 = arith.select %parallel_loop3A_171, %parallel_loop3A_174, %xor3A_4 : vector<16xi1>, vector<16xi32>
        %parallel_loop3A_176 = vector.shape_cast %parallel_loop3A_175 : vector<16xi32> to vector<16x1xi32>
        %parallel_loop3A_177 = vector.shape_cast %parallel_loop3A_176 : vector<16x1xi32> to vector<16xi32>
        %parallel_loop3A_178 = tpu.dynamic_gather %parallel_loop3A_167[%parallel_loop3A_177] in [0] : vector<16xf32>, vector<16xi32> -> vector<16xf32>
        %parallel_loop3A_179 = arith.addf %parallel_loop3A_168, %parallel_loop3A_178 : vector<16xf32>
        %parallel_loop3A_180 = arith.index_cast %parallel_loop3A_66 : i32 to index
        %parallel_loop3A_181 = arith.constant 96 : index
        %parallel_loop3A_182 = tpu.vector_load %arg5[%parallel_loop3A_180, %parallel_loop3A_181] {strides = array<i32>} : memref<64x768xf32, #tpu.memory_space<vmem>>, vector<16xf32>,
        %parallel_loop3A_183 = arith.index_cast %parallel_loop3A_66 : i32 to index
        %parallel_loop3A_184 = arith.constant 224 : index
        %parallel_loop3A_185 = tpu.vector_load %arg5[%parallel_loop3A_183, %parallel_loop3A_184] {strides = array<i32>} : memref<64x768xf32, #tpu.memory_space<vmem>>, vector<16xf32>,
        %parallel_loop3A_186 = arith.addf %parallel_loop3A_182, %parallel_loop3A_185 : vector<16xf32>
        %parallel_loop3A_187 = arith.addf %parallel_loop3A_179, %parallel_loop3A_186 : vector<16xf32>
        %parallel_loop3A_188 = arith.constant 0 : i32
        %parallel_loop3A_189 = vector.broadcast %parallel_loop3A_188 : i32 to vector<16xi32>
        %parallel_loop3A_190 = arith.cmpi slt, %xor3A_4, %parallel_loop3A_189 : vector<16xi32>
        %parallel_loop3A_191 = arith.constant 16 : i32
        %parallel_loop3A_192 = vector.broadcast %parallel_loop3A_191 : i32 to vector<16xi32>
        %parallel_loop3A_193 = arith.addi %xor3A_4, %parallel_loop3A_192 : vector<16xi32>
        %parallel_loop3A_194 = arith.select %parallel_loop3A_190, %parallel_loop3A_193, %xor3A_4 : vector<16xi1>, vector<16xi32>
        %parallel_loop3A_195 = vector.shape_cast %parallel_loop3A_194 : vector<16xi32> to vector<16x1xi32>
        %parallel_loop3A_196 = vector.shape_cast %parallel_loop3A_195 : vector<16x1xi32> to vector<16xi32>
        %parallel_loop3A_197 = tpu.dynamic_gather %parallel_loop3A_186[%parallel_loop3A_196] in [0] : vector<16xf32>, vector<16xi32> -> vector<16xf32>
        %parallel_loop3A_198 = arith.addf %parallel_loop3A_187, %parallel_loop3A_197 : vector<16xf32>
        %parallel_loop3A_199 = arith.index_cast %parallel_loop3A_66 : i32 to index
        %parallel_loop3A_200 = arith.constant 112 : index
        %parallel_loop3A_201 = tpu.vector_load %arg5[%parallel_loop3A_199, %parallel_loop3A_200] {strides = array<i32>} : memref<64x768xf32, #tpu.memory_space<vmem>>, vector<16xf32>,
        %parallel_loop3A_202 = arith.index_cast %parallel_loop3A_66 : i32 to index
        %parallel_loop3A_203 = arith.constant 240 : index
        %parallel_loop3A_204 = tpu.vector_load %arg5[%parallel_loop3A_202, %parallel_loop3A_203] {strides = array<i32>} : memref<64x768xf32, #tpu.memory_space<vmem>>, vector<16xf32>,
        %parallel_loop3A_205 = arith.addf %parallel_loop3A_201, %parallel_loop3A_204 : vector<16xf32>
        %parallel_loop3A_206 = arith.addf %parallel_loop3A_198, %parallel_loop3A_205 : vector<16xf32>
        %parallel_loop3A_207 = arith.constant 0 : i32
        %parallel_loop3A_208 = vector.broadcast %parallel_loop3A_207 : i32 to vector<16xi32>
        %parallel_loop3A_209 = arith.cmpi slt, %xor3A_4, %parallel_loop3A_208 : vector<16xi32>
        %parallel_loop3A_210 = arith.constant 16 : i32
        %parallel_loop3A_211 = vector.broadcast %parallel_loop3A_210 : i32 to vector<16xi32>
        %parallel_loop3A_212 = arith.addi %xor3A_4, %parallel_loop3A_211 : vector<16xi32>
        %parallel_loop3A_213 = arith.select %parallel_loop3A_209, %parallel_loop3A_212, %xor3A_4 : vector<16xi1>, vector<16xi32>
        %parallel_loop3A_214 = vector.shape_cast %parallel_loop3A_213 : vector<16xi32> to vector<16x1xi32>
        %parallel_loop3A_215 = vector.shape_cast %parallel_loop3A_214 : vector<16x1xi32> to vector<16xi32>
        %parallel_loop3A_216 = tpu.dynamic_gather %parallel_loop3A_205[%parallel_loop3A_215] in [0] : vector<16xf32>, vector<16xi32> -> vector<16xf32>
        %parallel_loop3A_217 = arith.addf %parallel_loop3A_206, %parallel_loop3A_216 : vector<16xf32>
        %parallel_loop3A_218 = arith.constant 3 : i32
        %parallel_loop3A_219 = arith.muli %parallel_loop3A_66, %parallel_loop3A_218 : i32
        %parallel_loop3A_220 = arith.constant 0 : i32
        %parallel_loop3A_221 = arith.addi %parallel_loop3A_219, %parallel_loop3A_220 : i32
        %parallel_loop3A_222 = arith.constant 16 : i32
        %parallel_loop3A_223 = arith.muli %parallel_loop3A_221, %parallel_loop3A_222 : i32
        %parallel_loop3A_224 = arith.index_cast %parallel_loop3A_223 : i32 to index
        %parallel_loop3A_225 = tpu.vector_load %arg7[%parallel_loop3A_224] {strides = array<i32>} : memref<3072xf32, #tpu.memory_space<vmem>>, vector<16xf32>,
        tpu.vector_store %arg7[%parallel_loop3A_224], %parallel_loop3A_217 {strides = array<i32>} : memref<3072xf32, #tpu.memory_space<vmem>>, vector<16xf32>,
        %parallel_loop3A_226 = arith.index_cast %parallel_loop3A_66 : i32 to index
        %parallel_loop3A_227 = arith.constant 256 : index
        %parallel_loop3A_228 = tpu.vector_load %arg5[%parallel_loop3A_226, %parallel_loop3A_227] {strides = array<i32>} : memref<64x768xf32, #tpu.memory_space<vmem>>, vector<16xf32>,
        %parallel_loop3A_229 = arith.index_cast %parallel_loop3A_66 : i32 to index
        %parallel_loop3A_230 = arith.constant 384 : index
        %parallel_loop3A_231 = tpu.vector_load %arg5[%parallel_loop3A_229, %parallel_loop3A_230] {strides = array<i32>} : memref<64x768xf32, #tpu.memory_space<vmem>>, vector<16xf32>,
        %parallel_loop3A_232 = arith.addf %parallel_loop3A_228, %parallel_loop3A_231 : vector<16xf32>
        %parallel_loop3A_233 = arith.constant 0 : i32
        %parallel_loop3A_234 = vector.broadcast %parallel_loop3A_233 : i32 to vector<16xi32>
        %parallel_loop3A_235 = arith.cmpi slt, %xor3A_4, %parallel_loop3A_234 : vector<16xi32>
        %parallel_loop3A_236 = arith.constant 16 : i32
        %parallel_loop3A_237 = vector.broadcast %parallel_loop3A_236 : i32 to vector<16xi32>
        %parallel_loop3A_238 = arith.addi %xor3A_4, %parallel_loop3A_237 : vector<16xi32>
        %parallel_loop3A_239 = arith.select %parallel_loop3A_235, %parallel_loop3A_238, %xor3A_4 : vector<16xi1>, vector<16xi32>
        %parallel_loop3A_240 = vector.shape_cast %parallel_loop3A_239 : vector<16xi32> to vector<16x1xi32>
        %parallel_loop3A_241 = vector.shape_cast %parallel_loop3A_240 : vector<16x1xi32> to vector<16xi32>
        %parallel_loop3A_242 = tpu.dynamic_gather %parallel_loop3A_232[%parallel_loop3A_241] in [0] : vector<16xf32>, vector<16xi32> -> vector<16xf32>
        %parallel_loop3A_243 = arith.addf %parallel_loop3A_232, %parallel_loop3A_242 : vector<16xf32>
        %parallel_loop3A_244 = arith.index_cast %parallel_loop3A_66 : i32 to index
        %parallel_loop3A_245 = arith.constant 272 : index
        %parallel_loop3A_246 = tpu.vector_load %arg5[%parallel_loop3A_244, %parallel_loop3A_245] {strides = array<i32>} : memref<64x768xf32, #tpu.memory_space<vmem>>, vector<16xf32>,
        %parallel_loop3A_247 = arith.index_cast %parallel_loop3A_66 : i32 to index
        %parallel_loop3A_248 = arith.constant 400 : index
        %parallel_loop3A_249 = tpu.vector_load %arg5[%parallel_loop3A_247, %parallel_loop3A_248] {strides = array<i32>} : memref<64x768xf32, #tpu.memory_space<vmem>>, vector<16xf32>,
        %parallel_loop3A_250 = arith.addf %parallel_loop3A_246, %parallel_loop3A_249 : vector<16xf32>
        %parallel_loop3A_251 = arith.addf %parallel_loop3A_243, %parallel_loop3A_250 : vector<16xf32>
        %parallel_loop3A_252 = arith.constant 0 : i32
        %parallel_loop3A_253 = vector.broadcast %parallel_loop3A_252 : i32 to vector<16xi32>
        %parallel_loop3A_254 = arith.cmpi slt, %xor3A_4, %parallel_loop3A_253 : vector<16xi32>
        %parallel_loop3A_255 = arith.constant 16 : i32
        %parallel_loop3A_256 = vector.broadcast %parallel_loop3A_255 : i32 to vector<16xi32>
        %parallel_loop3A_257 = arith.addi %xor3A_4, %parallel_loop3A_256 : vector<16xi32>
        %parallel_loop3A_258 = arith.select %parallel_loop3A_254, %parallel_loop3A_257, %xor3A_4 : vector<16xi1>, vector<16xi32>
        %parallel_loop3A_259 = vector.shape_cast %parallel_loop3A_258 : vector<16xi32> to vector<16x1xi32>
        %parallel_loop3A_260 = vector.shape_cast %parallel_loop3A_259 : vector<16x1xi32> to vector<16xi32>
        %parallel_loop3A_261 = tpu.dynamic_gather %parallel_loop3A_250[%parallel_loop3A_260] in [0] : vector<16xf32>, vector<16xi32> -> vector<16xf32>
        %parallel_loop3A_262 = arith.addf %parallel_loop3A_251, %parallel_loop3A_261 : vector<16xf32>
        %parallel_loop3A_263 = arith.index_cast %parallel_loop3A_66 : i32 to index
        %parallel_loop3A_264 = arith.constant 288 : index
        %parallel_loop3A_265 = tpu.vector_load %arg5[%parallel_loop3A_263, %parallel_loop3A_264] {strides = array<i32>} : memref<64x768xf32, #tpu.memory_space<vmem>>, vector<16xf32>,
        %parallel_loop3A_266 = arith.index_cast %parallel_loop3A_66 : i32 to index
        %parallel_loop3A_267 = arith.constant 416 : index
        %parallel_loop3A_268 = tpu.vector_load %arg5[%parallel_loop3A_266, %parallel_loop3A_267] {strides = array<i32>} : memref<64x768xf32, #tpu.memory_space<vmem>>, vector<16xf32>,
        %parallel_loop3A_269 = arith.addf %parallel_loop3A_265, %parallel_loop3A_268 : vector<16xf32>
        %parallel_loop3A_270 = arith.addf %parallel_loop3A_262, %parallel_loop3A_269 : vector<16xf32>
        %parallel_loop3A_271 = arith.constant 0 : i32
        %parallel_loop3A_272 = vector.broadcast %parallel_loop3A_271 : i32 to vector<16xi32>
        %parallel_loop3A_273 = arith.cmpi slt, %xor3A_4, %parallel_loop3A_272 : vector<16xi32>
        %parallel_loop3A_274 = arith.constant 16 : i32
        %parallel_loop3A_275 = vector.broadcast %parallel_loop3A_274 : i32 to vector<16xi32>
        %parallel_loop3A_276 = arith.addi %xor3A_4, %parallel_loop3A_275 : vector<16xi32>
        %parallel_loop3A_277 = arith.select %parallel_loop3A_273, %parallel_loop3A_276, %xor3A_4 : vector<16xi1>, vector<16xi32>
        %parallel_loop3A_278 = vector.shape_cast %parallel_loop3A_277 : vector<16xi32> to vector<16x1xi32>
        %parallel_loop3A_279 = vector.shape_cast %parallel_loop3A_278 : vector<16x1xi32> to vector<16xi32>
        %parallel_loop3A_280 = tpu.dynamic_gather %parallel_loop3A_269[%parallel_loop3A_279] in [0] : vector<16xf32>, vector<16xi32> -> vector<16xf32>
        %parallel_loop3A_281 = arith.addf %parallel_loop3A_270, %parallel_loop3A_280 : vector<16xf32>
        %parallel_loop3A_282 = arith.index_cast %parallel_loop3A_66 : i32 to index
        %parallel_loop3A_283 = arith.constant 304 : index
        %parallel_loop3A_284 = tpu.vector_load %arg5[%parallel_loop3A_282, %parallel_loop3A_283] {strides = array<i32>} : memref<64x768xf32, #tpu.memory_space<vmem>>, vector<16xf32>,
        %parallel_loop3A_285 = arith.index_cast %parallel_loop3A_66 : i32 to index
        %parallel_loop3A_286 = arith.constant 432 : index
        %parallel_loop3A_287 = tpu.vector_load %arg5[%parallel_loop3A_285, %parallel_loop3A_286] {strides = array<i32>} : memref<64x768xf32, #tpu.memory_space<vmem>>, vector<16xf32>,
        %parallel_loop3A_288 = arith.addf %parallel_loop3A_284, %parallel_loop3A_287 : vector<16xf32>
        %parallel_loop3A_289 = arith.addf %parallel_loop3A_281, %parallel_loop3A_288 : vector<16xf32>
        %parallel_loop3A_290 = arith.constant 0 : i32
        %parallel_loop3A_291 = vector.broadcast %parallel_loop3A_290 : i32 to vector<16xi32>
        %parallel_loop3A_292 = arith.cmpi slt, %xor3A_4, %parallel_loop3A_291 : vector<16xi32>
        %parallel_loop3A_293 = arith.constant 16 : i32
        %parallel_loop3A_294 = vector.broadcast %parallel_loop3A_293 : i32 to vector<16xi32>
        %parallel_loop3A_295 = arith.addi %xor3A_4, %parallel_loop3A_294 : vector<16xi32>
        %parallel_loop3A_296 = arith.select %parallel_loop3A_292, %parallel_loop3A_295, %xor3A_4 : vector<16xi1>, vector<16xi32>
        %parallel_loop3A_297 = vector.shape_cast %parallel_loop3A_296 : vector<16xi32> to vector<16x1xi32>
        %parallel_loop3A_298 = vector.shape_cast %parallel_loop3A_297 : vector<16x1xi32> to vector<16xi32>
        %parallel_loop3A_299 = tpu.dynamic_gather %parallel_loop3A_288[%parallel_loop3A_298] in [0] : vector<16xf32>, vector<16xi32> -> vector<16xf32>
        %parallel_loop3A_300 = arith.addf %parallel_loop3A_289, %parallel_loop3A_299 : vector<16xf32>
        %parallel_loop3A_301 = arith.index_cast %parallel_loop3A_66 : i32 to index
        %parallel_loop3A_302 = arith.constant 320 : index
        %parallel_loop3A_303 = tpu.vector_load %arg5[%parallel_loop3A_301, %parallel_loop3A_302] {strides = array<i32>} : memref<64x768xf32, #tpu.memory_space<vmem>>, vector<16xf32>,
        %parallel_loop3A_304 = arith.index_cast %parallel_loop3A_66 : i32 to index
        %parallel_loop3A_305 = arith.constant 448 : index
        %parallel_loop3A_306 = tpu.vector_load %arg5[%parallel_loop3A_304, %parallel_loop3A_305] {strides = array<i32>} : memref<64x768xf32, #tpu.memory_space<vmem>>, vector<16xf32>,
        %parallel_loop3A_307 = arith.addf %parallel_loop3A_303, %parallel_loop3A_306 : vector<16xf32>
        %parallel_loop3A_308 = arith.addf %parallel_loop3A_300, %parallel_loop3A_307 : vector<16xf32>
        %parallel_loop3A_309 = arith.constant 0 : i32
        %parallel_loop3A_310 = vector.broadcast %parallel_loop3A_309 : i32 to vector<16xi32>
        %parallel_loop3A_311 = arith.cmpi slt, %xor3A_4, %parallel_loop3A_310 : vector<16xi32>
        %parallel_loop3A_312 = arith.constant 16 : i32
        %parallel_loop3A_313 = vector.broadcast %parallel_loop3A_312 : i32 to vector<16xi32>
        %parallel_loop3A_314 = arith.addi %xor3A_4, %parallel_loop3A_313 : vector<16xi32>
        %parallel_loop3A_315 = arith.select %parallel_loop3A_311, %parallel_loop3A_314, %xor3A_4 : vector<16xi1>, vector<16xi32>
        %parallel_loop3A_316 = vector.shape_cast %parallel_loop3A_315 : vector<16xi32> to vector<16x1xi32>
        %parallel_loop3A_317 = vector.shape_cast %parallel_loop3A_316 : vector<16x1xi32> to vector<16xi32>
        %parallel_loop3A_318 = tpu.dynamic_gather %parallel_loop3A_307[%parallel_loop3A_317] in [0] : vector<16xf32>, vector<16xi32> -> vector<16xf32>
        %parallel_loop3A_319 = arith.addf %parallel_loop3A_308, %parallel_loop3A_318 : vector<16xf32>
        %parallel_loop3A_320 = arith.index_cast %parallel_loop3A_66 : i32 to index
        %parallel_loop3A_321 = arith.constant 336 : index
        %parallel_loop3A_322 = tpu.vector_load %arg5[%parallel_loop3A_320, %parallel_loop3A_321] {strides = array<i32>} : memref<64x768xf32, #tpu.memory_space<vmem>>, vector<16xf32>,
        %parallel_loop3A_323 = arith.index_cast %parallel_loop3A_66 : i32 to index
        %parallel_loop3A_324 = arith.constant 464 : index
        %parallel_loop3A_325 = tpu.vector_load %arg5[%parallel_loop3A_323, %parallel_loop3A_324] {strides = array<i32>} : memref<64x768xf32, #tpu.memory_space<vmem>>, vector<16xf32>,
        %parallel_loop3A_326 = arith.addf %parallel_loop3A_322, %parallel_loop3A_325 : vector<16xf32>
        %parallel_loop3A_327 = arith.addf %parallel_loop3A_319, %parallel_loop3A_326 : vector<16xf32>
        %parallel_loop3A_328 = arith.constant 0 : i32
        %parallel_loop3A_329 = vector.broadcast %parallel_loop3A_328 : i32 to vector<16xi32>
        %parallel_loop3A_330 = arith.cmpi slt, %xor3A_4, %parallel_loop3A_329 : vector<16xi32>
        %parallel_loop3A_331 = arith.constant 16 : i32
        %parallel_loop3A_332 = vector.broadcast %parallel_loop3A_331 : i32 to vector<16xi32>
        %parallel_loop3A_333 = arith.addi %xor3A_4, %parallel_loop3A_332 : vector<16xi32>
        %parallel_loop3A_334 = arith.select %parallel_loop3A_330, %parallel_loop3A_333, %xor3A_4 : vector<16xi1>, vector<16xi32>
        %parallel_loop3A_335 = vector.shape_cast %parallel_loop3A_334 : vector<16xi32> to vector<16x1xi32>
        %parallel_loop3A_336 = vector.shape_cast %parallel_loop3A_335 : vector<16x1xi32> to vector<16xi32>
        %parallel_loop3A_337 = tpu.dynamic_gather %parallel_loop3A_326[%parallel_loop3A_336] in [0] : vector<16xf32>, vector<16xi32> -> vector<16xf32>
        %parallel_loop3A_338 = arith.addf %parallel_loop3A_327, %parallel_loop3A_337 : vector<16xf32>
        %parallel_loop3A_339 = arith.index_cast %parallel_loop3A_66 : i32 to index
        %parallel_loop3A_340 = arith.constant 352 : index
        %parallel_loop3A_341 = tpu.vector_load %arg5[%parallel_loop3A_339, %parallel_loop3A_340] {strides = array<i32>} : memref<64x768xf32, #tpu.memory_space<vmem>>, vector<16xf32>,
        %parallel_loop3A_342 = arith.index_cast %parallel_loop3A_66 : i32 to index
        %parallel_loop3A_343 = arith.constant 480 : index
        %parallel_loop3A_344 = tpu.vector_load %arg5[%parallel_loop3A_342, %parallel_loop3A_343] {strides = array<i32>} : memref<64x768xf32, #tpu.memory_space<vmem>>, vector<16xf32>,
        %parallel_loop3A_345 = arith.addf %parallel_loop3A_341, %parallel_loop3A_344 : vector<16xf32>
        %parallel_loop3A_346 = arith.addf %parallel_loop3A_338, %parallel_loop3A_345 : vector<16xf32>
        %parallel_loop3A_347 = arith.constant 0 : i32
        %parallel_loop3A_348 = vector.broadcast %parallel_loop3A_347 : i32 to vector<16xi32>
        %parallel_loop3A_349 = arith.cmpi slt, %xor3A_4, %parallel_loop3A_348 : vector<16xi32>
        %parallel_loop3A_350 = arith.constant 16 : i32
        %parallel_loop3A_351 = vector.broadcast %parallel_loop3A_350 : i32 to vector<16xi32>
        %parallel_loop3A_352 = arith.addi %xor3A_4, %parallel_loop3A_351 : vector<16xi32>
        %parallel_loop3A_353 = arith.select %parallel_loop3A_349, %parallel_loop3A_352, %xor3A_4 : vector<16xi1>, vector<16xi32>
        %parallel_loop3A_354 = vector.shape_cast %parallel_loop3A_353 : vector<16xi32> to vector<16x1xi32>
        %parallel_loop3A_355 = vector.shape_cast %parallel_loop3A_354 : vector<16x1xi32> to vector<16xi32>
        %parallel_loop3A_356 = tpu.dynamic_gather %parallel_loop3A_345[%parallel_loop3A_355] in [0] : vector<16xf32>, vector<16xi32> -> vector<16xf32>
        %parallel_loop3A_357 = arith.addf %parallel_loop3A_346, %parallel_loop3A_356 : vector<16xf32>
        %parallel_loop3A_358 = arith.index_cast %parallel_loop3A_66 : i32 to index
        %parallel_loop3A_359 = arith.constant 368 : index
        %parallel_loop3A_360 = tpu.vector_load %arg5[%parallel_loop3A_358, %parallel_loop3A_359] {strides = array<i32>} : memref<64x768xf32, #tpu.memory_space<vmem>>, vector<16xf32>,
        %parallel_loop3A_361 = arith.index_cast %parallel_loop3A_66 : i32 to index
        %parallel_loop3A_362 = arith.constant 496 : index
        %parallel_loop3A_363 = tpu.vector_load %arg5[%parallel_loop3A_361, %parallel_loop3A_362] {strides = array<i32>} : memref<64x768xf32, #tpu.memory_space<vmem>>, vector<16xf32>,
        %parallel_loop3A_364 = arith.addf %parallel_loop3A_360, %parallel_loop3A_363 : vector<16xf32>
        %parallel_loop3A_365 = arith.addf %parallel_loop3A_357, %parallel_loop3A_364 : vector<16xf32>
        %parallel_loop3A_366 = arith.constant 0 : i32
        %parallel_loop3A_367 = vector.broadcast %parallel_loop3A_366 : i32 to vector<16xi32>
        %parallel_loop3A_368 = arith.cmpi slt, %xor3A_4, %parallel_loop3A_367 : vector<16xi32>
        %parallel_loop3A_369 = arith.constant 16 : i32
        %parallel_loop3A_370 = vector.broadcast %parallel_loop3A_369 : i32 to vector<16xi32>
        %parallel_loop3A_371 = arith.addi %xor3A_4, %parallel_loop3A_370 : vector<16xi32>
        %parallel_loop3A_372 = arith.select %parallel_loop3A_368, %parallel_loop3A_371, %xor3A_4 : vector<16xi1>, vector<16xi32>
        %parallel_loop3A_373 = vector.shape_cast %parallel_loop3A_372 : vector<16xi32> to vector<16x1xi32>
        %parallel_loop3A_374 = vector.shape_cast %parallel_loop3A_373 : vector<16x1xi32> to vector<16xi32>
        %parallel_loop3A_375 = tpu.dynamic_gather %parallel_loop3A_364[%parallel_loop3A_374] in [0] : vector<16xf32>, vector<16xi32> -> vector<16xf32>
        %parallel_loop3A_376 = arith.addf %parallel_loop3A_365, %parallel_loop3A_375 : vector<16xf32>
        %parallel_loop3A_377 = arith.constant 3 : i32
        %parallel_loop3A_378 = arith.muli %parallel_loop3A_66, %parallel_loop3A_377 : i32
        %parallel_loop3A_379 = arith.constant 1 : i32
        %parallel_loop3A_380 = arith.addi %parallel_loop3A_378, %parallel_loop3A_379 : i32
        %parallel_loop3A_381 = arith.constant 16 : i32
        %parallel_loop3A_382 = arith.muli %parallel_loop3A_380, %parallel_loop3A_381 : i32
        %parallel_loop3A_383 = arith.index_cast %parallel_loop3A_382 : i32 to index
        %parallel_loop3A_384 = tpu.vector_load %arg7[%parallel_loop3A_383] {strides = array<i32>} : memref<3072xf32, #tpu.memory_space<vmem>>, vector<16xf32>,
        tpu.vector_store %arg7[%parallel_loop3A_383], %parallel_loop3A_376 {strides = array<i32>} : memref<3072xf32, #tpu.memory_space<vmem>>, vector<16xf32>,
        %parallel_loop3A_385 = arith.index_cast %parallel_loop3A_66 : i32 to index
        %parallel_loop3A_386 = arith.constant 512 : index
        %parallel_loop3A_387 = tpu.vector_load %arg5[%parallel_loop3A_385, %parallel_loop3A_386] {strides = array<i32>} : memref<64x768xf32, #tpu.memory_space<vmem>>, vector<16xf32>,
        %parallel_loop3A_388 = arith.index_cast %parallel_loop3A_66 : i32 to index
        %parallel_loop3A_389 = arith.constant 640 : index
        %parallel_loop3A_390 = tpu.vector_load %arg5[%parallel_loop3A_388, %parallel_loop3A_389] {strides = array<i32>} : memref<64x768xf32, #tpu.memory_space<vmem>>, vector<16xf32>,
        %parallel_loop3A_391 = arith.addf %parallel_loop3A_387, %parallel_loop3A_390 : vector<16xf32>
        %parallel_loop3A_392 = arith.constant 0 : i32
        %parallel_loop3A_393 = vector.broadcast %parallel_loop3A_392 : i32 to vector<16xi32>
        %parallel_loop3A_394 = arith.cmpi slt, %xor3A_4, %parallel_loop3A_393 : vector<16xi32>
        %parallel_loop3A_395 = arith.constant 16 : i32
        %parallel_loop3A_396 = vector.broadcast %parallel_loop3A_395 : i32 to vector<16xi32>
        %parallel_loop3A_397 = arith.addi %xor3A_4, %parallel_loop3A_396 : vector<16xi32>
        %parallel_loop3A_398 = arith.select %parallel_loop3A_394, %parallel_loop3A_397, %xor3A_4 : vector<16xi1>, vector<16xi32>
        %parallel_loop3A_399 = vector.shape_cast %parallel_loop3A_398 : vector<16xi32> to vector<16x1xi32>
        %parallel_loop3A_400 = vector.shape_cast %parallel_loop3A_399 : vector<16x1xi32> to vector<16xi32>
        %parallel_loop3A_401 = tpu.dynamic_gather %parallel_loop3A_391[%parallel_loop3A_400] in [0] : vector<16xf32>, vector<16xi32> -> vector<16xf32>
        %parallel_loop3A_402 = arith.addf %parallel_loop3A_391, %parallel_loop3A_401 : vector<16xf32>
        %parallel_loop3A_403 = arith.index_cast %parallel_loop3A_66 : i32 to index
        %parallel_loop3A_404 = arith.constant 528 : index
        %parallel_loop3A_405 = tpu.vector_load %arg5[%parallel_loop3A_403, %parallel_loop3A_404] {strides = array<i32>} : memref<64x768xf32, #tpu.memory_space<vmem>>, vector<16xf32>,
        %parallel_loop3A_406 = arith.index_cast %parallel_loop3A_66 : i32 to index
        %parallel_loop3A_407 = arith.constant 656 : index
        %parallel_loop3A_408 = tpu.vector_load %arg5[%parallel_loop3A_406, %parallel_loop3A_407] {strides = array<i32>} : memref<64x768xf32, #tpu.memory_space<vmem>>, vector<16xf32>,
        %parallel_loop3A_409 = arith.addf %parallel_loop3A_405, %parallel_loop3A_408 : vector<16xf32>
        %parallel_loop3A_410 = arith.addf %parallel_loop3A_402, %parallel_loop3A_409 : vector<16xf32>
        %parallel_loop3A_411 = arith.constant 0 : i32
        %parallel_loop3A_412 = vector.broadcast %parallel_loop3A_411 : i32 to vector<16xi32>
        %parallel_loop3A_413 = arith.cmpi slt, %xor3A_4, %parallel_loop3A_412 : vector<16xi32>
        %parallel_loop3A_414 = arith.constant 16 : i32
        %parallel_loop3A_415 = vector.broadcast %parallel_loop3A_414 : i32 to vector<16xi32>
        %parallel_loop3A_416 = arith.addi %xor3A_4, %parallel_loop3A_415 : vector<16xi32>
        %parallel_loop3A_417 = arith.select %parallel_loop3A_413, %parallel_loop3A_416, %xor3A_4 : vector<16xi1>, vector<16xi32>
        %parallel_loop3A_418 = vector.shape_cast %parallel_loop3A_417 : vector<16xi32> to vector<16x1xi32>
        %parallel_loop3A_419 = vector.shape_cast %parallel_loop3A_418 : vector<16x1xi32> to vector<16xi32>
        %parallel_loop3A_420 = tpu.dynamic_gather %parallel_loop3A_409[%parallel_loop3A_419] in [0] : vector<16xf32>, vector<16xi32> -> vector<16xf32>
        %parallel_loop3A_421 = arith.addf %parallel_loop3A_410, %parallel_loop3A_420 : vector<16xf32>
        %parallel_loop3A_422 = arith.index_cast %parallel_loop3A_66 : i32 to index
        %parallel_loop3A_423 = arith.constant 544 : index
        %parallel_loop3A_424 = tpu.vector_load %arg5[%parallel_loop3A_422, %parallel_loop3A_423] {strides = array<i32>} : memref<64x768xf32, #tpu.memory_space<vmem>>, vector<16xf32>,
        %parallel_loop3A_425 = arith.index_cast %parallel_loop3A_66 : i32 to index
        %parallel_loop3A_426 = arith.constant 672 : index
        %parallel_loop3A_427 = tpu.vector_load %arg5[%parallel_loop3A_425, %parallel_loop3A_426] {strides = array<i32>} : memref<64x768xf32, #tpu.memory_space<vmem>>, vector<16xf32>,
        %parallel_loop3A_428 = arith.addf %parallel_loop3A_424, %parallel_loop3A_427 : vector<16xf32>
        %parallel_loop3A_429 = arith.addf %parallel_loop3A_421, %parallel_loop3A_428 : vector<16xf32>
        %parallel_loop3A_430 = arith.constant 0 : i32
        %parallel_loop3A_431 = vector.broadcast %parallel_loop3A_430 : i32 to vector<16xi32>
        %parallel_loop3A_432 = arith.cmpi slt, %xor3A_4, %parallel_loop3A_431 : vector<16xi32>
        %parallel_loop3A_433 = arith.constant 16 : i32
        %parallel_loop3A_434 = vector.broadcast %parallel_loop3A_433 : i32 to vector<16xi32>
        %parallel_loop3A_435 = arith.addi %xor3A_4, %parallel_loop3A_434 : vector<16xi32>
        %parallel_loop3A_436 = arith.select %parallel_loop3A_432, %parallel_loop3A_435, %xor3A_4 : vector<16xi1>, vector<16xi32>
        %parallel_loop3A_437 = vector.shape_cast %parallel_loop3A_436 : vector<16xi32> to vector<16x1xi32>
        %parallel_loop3A_438 = vector.shape_cast %parallel_loop3A_437 : vector<16x1xi32> to vector<16xi32>
        %parallel_loop3A_439 = tpu.dynamic_gather %parallel_loop3A_428[%parallel_loop3A_438] in [0] : vector<16xf32>, vector<16xi32> -> vector<16xf32>
        %parallel_loop3A_440 = arith.addf %parallel_loop3A_429, %parallel_loop3A_439 : vector<16xf32>
        %parallel_loop3A_441 = arith.index_cast %parallel_loop3A_66 : i32 to index
        %parallel_loop3A_442 = arith.constant 560 : index
        %parallel_loop3A_443 = tpu.vector_load %arg5[%parallel_loop3A_441, %parallel_loop3A_442] {strides = array<i32>} : memref<64x768xf32, #tpu.memory_space<vmem>>, vector<16xf32>,
        %parallel_loop3A_444 = arith.index_cast %parallel_loop3A_66 : i32 to index
        %parallel_loop3A_445 = arith.constant 688 : index
        %parallel_loop3A_446 = tpu.vector_load %arg5[%parallel_loop3A_444, %parallel_loop3A_445] {strides = array<i32>} : memref<64x768xf32, #tpu.memory_space<vmem>>, vector<16xf32>,
        %parallel_loop3A_447 = arith.addf %parallel_loop3A_443, %parallel_loop3A_446 : vector<16xf32>
        %parallel_loop3A_448 = arith.addf %parallel_loop3A_440, %parallel_loop3A_447 : vector<16xf32>
        %parallel_loop3A_449 = arith.constant 0 : i32
        %parallel_loop3A_450 = vector.broadcast %parallel_loop3A_449 : i32 to vector<16xi32>
        %parallel_loop3A_451 = arith.cmpi slt, %xor3A_4, %parallel_loop3A_450 : vector<16xi32>
        %parallel_loop3A_452 = arith.constant 16 : i32
        %parallel_loop3A_453 = vector.broadcast %parallel_loop3A_452 : i32 to vector<16xi32>
        %parallel_loop3A_454 = arith.addi %xor3A_4, %parallel_loop3A_453 : vector<16xi32>
        %parallel_loop3A_455 = arith.select %parallel_loop3A_451, %parallel_loop3A_454, %xor3A_4 : vector<16xi1>, vector<16xi32>
        %parallel_loop3A_456 = vector.shape_cast %parallel_loop3A_455 : vector<16xi32> to vector<16x1xi32>
        %parallel_loop3A_457 = vector.shape_cast %parallel_loop3A_456 : vector<16x1xi32> to vector<16xi32>
        %parallel_loop3A_458 = tpu.dynamic_gather %parallel_loop3A_447[%parallel_loop3A_457] in [0] : vector<16xf32>, vector<16xi32> -> vector<16xf32>
        %parallel_loop3A_459 = arith.addf %parallel_loop3A_448, %parallel_loop3A_458 : vector<16xf32>
        %parallel_loop3A_460 = arith.index_cast %parallel_loop3A_66 : i32 to index
        %parallel_loop3A_461 = arith.constant 576 : index
        %parallel_loop3A_462 = tpu.vector_load %arg5[%parallel_loop3A_460, %parallel_loop3A_461] {strides = array<i32>} : memref<64x768xf32, #tpu.memory_space<vmem>>, vector<16xf32>,
        %parallel_loop3A_463 = arith.index_cast %parallel_loop3A_66 : i32 to index
        %parallel_loop3A_464 = arith.constant 704 : index
        %parallel_loop3A_465 = tpu.vector_load %arg5[%parallel_loop3A_463, %parallel_loop3A_464] {strides = array<i32>} : memref<64x768xf32, #tpu.memory_space<vmem>>, vector<16xf32>,
        %parallel_loop3A_466 = arith.addf %parallel_loop3A_462, %parallel_loop3A_465 : vector<16xf32>
        %parallel_loop3A_467 = arith.addf %parallel_loop3A_459, %parallel_loop3A_466 : vector<16xf32>
        %parallel_loop3A_468 = arith.constant 0 : i32
        %parallel_loop3A_469 = vector.broadcast %parallel_loop3A_468 : i32 to vector<16xi32>
        %parallel_loop3A_470 = arith.cmpi slt, %xor3A_4, %parallel_loop3A_469 : vector<16xi32>
        %parallel_loop3A_471 = arith.constant 16 : i32
        %parallel_loop3A_472 = vector.broadcast %parallel_loop3A_471 : i32 to vector<16xi32>
        %parallel_loop3A_473 = arith.addi %xor3A_4, %parallel_loop3A_472 : vector<16xi32>
        %parallel_loop3A_474 = arith.select %parallel_loop3A_470, %parallel_loop3A_473, %xor3A_4 : vector<16xi1>, vector<16xi32>
        %parallel_loop3A_475 = vector.shape_cast %parallel_loop3A_474 : vector<16xi32> to vector<16x1xi32>
        %parallel_loop3A_476 = vector.shape_cast %parallel_loop3A_475 : vector<16x1xi32> to vector<16xi32>
        %parallel_loop3A_477 = tpu.dynamic_gather %parallel_loop3A_466[%parallel_loop3A_476] in [0] : vector<16xf32>, vector<16xi32> -> vector<16xf32>
        %parallel_loop3A_478 = arith.addf %parallel_loop3A_467, %parallel_loop3A_477 : vector<16xf32>
        %parallel_loop3A_479 = arith.index_cast %parallel_loop3A_66 : i32 to index
        %parallel_loop3A_480 = arith.constant 592 : index
        %parallel_loop3A_481 = tpu.vector_load %arg5[%parallel_loop3A_479, %parallel_loop3A_480] {strides = array<i32>} : memref<64x768xf32, #tpu.memory_space<vmem>>, vector<16xf32>,
        %parallel_loop3A_482 = arith.index_cast %parallel_loop3A_66 : i32 to index
        %parallel_loop3A_483 = arith.constant 720 : index
        %parallel_loop3A_484 = tpu.vector_load %arg5[%parallel_loop3A_482, %parallel_loop3A_483] {strides = array<i32>} : memref<64x768xf32, #tpu.memory_space<vmem>>, vector<16xf32>,
        %parallel_loop3A_485 = arith.addf %parallel_loop3A_481, %parallel_loop3A_484 : vector<16xf32>
        %parallel_loop3A_486 = arith.addf %parallel_loop3A_478, %parallel_loop3A_485 : vector<16xf32>
        %parallel_loop3A_487 = arith.constant 0 : i32
        %parallel_loop3A_488 = vector.broadcast %parallel_loop3A_487 : i32 to vector<16xi32>
        %parallel_loop3A_489 = arith.cmpi slt, %xor3A_4, %parallel_loop3A_488 : vector<16xi32>
        %parallel_loop3A_490 = arith.constant 16 : i32
        %parallel_loop3A_491 = vector.broadcast %parallel_loop3A_490 : i32 to vector<16xi32>
        %parallel_loop3A_492 = arith.addi %xor3A_4, %parallel_loop3A_491 : vector<16xi32>
        %parallel_loop3A_493 = arith.select %parallel_loop3A_489, %parallel_loop3A_492, %xor3A_4 : vector<16xi1>, vector<16xi32>
        %parallel_loop3A_494 = vector.shape_cast %parallel_loop3A_493 : vector<16xi32> to vector<16x1xi32>
        %parallel_loop3A_495 = vector.shape_cast %parallel_loop3A_494 : vector<16x1xi32> to vector<16xi32>
        %parallel_loop3A_496 = tpu.dynamic_gather %parallel_loop3A_485[%parallel_loop3A_495] in [0] : vector<16xf32>, vector<16xi32> -> vector<16xf32>
        %parallel_loop3A_497 = arith.addf %parallel_loop3A_486, %parallel_loop3A_496 : vector<16xf32>
        %parallel_loop3A_498 = arith.index_cast %parallel_loop3A_66 : i32 to index
        %parallel_loop3A_499 = arith.constant 608 : index
        %parallel_loop3A_500 = tpu.vector_load %arg5[%parallel_loop3A_498, %parallel_loop3A_499] {strides = array<i32>} : memref<64x768xf32, #tpu.memory_space<vmem>>, vector<16xf32>,
        %parallel_loop3A_501 = arith.index_cast %parallel_loop3A_66 : i32 to index
        %parallel_loop3A_502 = arith.constant 736 : index
        %parallel_loop3A_503 = tpu.vector_load %arg5[%parallel_loop3A_501, %parallel_loop3A_502] {strides = array<i32>} : memref<64x768xf32, #tpu.memory_space<vmem>>, vector<16xf32>,
        %parallel_loop3A_504 = arith.addf %parallel_loop3A_500, %parallel_loop3A_503 : vector<16xf32>
        %parallel_loop3A_505 = arith.addf %parallel_loop3A_497, %parallel_loop3A_504 : vector<16xf32>
        %parallel_loop3A_506 = arith.constant 0 : i32
        %parallel_loop3A_507 = vector.broadcast %parallel_loop3A_506 : i32 to vector<16xi32>
        %parallel_loop3A_508 = arith.cmpi slt, %xor3A_4, %parallel_loop3A_507 : vector<16xi32>
        %parallel_loop3A_509 = arith.constant 16 : i32
        %parallel_loop3A_510 = vector.broadcast %parallel_loop3A_509 : i32 to vector<16xi32>
        %parallel_loop3A_511 = arith.addi %xor3A_4, %parallel_loop3A_510 : vector<16xi32>
        %parallel_loop3A_512 = arith.select %parallel_loop3A_508, %parallel_loop3A_511, %xor3A_4 : vector<16xi1>, vector<16xi32>
        %parallel_loop3A_513 = vector.shape_cast %parallel_loop3A_512 : vector<16xi32> to vector<16x1xi32>
        %parallel_loop3A_514 = vector.shape_cast %parallel_loop3A_513 : vector<16x1xi32> to vector<16xi32>
        %parallel_loop3A_515 = tpu.dynamic_gather %parallel_loop3A_504[%parallel_loop3A_514] in [0] : vector<16xf32>, vector<16xi32> -> vector<16xf32>
        %parallel_loop3A_516 = arith.addf %parallel_loop3A_505, %parallel_loop3A_515 : vector<16xf32>
        %parallel_loop3A_517 = arith.index_cast %parallel_loop3A_66 : i32 to index
        %parallel_loop3A_518 = arith.constant 624 : index
        %parallel_loop3A_519 = tpu.vector_load %arg5[%parallel_loop3A_517, %parallel_loop3A_518] {strides = array<i32>} : memref<64x768xf32, #tpu.memory_space<vmem>>, vector<16xf32>,
        %parallel_loop3A_520 = arith.index_cast %parallel_loop3A_66 : i32 to index
        %parallel_loop3A_521 = arith.constant 752 : index
        %parallel_loop3A_522 = tpu.vector_load %arg5[%parallel_loop3A_520, %parallel_loop3A_521] {strides = array<i32>} : memref<64x768xf32, #tpu.memory_space<vmem>>, vector<16xf32>,
        %parallel_loop3A_523 = arith.addf %parallel_loop3A_519, %parallel_loop3A_522 : vector<16xf32>
        %parallel_loop3A_524 = arith.addf %parallel_loop3A_516, %parallel_loop3A_523 : vector<16xf32>
        %parallel_loop3A_525 = arith.constant 0 : i32
        %parallel_loop3A_526 = vector.broadcast %parallel_loop3A_525 : i32 to vector<16xi32>
        %parallel_loop3A_527 = arith.cmpi slt, %xor3A_4, %parallel_loop3A_526 : vector<16xi32>
        %parallel_loop3A_528 = arith.constant 16 : i32
        %parallel_loop3A_529 = vector.broadcast %parallel_loop3A_528 : i32 to vector<16xi32>
        %parallel_loop3A_530 = arith.addi %xor3A_4, %parallel_loop3A_529 : vector<16xi32>
        %parallel_loop3A_531 = arith.select %parallel_loop3A_527, %parallel_loop3A_530, %xor3A_4 : vector<16xi1>, vector<16xi32>
        %parallel_loop3A_532 = vector.shape_cast %parallel_loop3A_531 : vector<16xi32> to vector<16x1xi32>
        %parallel_loop3A_533 = vector.shape_cast %parallel_loop3A_532 : vector<16x1xi32> to vector<16xi32>
        %parallel_loop3A_534 = tpu.dynamic_gather %parallel_loop3A_523[%parallel_loop3A_533] in [0] : vector<16xf32>, vector<16xi32> -> vector<16xf32>
        %parallel_loop3A_535 = arith.addf %parallel_loop3A_524, %parallel_loop3A_534 : vector<16xf32>
        %parallel_loop3A_536 = arith.constant 3 : i32
        %parallel_loop3A_537 = arith.muli %parallel_loop3A_66, %parallel_loop3A_536 : i32
        %parallel_loop3A_538 = arith.constant 2 : i32
        %parallel_loop3A_539 = arith.addi %parallel_loop3A_537, %parallel_loop3A_538 : i32
        %parallel_loop3A_540 = arith.constant 16 : i32
        %parallel_loop3A_541 = arith.muli %parallel_loop3A_539, %parallel_loop3A_540 : i32
        %parallel_loop3A_542 = arith.index_cast %parallel_loop3A_541 : i32 to index
        %parallel_loop3A_543 = tpu.vector_load %arg7[%parallel_loop3A_542] {strides = array<i32>} : memref<3072xf32, #tpu.memory_space<vmem>>, vector<16xf32>,
        tpu.vector_store %arg7[%parallel_loop3A_542], %parallel_loop3A_535 {strides = array<i32>} : memref<3072xf32, #tpu.memory_space<vmem>>, vector<16xf32>,
      } {sc.loop_unroll_factor = 4 : i64, sc.parallel_access}
      %scan3A_38 = arith.constant 0 : i32
      %scan3A_39 = arith.constant 0 : i32
      %scan3A_40 = arith.constant 4 : i32
      %scan3A_41 = arith.addi %scan3A_39, %scan3A_40 : i32
      %scan3A_42 = arith.constant 1 : i32
      %scan3A_43 = scf.for %scan3A_66 = %scan3A_39 to %scan3A_41 step %scan3A_42 iter_args(%scan3A_67 = %scan3A_38) -> (i32)  : i32 {
        %mul3A_68 = arith.constant 16 : i32
        %mul3A_69 = arith.muli %scan3A_66, %mul3A_68 : i32
        %add3A_70 = vector.broadcast %mul3A_69 : i32 to vector<16xi32>
        %add3A_71 = arith.addi %add3A_70, %iota3A : vector<16xi32>
        %mul3A_72 = arith.constant 48 : i32
        %mul3A_73 = vector.broadcast %mul3A_72 : i32 to vector<16xi32>
        %mul3A_74 = arith.muli %add3A_71, %mul3A_73 : vector<16xi32>
        %add3A_75 = arith.constant 0 : i32
        %add3A_76 = vector.broadcast %add3A_75 : i32 to vector<16xi32>
        %add3A_77 = arith.addi %mul3A_74, %add3A_76 : vector<16xi32>
        %add3A_78 = arith.constant 0 : i32
        %add3A_79 = vector.broadcast %add3A_78 : i32 to vector<16xi32>
        %add3A_80 = arith.addi %add3A_77, %add3A_79 : vector<16xi32>
        %gather3A = tpu.vector_load_idx %arg7[%add3A_80] : memref<3072xf32, #tpu.memory_space<vmem>>[vector<16xi32>], vector<16xf32>,
        %add3A_81 = arith.constant 0 : i32
        %add3A_82 = vector.broadcast %add3A_81 : i32 to vector<16xi32>
        %add3A_83 = arith.addi %mul3A_74, %add3A_82 : vector<16xi32>
        %add3A_84 = arith.constant 1 : i32
        %add3A_85 = vector.broadcast %add3A_84 : i32 to vector<16xi32>
        %add3A_86 = arith.addi %add3A_83, %add3A_85 : vector<16xi32>
        %gather3A_87 = tpu.vector_load_idx %arg7[%add3A_86] : memref<3072xf32, #tpu.memory_space<vmem>>[vector<16xi32>], vector<16xf32>,
        %add3A_88 = arith.constant 0 : i32
        %add3A_89 = vector.broadcast %add3A_88 : i32 to vector<16xi32>
        %add3A_90 = arith.addi %mul3A_74, %add3A_89 : vector<16xi32>
        %add3A_91 = arith.constant 2 : i32
        %add3A_92 = vector.broadcast %add3A_91 : i32 to vector<16xi32>
        %add3A_93 = arith.addi %add3A_90, %add3A_92 : vector<16xi32>
        %gather3A_94 = tpu.vector_load_idx %arg7[%add3A_93] : memref<3072xf32, #tpu.memory_space<vmem>>[vector<16xi32>], vector<16xf32>,
        %add3A_95 = arith.constant 0 : i32
        %add3A_96 = vector.broadcast %add3A_95 : i32 to vector<16xi32>
        %add3A_97 = arith.addi %mul3A_74, %add3A_96 : vector<16xi32>
        %add3A_98 = arith.constant 3 : i32
        %add3A_99 = vector.broadcast %add3A_98 : i32 to vector<16xi32>
        %add3A_100 = arith.addi %add3A_97, %add3A_99 : vector<16xi32>
        %gather3A_101 = tpu.vector_load_idx %arg7[%add3A_100] : memref<3072xf32, #tpu.memory_space<vmem>>[vector<16xi32>], vector<16xf32>,
        %add3A_102 = arith.constant 0 : i32
        %add3A_103 = vector.broadcast %add3A_102 : i32 to vector<16xi32>
        %add3A_104 = arith.addi %mul3A_74, %add3A_103 : vector<16xi32>
        %add3A_105 = arith.constant 4 : i32
        %add3A_106 = vector.broadcast %add3A_105 : i32 to vector<16xi32>
        %add3A_107 = arith.addi %add3A_104, %add3A_106 : vector<16xi32>
        %gather3A_108 = tpu.vector_load_idx %arg7[%add3A_107] : memref<3072xf32, #tpu.memory_space<vmem>>[vector<16xi32>], vector<16xf32>,
        %add3A_109 = arith.constant 0 : i32
        %add3A_110 = vector.broadcast %add3A_109 : i32 to vector<16xi32>
        %add3A_111 = arith.addi %mul3A_74, %add3A_110 : vector<16xi32>
        %add3A_112 = arith.constant 5 : i32
        %add3A_113 = vector.broadcast %add3A_112 : i32 to vector<16xi32>
        %add3A_114 = arith.addi %add3A_111, %add3A_113 : vector<16xi32>
        %gather3A_115 = tpu.vector_load_idx %arg7[%add3A_114] : memref<3072xf32, #tpu.memory_space<vmem>>[vector<16xi32>], vector<16xf32>,
        %add3A_116 = arith.constant 0 : i32
        %add3A_117 = vector.broadcast %add3A_116 : i32 to vector<16xi32>
        %add3A_118 = arith.addi %mul3A_74, %add3A_117 : vector<16xi32>
        %add3A_119 = arith.constant 6 : i32
        %add3A_120 = vector.broadcast %add3A_119 : i32 to vector<16xi32>
        %add3A_121 = arith.addi %add3A_118, %add3A_120 : vector<16xi32>
        %gather3A_122 = tpu.vector_load_idx %arg7[%add3A_121] : memref<3072xf32, #tpu.memory_space<vmem>>[vector<16xi32>], vector<16xf32>,
        %add3A_123 = arith.constant 0 : i32
        %add3A_124 = vector.broadcast %add3A_123 : i32 to vector<16xi32>
        %add3A_125 = arith.addi %mul3A_74, %add3A_124 : vector<16xi32>
        %add3A_126 = arith.constant 7 : i32
        %add3A_127 = vector.broadcast %add3A_126 : i32 to vector<16xi32>
        %add3A_128 = arith.addi %add3A_125, %add3A_127 : vector<16xi32>
        %gather3A_129 = tpu.vector_load_idx %arg7[%add3A_128] : memref<3072xf32, #tpu.memory_space<vmem>>[vector<16xi32>], vector<16xf32>,
        %add3A_130 = arith.addf %gather3A, %gather3A_108 : vector<16xf32>
        %add3A_131 = arith.addf %gather3A_94, %gather3A_122 : vector<16xf32>
        %add3A_132 = arith.addf %add3A_130, %add3A_131 : vector<16xf32>
        %add3A_133 = arith.addf %gather3A_87, %gather3A_115 : vector<16xf32>
        %add3A_134 = arith.addf %gather3A_101, %gather3A_129 : vector<16xf32>
        %add3A_135 = arith.addf %add3A_133, %add3A_134 : vector<16xf32>
        %add3A_136 = arith.addf %add3A_132, %add3A_135 : vector<16xf32>
        %add3A_137 = arith.constant 16 : i32
        %add3A_138 = vector.broadcast %add3A_137 : i32 to vector<16xi32>
        %add3A_139 = arith.addi %mul3A_74, %add3A_138 : vector<16xi32>
        %add3A_140 = arith.constant 0 : i32
        %add3A_141 = vector.broadcast %add3A_140 : i32 to vector<16xi32>
        %add3A_142 = arith.addi %add3A_139, %add3A_141 : vector<16xi32>
        %gather3A_143 = tpu.vector_load_idx %arg7[%add3A_142] : memref<3072xf32, #tpu.memory_space<vmem>>[vector<16xi32>], vector<16xf32>,
        %add3A_144 = arith.constant 16 : i32
        %add3A_145 = vector.broadcast %add3A_144 : i32 to vector<16xi32>
        %add3A_146 = arith.addi %mul3A_74, %add3A_145 : vector<16xi32>
        %add3A_147 = arith.constant 1 : i32
        %add3A_148 = vector.broadcast %add3A_147 : i32 to vector<16xi32>
        %add3A_149 = arith.addi %add3A_146, %add3A_148 : vector<16xi32>
        %gather3A_150 = tpu.vector_load_idx %arg7[%add3A_149] : memref<3072xf32, #tpu.memory_space<vmem>>[vector<16xi32>], vector<16xf32>,
        %add3A_151 = arith.constant 16 : i32
        %add3A_152 = vector.broadcast %add3A_151 : i32 to vector<16xi32>
        %add3A_153 = arith.addi %mul3A_74, %add3A_152 : vector<16xi32>
        %add3A_154 = arith.constant 2 : i32
        %add3A_155 = vector.broadcast %add3A_154 : i32 to vector<16xi32>
        %add3A_156 = arith.addi %add3A_153, %add3A_155 : vector<16xi32>
        %gather3A_157 = tpu.vector_load_idx %arg7[%add3A_156] : memref<3072xf32, #tpu.memory_space<vmem>>[vector<16xi32>], vector<16xf32>,
        %add3A_158 = arith.constant 16 : i32
        %add3A_159 = vector.broadcast %add3A_158 : i32 to vector<16xi32>
        %add3A_160 = arith.addi %mul3A_74, %add3A_159 : vector<16xi32>
        %add3A_161 = arith.constant 3 : i32
        %add3A_162 = vector.broadcast %add3A_161 : i32 to vector<16xi32>
        %add3A_163 = arith.addi %add3A_160, %add3A_162 : vector<16xi32>
        %gather3A_164 = tpu.vector_load_idx %arg7[%add3A_163] : memref<3072xf32, #tpu.memory_space<vmem>>[vector<16xi32>], vector<16xf32>,
        %add3A_165 = arith.constant 16 : i32
        %add3A_166 = vector.broadcast %add3A_165 : i32 to vector<16xi32>
        %add3A_167 = arith.addi %mul3A_74, %add3A_166 : vector<16xi32>
        %add3A_168 = arith.constant 4 : i32
        %add3A_169 = vector.broadcast %add3A_168 : i32 to vector<16xi32>
        %add3A_170 = arith.addi %add3A_167, %add3A_169 : vector<16xi32>
        %gather3A_171 = tpu.vector_load_idx %arg7[%add3A_170] : memref<3072xf32, #tpu.memory_space<vmem>>[vector<16xi32>], vector<16xf32>,
        %add3A_172 = arith.constant 16 : i32
        %add3A_173 = vector.broadcast %add3A_172 : i32 to vector<16xi32>
        %add3A_174 = arith.addi %mul3A_74, %add3A_173 : vector<16xi32>
        %add3A_175 = arith.constant 5 : i32
        %add3A_176 = vector.broadcast %add3A_175 : i32 to vector<16xi32>
        %add3A_177 = arith.addi %add3A_174, %add3A_176 : vector<16xi32>
        %gather3A_178 = tpu.vector_load_idx %arg7[%add3A_177] : memref<3072xf32, #tpu.memory_space<vmem>>[vector<16xi32>], vector<16xf32>,
        %add3A_179 = arith.constant 16 : i32
        %add3A_180 = vector.broadcast %add3A_179 : i32 to vector<16xi32>
        %add3A_181 = arith.addi %mul3A_74, %add3A_180 : vector<16xi32>
        %add3A_182 = arith.constant 6 : i32
        %add3A_183 = vector.broadcast %add3A_182 : i32 to vector<16xi32>
        %add3A_184 = arith.addi %add3A_181, %add3A_183 : vector<16xi32>
        %gather3A_185 = tpu.vector_load_idx %arg7[%add3A_184] : memref<3072xf32, #tpu.memory_space<vmem>>[vector<16xi32>], vector<16xf32>,
        %add3A_186 = arith.constant 16 : i32
        %add3A_187 = vector.broadcast %add3A_186 : i32 to vector<16xi32>
        %add3A_188 = arith.addi %mul3A_74, %add3A_187 : vector<16xi32>
        %add3A_189 = arith.constant 7 : i32
        %add3A_190 = vector.broadcast %add3A_189 : i32 to vector<16xi32>
        %add3A_191 = arith.addi %add3A_188, %add3A_190 : vector<16xi32>
        %gather3A_192 = tpu.vector_load_idx %arg7[%add3A_191] : memref<3072xf32, #tpu.memory_space<vmem>>[vector<16xi32>], vector<16xf32>,
        %add3A_193 = arith.addf %gather3A_143, %gather3A_171 : vector<16xf32>
        %add3A_194 = arith.addf %gather3A_157, %gather3A_185 : vector<16xf32>
        %add3A_195 = arith.addf %add3A_193, %add3A_194 : vector<16xf32>
        %add3A_196 = arith.addf %gather3A_150, %gather3A_178 : vector<16xf32>
        %add3A_197 = arith.addf %gather3A_164, %gather3A_192 : vector<16xf32>
        %add3A_198 = arith.addf %add3A_196, %add3A_197 : vector<16xf32>
        %add3A_199 = arith.addf %add3A_195, %add3A_198 : vector<16xf32>
        %add3A_200 = arith.constant 32 : i32
        %add3A_201 = vector.broadcast %add3A_200 : i32 to vector<16xi32>
        %add3A_202 = arith.addi %mul3A_74, %add3A_201 : vector<16xi32>
        %add3A_203 = arith.constant 0 : i32
        %add3A_204 = vector.broadcast %add3A_203 : i32 to vector<16xi32>
        %add3A_205 = arith.addi %add3A_202, %add3A_204 : vector<16xi32>
        %gather3A_206 = tpu.vector_load_idx %arg7[%add3A_205] : memref<3072xf32, #tpu.memory_space<vmem>>[vector<16xi32>], vector<16xf32>,
        %add3A_207 = arith.constant 32 : i32
        %add3A_208 = vector.broadcast %add3A_207 : i32 to vector<16xi32>
        %add3A_209 = arith.addi %mul3A_74, %add3A_208 : vector<16xi32>
        %add3A_210 = arith.constant 1 : i32
        %add3A_211 = vector.broadcast %add3A_210 : i32 to vector<16xi32>
        %add3A_212 = arith.addi %add3A_209, %add3A_211 : vector<16xi32>
        %gather3A_213 = tpu.vector_load_idx %arg7[%add3A_212] : memref<3072xf32, #tpu.memory_space<vmem>>[vector<16xi32>], vector<16xf32>,
        %add3A_214 = arith.constant 32 : i32
        %add3A_215 = vector.broadcast %add3A_214 : i32 to vector<16xi32>
        %add3A_216 = arith.addi %mul3A_74, %add3A_215 : vector<16xi32>
        %add3A_217 = arith.constant 2 : i32
        %add3A_218 = vector.broadcast %add3A_217 : i32 to vector<16xi32>
        %add3A_219 = arith.addi %add3A_216, %add3A_218 : vector<16xi32>
        %gather3A_220 = tpu.vector_load_idx %arg7[%add3A_219] : memref<3072xf32, #tpu.memory_space<vmem>>[vector<16xi32>], vector<16xf32>,
        %add3A_221 = arith.constant 32 : i32
        %add3A_222 = vector.broadcast %add3A_221 : i32 to vector<16xi32>
        %add3A_223 = arith.addi %mul3A_74, %add3A_222 : vector<16xi32>
        %add3A_224 = arith.constant 3 : i32
        %add3A_225 = vector.broadcast %add3A_224 : i32 to vector<16xi32>
        %add3A_226 = arith.addi %add3A_223, %add3A_225 : vector<16xi32>
        %gather3A_227 = tpu.vector_load_idx %arg7[%add3A_226] : memref<3072xf32, #tpu.memory_space<vmem>>[vector<16xi32>], vector<16xf32>,
        %add3A_228 = arith.constant 32 : i32
        %add3A_229 = vector.broadcast %add3A_228 : i32 to vector<16xi32>
        %add3A_230 = arith.addi %mul3A_74, %add3A_229 : vector<16xi32>
        %add3A_231 = arith.constant 4 : i32
        %add3A_232 = vector.broadcast %add3A_231 : i32 to vector<16xi32>
        %add3A_233 = arith.addi %add3A_230, %add3A_232 : vector<16xi32>
        %gather3A_234 = tpu.vector_load_idx %arg7[%add3A_233] : memref<3072xf32, #tpu.memory_space<vmem>>[vector<16xi32>], vector<16xf32>,
        %add3A_235 = arith.constant 32 : i32
        %add3A_236 = vector.broadcast %add3A_235 : i32 to vector<16xi32>
        %add3A_237 = arith.addi %mul3A_74, %add3A_236 : vector<16xi32>
        %add3A_238 = arith.constant 5 : i32
        %add3A_239 = vector.broadcast %add3A_238 : i32 to vector<16xi32>
        %add3A_240 = arith.addi %add3A_237, %add3A_239 : vector<16xi32>
        %gather3A_241 = tpu.vector_load_idx %arg7[%add3A_240] : memref<3072xf32, #tpu.memory_space<vmem>>[vector<16xi32>], vector<16xf32>,
        %add3A_242 = arith.constant 32 : i32
        %add3A_243 = vector.broadcast %add3A_242 : i32 to vector<16xi32>
        %add3A_244 = arith.addi %mul3A_74, %add3A_243 : vector<16xi32>
        %add3A_245 = arith.constant 6 : i32
        %add3A_246 = vector.broadcast %add3A_245 : i32 to vector<16xi32>
        %add3A_247 = arith.addi %add3A_244, %add3A_246 : vector<16xi32>
        %gather3A_248 = tpu.vector_load_idx %arg7[%add3A_247] : memref<3072xf32, #tpu.memory_space<vmem>>[vector<16xi32>], vector<16xf32>,
        %add3A_249 = arith.constant 32 : i32
        %add3A_250 = vector.broadcast %add3A_249 : i32 to vector<16xi32>
        %add3A_251 = arith.addi %mul3A_74, %add3A_250 : vector<16xi32>
        %add3A_252 = arith.constant 7 : i32
        %add3A_253 = vector.broadcast %add3A_252 : i32 to vector<16xi32>
        %add3A_254 = arith.addi %add3A_251, %add3A_253 : vector<16xi32>
        %gather3A_255 = tpu.vector_load_idx %arg7[%add3A_254] : memref<3072xf32, #tpu.memory_space<vmem>>[vector<16xi32>], vector<16xf32>,
        %add3A_256 = arith.addf %gather3A_206, %gather3A_234 : vector<16xf32>
        %add3A_257 = arith.addf %gather3A_220, %gather3A_248 : vector<16xf32>
        %add3A_258 = arith.addf %add3A_256, %add3A_257 : vector<16xf32>
        %add3A_259 = arith.addf %gather3A_213, %gather3A_241 : vector<16xf32>
        %add3A_260 = arith.addf %gather3A_227, %gather3A_255 : vector<16xf32>
        %add3A_261 = arith.addf %add3A_259, %add3A_260 : vector<16xf32>
        %add3A_262 = arith.addf %add3A_258, %add3A_261 : vector<16xf32>
        %add3A_263 = arith.addf %add3A_136, %add3A_199 : vector<16xf32>
        %add3A_264 = arith.addf %add3A_263, %add3A_262 : vector<16xf32>
        %abs3A = math.absf %add3A_264 : vector<16xf32>
        %mul3A_265 = arith.constant 1.000000e+03 : f32
        %mul3A_266 = vector.broadcast %mul3A_265 : f32 to vector<16xf32>
        %mul3A_267 = arith.mulf %abs3A, %mul3A_266 : vector<16xf32>
        %convert_element_type3A_268 = arith.fptosi %mul3A_267 : vector<16xf32> to vector<16xi32>
        %jit3A = arith.constant 64 : i32
        %eq3A = arith.constant 0 : i32
        %eq3A_269 = arith.cmpi eq, %jit3A, %eq3A : i32
        %jit3A_270 = arith.constant 1 : i32
        %select_n3A = arith.select %eq3A_269, %jit3A_270, %jit3A : i32
        %rem3A = vector.broadcast %select_n3A : i32 to vector<16xi32>
        %rem3A_271 = arith.remsi %convert_element_type3A_268, %rem3A : vector<16xi32>
        %ne3A = arith.constant 0 : i32
        %ne3A_272 = vector.broadcast %ne3A : i32 to vector<16xi32>
        %ne3A_273 = arith.cmpi ne, %rem3A_271, %ne3A_272 : vector<16xi32>
        %lt3A_274 = arith.constant 0 : i32
        %lt3A_275 = vector.broadcast %lt3A_274 : i32 to vector<16xi32>
        %lt3A_276 = arith.cmpi slt, %rem3A_271, %lt3A_275 : vector<16xi32>
        %lt3A_277 = arith.constant 0 : i32
        %lt3A_278 = arith.cmpi slt, %select_n3A, %lt3A_277 : i32
        %ne3A_279 = vector.broadcast %lt3A_278 : i1 to vector<16xi1>
        %ne3A_280 = vector.broadcast %ne3A_279 : vector<16xi1> to vector<16xi1>
        %ne3A_281 = arith.xori %lt3A_276, %ne3A_280 : vector<16xi1>
        %and3A = arith.andi %ne3A_281, %ne3A_273 : vector<16xi1>
        %add3A_282 = vector.broadcast %select_n3A : i32 to vector<16xi32>
        %add3A_283 = arith.addi %rem3A_271, %add3A_282 : vector<16xi32>
        %select_n3A_284 = arith.select %and3A, %add3A_283, %rem3A_271 : vector<16xi1>, vector<16xi32>
        %add3A_285 = arith.constant 1 : i32
        %add3A_286 = vector.broadcast %add3A_285 : i32 to vector<16xi32>
        %add3A_287 = arith.addi %select_n3A_284, %add3A_286 : vector<16xi32>
        %jit3A_288 = arith.constant 64 : i32
        %eq3A_289 = arith.constant 0 : i32
        %eq3A_290 = arith.cmpi eq, %jit3A_288, %eq3A_289 : i32
        %jit3A_291 = arith.constant 1 : i32
        %select_n3A_292 = arith.select %eq3A_290, %jit3A_291, %jit3A_288 : i32
        %rem3A_293 = vector.broadcast %select_n3A_292 : i32 to vector<16xi32>
        %rem3A_294 = arith.remsi %add3A_287, %rem3A_293 : vector<16xi32>
        %ne3A_295 = arith.constant 0 : i32
        %ne3A_296 = vector.broadcast %ne3A_295 : i32 to vector<16xi32>
        %ne3A_297 = arith.cmpi ne, %rem3A_294, %ne3A_296 : vector<16xi32>
        %lt3A_298 = arith.constant 0 : i32
        %lt3A_299 = vector.broadcast %lt3A_298 : i32 to vector<16xi32>
        %lt3A_300 = arith.cmpi slt, %rem3A_294, %lt3A_299 : vector<16xi32>
        %lt3A_301 = arith.constant 0 : i32
        %lt3A_302 = arith.cmpi slt, %select_n3A_292, %lt3A_301 : i32
        %ne3A_303 = vector.broadcast %lt3A_302 : i1 to vector<16xi1>
        %ne3A_304 = vector.broadcast %ne3A_303 : vector<16xi1> to vector<16xi1>
        %ne3A_305 = arith.xori %lt3A_300, %ne3A_304 : vector<16xi1>
        %and3A_306 = arith.andi %ne3A_305, %ne3A_297 : vector<16xi1>
        %add3A_307 = vector.broadcast %select_n3A_292 : i32 to vector<16xi32>
        %add3A_308 = arith.addi %rem3A_294, %add3A_307 : vector<16xi32>
        %select_n3A_309 = arith.select %and3A_306, %add3A_308, %rem3A_294 : vector<16xi1>, vector<16xi32>
        %mul3A_310 = arith.constant 64 : i32
        %mul3A_311 = arith.muli %mul3A_20, %mul3A_310 : i32
        %mul3A_312 = arith.constant 16 : i32
        %mul3A_313 = arith.muli %scan3A_66, %mul3A_312 : i32
        %add3A_314 = arith.addi %mul3A_311, %mul3A_313 : i32
        %swap3A = arith.index_cast %add3A_314 : i32 to index
        %swap3A_315 = tpu.vector_load %arg8[%swap3A] {strides = array<i32>} : memref<1024xi32, #tpu.memory_space<vmem>>, vector<16xi32>,
        tpu.vector_store %arg8[%swap3A], %select_n3A_284 {strides = array<i32>} : memref<1024xi32, #tpu.memory_space<vmem>>, vector<16xi32>,
        %swap3A_316 = arith.index_cast %add3A_314 : i32 to index
        %swap3A_317 = tpu.vector_load %arg9[%swap3A_316] {strides = array<i32>} : memref<1024xi32, #tpu.memory_space<vmem>>, vector<16xi32>,
        tpu.vector_store %arg9[%swap3A_316], %select_n3A_309 {strides = array<i32>} : memref<1024xi32, #tpu.memory_space<vmem>>, vector<16xi32>,
        %scan3A_318 = arith.constant 0 : i32
        scf.yield %scan3A_318 : i32
      }
      %scan3A_44 = arith.constant 4 : i32
      %lt3A = arith.constant 7 : i32
      %lt3A_45 = arith.cmpi slt, %scan3A_17, %lt3A : i32
      %convert_element_type3A = arith.extui %lt3A_45 : i1 to i32
      %cond3A = arith.constant 0 : i32
      %cond3A_46 = arith.cmpi ne, %convert_element_type3A, %cond3A : i32
      scf.if %cond3A_46 {
        %add3A_66 = arith.constant 2 : i32
        %add3A_67 = arith.addi %mul3A_20, %add3A_66 : i32
        %mul3A_68 = arith.constant 64 : i32
        %mul3A_69 = arith.muli %add3A_67, %mul3A_68 : i32
        %add3A_70 = arith.addi %mul3A_2, %mul3A_69 : i32
        %multiple_of3A_71 = tpu.assume_multiple %add3A_70, 8 : i32
        %dma_start3A_72 = arith.constant 0 : i32
        %dma_start3A_73 = tpu.memref_slice %arg2[%multiple_of3A_71, %dma_start3A_72] : memref<32768x768xf32, #tpu.memory_space<hbm>> -> memref<64x768xf32, #tpu.memory_space<hbm>>
        %dma_start3A_74 = arith.constant 0 : i32
        %dma_start3A_75 = tpu.memref_slice %arg2[%multiple_of3A_71, %dma_start3A_74] : memref<32768x768xf32, #tpu.memory_space<hbm>> -> memref<64x768xf32, #tpu.memory_space<hbm>>
        tpu.enqueue_dma source(%dma_start3A_75 : memref<64x768xf32, #tpu.memory_space<hbm>>) target(%arg5 : memref<64x768xf32, #tpu.memory_space<vmem>>) target_semaphore(%arg10 : memref<!tpu.dma_semaphore, #tpu.memory_space<semaphore_mem>>)
      } else {
      }
      %dma_wait3A_47 = arith.constant 0 : i32
      %dma_wait3A_48 = arith.constant 0 : i32
      %dma_wait3A_49 = tpu.memref_slice %arg2[%dma_wait3A_47, %dma_wait3A_48] : memref<32768x768xf32, #tpu.memory_space<hbm>> -> memref<64x768xf32, #tpu.memory_space<hbm>>
      %dma_wait3A_50 = arith.constant 0 : i32
      %dma_wait3A_51 = arith.constant 0 : i32
      %dma_wait3A_52 = tpu.memref_slice %arg2[%dma_wait3A_50, %dma_wait3A_51] : memref<32768x768xf32, #tpu.memory_space<hbm>> -> memref<64x768xf32, #tpu.memory_space<hbm>>
      tpu.wait_dma2 semaphore(%arg11 : memref<!tpu.dma_semaphore, #tpu.memory_space<semaphore_mem>>) src(%dma_wait3A_52 : memref<64x768xf32, #tpu.memory_space<hbm>>) dst(%arg6 : memref<64x768xf32, #tpu.memory_space<vmem>>)
      %add3A_53 = arith.constant 1 : i32
      %add3A_54 = arith.addi %mul3A_20, %add3A_53 : i32
      %parallel_loop3A_55 = arith.constant 0 : i32
      %parallel_loop3A_56 = arith.constant 64 : i32
      %parallel_loop3A_57 = arith.constant 1 : i32
      scf.for %parallel_loop3A_66 = %parallel_loop3A_55 to %parallel_loop3A_56 step %parallel_loop3A_57  : i32 {
        %parallel_loop3A_67 = arith.index_cast %parallel_loop3A_66 : i32 to index
        %parallel_loop3A_68 = arith.constant 0 : index
        %parallel_loop3A_69 = tpu.vector_load %arg6[%parallel_loop3A_67, %parallel_loop3A_68] {strides = array<i32>} : memref<64x768xf32, #tpu.memory_space<vmem>>, vector<16xf32>,
        %parallel_loop3A_70 = arith.index_cast %parallel_loop3A_66 : i32 to index
        %parallel_loop3A_71 = arith.constant 128 : index
        %parallel_loop3A_72 = tpu.vector_load %arg6[%parallel_loop3A_70, %parallel_loop3A_71] {strides = array<i32>} : memref<64x768xf32, #tpu.memory_space<vmem>>, vector<16xf32>,
        %parallel_loop3A_73 = arith.addf %parallel_loop3A_69, %parallel_loop3A_72 : vector<16xf32>
        %parallel_loop3A_74 = arith.constant 0 : i32
        %parallel_loop3A_75 = vector.broadcast %parallel_loop3A_74 : i32 to vector<16xi32>
        %parallel_loop3A_76 = arith.cmpi slt, %xor3A_4, %parallel_loop3A_75 : vector<16xi32>
        %parallel_loop3A_77 = arith.constant 16 : i32
        %parallel_loop3A_78 = vector.broadcast %parallel_loop3A_77 : i32 to vector<16xi32>
        %parallel_loop3A_79 = arith.addi %xor3A_4, %parallel_loop3A_78 : vector<16xi32>
        %parallel_loop3A_80 = arith.select %parallel_loop3A_76, %parallel_loop3A_79, %xor3A_4 : vector<16xi1>, vector<16xi32>
        %parallel_loop3A_81 = vector.shape_cast %parallel_loop3A_80 : vector<16xi32> to vector<16x1xi32>
        %parallel_loop3A_82 = vector.shape_cast %parallel_loop3A_81 : vector<16x1xi32> to vector<16xi32>
        %parallel_loop3A_83 = tpu.dynamic_gather %parallel_loop3A_73[%parallel_loop3A_82] in [0] : vector<16xf32>, vector<16xi32> -> vector<16xf32>
        %parallel_loop3A_84 = arith.addf %parallel_loop3A_73, %parallel_loop3A_83 : vector<16xf32>
        %parallel_loop3A_85 = arith.index_cast %parallel_loop3A_66 : i32 to index
        %parallel_loop3A_86 = arith.constant 16 : index
        %parallel_loop3A_87 = tpu.vector_load %arg6[%parallel_loop3A_85, %parallel_loop3A_86] {strides = array<i32>} : memref<64x768xf32, #tpu.memory_space<vmem>>, vector<16xf32>,
        %parallel_loop3A_88 = arith.index_cast %parallel_loop3A_66 : i32 to index
        %parallel_loop3A_89 = arith.constant 144 : index
        %parallel_loop3A_90 = tpu.vector_load %arg6[%parallel_loop3A_88, %parallel_loop3A_89] {strides = array<i32>} : memref<64x768xf32, #tpu.memory_space<vmem>>, vector<16xf32>,
        %parallel_loop3A_91 = arith.addf %parallel_loop3A_87, %parallel_loop3A_90 : vector<16xf32>
        %parallel_loop3A_92 = arith.addf %parallel_loop3A_84, %parallel_loop3A_91 : vector<16xf32>
        %parallel_loop3A_93 = arith.constant 0 : i32
        %parallel_loop3A_94 = vector.broadcast %parallel_loop3A_93 : i32 to vector<16xi32>
        %parallel_loop3A_95 = arith.cmpi slt, %xor3A_4, %parallel_loop3A_94 : vector<16xi32>
        %parallel_loop3A_96 = arith.constant 16 : i32
        %parallel_loop3A_97 = vector.broadcast %parallel_loop3A_96 : i32 to vector<16xi32>
        %parallel_loop3A_98 = arith.addi %xor3A_4, %parallel_loop3A_97 : vector<16xi32>
        %parallel_loop3A_99 = arith.select %parallel_loop3A_95, %parallel_loop3A_98, %xor3A_4 : vector<16xi1>, vector<16xi32>
        %parallel_loop3A_100 = vector.shape_cast %parallel_loop3A_99 : vector<16xi32> to vector<16x1xi32>
        %parallel_loop3A_101 = vector.shape_cast %parallel_loop3A_100 : vector<16x1xi32> to vector<16xi32>
        %parallel_loop3A_102 = tpu.dynamic_gather %parallel_loop3A_91[%parallel_loop3A_101] in [0] : vector<16xf32>, vector<16xi32> -> vector<16xf32>
        %parallel_loop3A_103 = arith.addf %parallel_loop3A_92, %parallel_loop3A_102 : vector<16xf32>
        %parallel_loop3A_104 = arith.index_cast %parallel_loop3A_66 : i32 to index
        %parallel_loop3A_105 = arith.constant 32 : index
        %parallel_loop3A_106 = tpu.vector_load %arg6[%parallel_loop3A_104, %parallel_loop3A_105] {strides = array<i32>} : memref<64x768xf32, #tpu.memory_space<vmem>>, vector<16xf32>,
        %parallel_loop3A_107 = arith.index_cast %parallel_loop3A_66 : i32 to index
        %parallel_loop3A_108 = arith.constant 160 : index
        %parallel_loop3A_109 = tpu.vector_load %arg6[%parallel_loop3A_107, %parallel_loop3A_108] {strides = array<i32>} : memref<64x768xf32, #tpu.memory_space<vmem>>, vector<16xf32>,
        %parallel_loop3A_110 = arith.addf %parallel_loop3A_106, %parallel_loop3A_109 : vector<16xf32>
        %parallel_loop3A_111 = arith.addf %parallel_loop3A_103, %parallel_loop3A_110 : vector<16xf32>
        %parallel_loop3A_112 = arith.constant 0 : i32
        %parallel_loop3A_113 = vector.broadcast %parallel_loop3A_112 : i32 to vector<16xi32>
        %parallel_loop3A_114 = arith.cmpi slt, %xor3A_4, %parallel_loop3A_113 : vector<16xi32>
        %parallel_loop3A_115 = arith.constant 16 : i32
        %parallel_loop3A_116 = vector.broadcast %parallel_loop3A_115 : i32 to vector<16xi32>
        %parallel_loop3A_117 = arith.addi %xor3A_4, %parallel_loop3A_116 : vector<16xi32>
        %parallel_loop3A_118 = arith.select %parallel_loop3A_114, %parallel_loop3A_117, %xor3A_4 : vector<16xi1>, vector<16xi32>
        %parallel_loop3A_119 = vector.shape_cast %parallel_loop3A_118 : vector<16xi32> to vector<16x1xi32>
        %parallel_loop3A_120 = vector.shape_cast %parallel_loop3A_119 : vector<16x1xi32> to vector<16xi32>
        %parallel_loop3A_121 = tpu.dynamic_gather %parallel_loop3A_110[%parallel_loop3A_120] in [0] : vector<16xf32>, vector<16xi32> -> vector<16xf32>
        %parallel_loop3A_122 = arith.addf %parallel_loop3A_111, %parallel_loop3A_121 : vector<16xf32>
        %parallel_loop3A_123 = arith.index_cast %parallel_loop3A_66 : i32 to index
        %parallel_loop3A_124 = arith.constant 48 : index
        %parallel_loop3A_125 = tpu.vector_load %arg6[%parallel_loop3A_123, %parallel_loop3A_124] {strides = array<i32>} : memref<64x768xf32, #tpu.memory_space<vmem>>, vector<16xf32>,
        %parallel_loop3A_126 = arith.index_cast %parallel_loop3A_66 : i32 to index
        %parallel_loop3A_127 = arith.constant 176 : index
        %parallel_loop3A_128 = tpu.vector_load %arg6[%parallel_loop3A_126, %parallel_loop3A_127] {strides = array<i32>} : memref<64x768xf32, #tpu.memory_space<vmem>>, vector<16xf32>,
        %parallel_loop3A_129 = arith.addf %parallel_loop3A_125, %parallel_loop3A_128 : vector<16xf32>
        %parallel_loop3A_130 = arith.addf %parallel_loop3A_122, %parallel_loop3A_129 : vector<16xf32>
        %parallel_loop3A_131 = arith.constant 0 : i32
        %parallel_loop3A_132 = vector.broadcast %parallel_loop3A_131 : i32 to vector<16xi32>
        %parallel_loop3A_133 = arith.cmpi slt, %xor3A_4, %parallel_loop3A_132 : vector<16xi32>
        %parallel_loop3A_134 = arith.constant 16 : i32
        %parallel_loop3A_135 = vector.broadcast %parallel_loop3A_134 : i32 to vector<16xi32>
        %parallel_loop3A_136 = arith.addi %xor3A_4, %parallel_loop3A_135 : vector<16xi32>
        %parallel_loop3A_137 = arith.select %parallel_loop3A_133, %parallel_loop3A_136, %xor3A_4 : vector<16xi1>, vector<16xi32>
        %parallel_loop3A_138 = vector.shape_cast %parallel_loop3A_137 : vector<16xi32> to vector<16x1xi32>
        %parallel_loop3A_139 = vector.shape_cast %parallel_loop3A_138 : vector<16x1xi32> to vector<16xi32>
        %parallel_loop3A_140 = tpu.dynamic_gather %parallel_loop3A_129[%parallel_loop3A_139] in [0] : vector<16xf32>, vector<16xi32> -> vector<16xf32>
        %parallel_loop3A_141 = arith.addf %parallel_loop3A_130, %parallel_loop3A_140 : vector<16xf32>
        %parallel_loop3A_142 = arith.index_cast %parallel_loop3A_66 : i32 to index
        %parallel_loop3A_143 = arith.constant 64 : index
        %parallel_loop3A_144 = tpu.vector_load %arg6[%parallel_loop3A_142, %parallel_loop3A_143] {strides = array<i32>} : memref<64x768xf32, #tpu.memory_space<vmem>>, vector<16xf32>,
        %parallel_loop3A_145 = arith.index_cast %parallel_loop3A_66 : i32 to index
        %parallel_loop3A_146 = arith.constant 192 : index
        %parallel_loop3A_147 = tpu.vector_load %arg6[%parallel_loop3A_145, %parallel_loop3A_146] {strides = array<i32>} : memref<64x768xf32, #tpu.memory_space<vmem>>, vector<16xf32>,
        %parallel_loop3A_148 = arith.addf %parallel_loop3A_144, %parallel_loop3A_147 : vector<16xf32>
        %parallel_loop3A_149 = arith.addf %parallel_loop3A_141, %parallel_loop3A_148 : vector<16xf32>
        %parallel_loop3A_150 = arith.constant 0 : i32
        %parallel_loop3A_151 = vector.broadcast %parallel_loop3A_150 : i32 to vector<16xi32>
        %parallel_loop3A_152 = arith.cmpi slt, %xor3A_4, %parallel_loop3A_151 : vector<16xi32>
        %parallel_loop3A_153 = arith.constant 16 : i32
        %parallel_loop3A_154 = vector.broadcast %parallel_loop3A_153 : i32 to vector<16xi32>
        %parallel_loop3A_155 = arith.addi %xor3A_4, %parallel_loop3A_154 : vector<16xi32>
        %parallel_loop3A_156 = arith.select %parallel_loop3A_152, %parallel_loop3A_155, %xor3A_4 : vector<16xi1>, vector<16xi32>
        %parallel_loop3A_157 = vector.shape_cast %parallel_loop3A_156 : vector<16xi32> to vector<16x1xi32>
        %parallel_loop3A_158 = vector.shape_cast %parallel_loop3A_157 : vector<16x1xi32> to vector<16xi32>
        %parallel_loop3A_159 = tpu.dynamic_gather %parallel_loop3A_148[%parallel_loop3A_158] in [0] : vector<16xf32>, vector<16xi32> -> vector<16xf32>
        %parallel_loop3A_160 = arith.addf %parallel_loop3A_149, %parallel_loop3A_159 : vector<16xf32>
        %parallel_loop3A_161 = arith.index_cast %parallel_loop3A_66 : i32 to index
        %parallel_loop3A_162 = arith.constant 80 : index
        %parallel_loop3A_163 = tpu.vector_load %arg6[%parallel_loop3A_161, %parallel_loop3A_162] {strides = array<i32>} : memref<64x768xf32, #tpu.memory_space<vmem>>, vector<16xf32>,
        %parallel_loop3A_164 = arith.index_cast %parallel_loop3A_66 : i32 to index
        %parallel_loop3A_165 = arith.constant 208 : index
        %parallel_loop3A_166 = tpu.vector_load %arg6[%parallel_loop3A_164, %parallel_loop3A_165] {strides = array<i32>} : memref<64x768xf32, #tpu.memory_space<vmem>>, vector<16xf32>,
        %parallel_loop3A_167 = arith.addf %parallel_loop3A_163, %parallel_loop3A_166 : vector<16xf32>
        %parallel_loop3A_168 = arith.addf %parallel_loop3A_160, %parallel_loop3A_167 : vector<16xf32>
        %parallel_loop3A_169 = arith.constant 0 : i32
        %parallel_loop3A_170 = vector.broadcast %parallel_loop3A_169 : i32 to vector<16xi32>
        %parallel_loop3A_171 = arith.cmpi slt, %xor3A_4, %parallel_loop3A_170 : vector<16xi32>
        %parallel_loop3A_172 = arith.constant 16 : i32
        %parallel_loop3A_173 = vector.broadcast %parallel_loop3A_172 : i32 to vector<16xi32>
        %parallel_loop3A_174 = arith.addi %xor3A_4, %parallel_loop3A_173 : vector<16xi32>
        %parallel_loop3A_175 = arith.select %parallel_loop3A_171, %parallel_loop3A_174, %xor3A_4 : vector<16xi1>, vector<16xi32>
        %parallel_loop3A_176 = vector.shape_cast %parallel_loop3A_175 : vector<16xi32> to vector<16x1xi32>
        %parallel_loop3A_177 = vector.shape_cast %parallel_loop3A_176 : vector<16x1xi32> to vector<16xi32>
        %parallel_loop3A_178 = tpu.dynamic_gather %parallel_loop3A_167[%parallel_loop3A_177] in [0] : vector<16xf32>, vector<16xi32> -> vector<16xf32>
        %parallel_loop3A_179 = arith.addf %parallel_loop3A_168, %parallel_loop3A_178 : vector<16xf32>
        %parallel_loop3A_180 = arith.index_cast %parallel_loop3A_66 : i32 to index
        %parallel_loop3A_181 = arith.constant 96 : index
        %parallel_loop3A_182 = tpu.vector_load %arg6[%parallel_loop3A_180, %parallel_loop3A_181] {strides = array<i32>} : memref<64x768xf32, #tpu.memory_space<vmem>>, vector<16xf32>,
        %parallel_loop3A_183 = arith.index_cast %parallel_loop3A_66 : i32 to index
        %parallel_loop3A_184 = arith.constant 224 : index
        %parallel_loop3A_185 = tpu.vector_load %arg6[%parallel_loop3A_183, %parallel_loop3A_184] {strides = array<i32>} : memref<64x768xf32, #tpu.memory_space<vmem>>, vector<16xf32>,
        %parallel_loop3A_186 = arith.addf %parallel_loop3A_182, %parallel_loop3A_185 : vector<16xf32>
        %parallel_loop3A_187 = arith.addf %parallel_loop3A_179, %parallel_loop3A_186 : vector<16xf32>
        %parallel_loop3A_188 = arith.constant 0 : i32
        %parallel_loop3A_189 = vector.broadcast %parallel_loop3A_188 : i32 to vector<16xi32>
        %parallel_loop3A_190 = arith.cmpi slt, %xor3A_4, %parallel_loop3A_189 : vector<16xi32>
        %parallel_loop3A_191 = arith.constant 16 : i32
        %parallel_loop3A_192 = vector.broadcast %parallel_loop3A_191 : i32 to vector<16xi32>
        %parallel_loop3A_193 = arith.addi %xor3A_4, %parallel_loop3A_192 : vector<16xi32>
        %parallel_loop3A_194 = arith.select %parallel_loop3A_190, %parallel_loop3A_193, %xor3A_4 : vector<16xi1>, vector<16xi32>
        %parallel_loop3A_195 = vector.shape_cast %parallel_loop3A_194 : vector<16xi32> to vector<16x1xi32>
        %parallel_loop3A_196 = vector.shape_cast %parallel_loop3A_195 : vector<16x1xi32> to vector<16xi32>
        %parallel_loop3A_197 = tpu.dynamic_gather %parallel_loop3A_186[%parallel_loop3A_196] in [0] : vector<16xf32>, vector<16xi32> -> vector<16xf32>
        %parallel_loop3A_198 = arith.addf %parallel_loop3A_187, %parallel_loop3A_197 : vector<16xf32>
        %parallel_loop3A_199 = arith.index_cast %parallel_loop3A_66 : i32 to index
        %parallel_loop3A_200 = arith.constant 112 : index
        %parallel_loop3A_201 = tpu.vector_load %arg6[%parallel_loop3A_199, %parallel_loop3A_200] {strides = array<i32>} : memref<64x768xf32, #tpu.memory_space<vmem>>, vector<16xf32>,
        %parallel_loop3A_202 = arith.index_cast %parallel_loop3A_66 : i32 to index
        %parallel_loop3A_203 = arith.constant 240 : index
        %parallel_loop3A_204 = tpu.vector_load %arg6[%parallel_loop3A_202, %parallel_loop3A_203] {strides = array<i32>} : memref<64x768xf32, #tpu.memory_space<vmem>>, vector<16xf32>,
        %parallel_loop3A_205 = arith.addf %parallel_loop3A_201, %parallel_loop3A_204 : vector<16xf32>
        %parallel_loop3A_206 = arith.addf %parallel_loop3A_198, %parallel_loop3A_205 : vector<16xf32>
        %parallel_loop3A_207 = arith.constant 0 : i32
        %parallel_loop3A_208 = vector.broadcast %parallel_loop3A_207 : i32 to vector<16xi32>
        %parallel_loop3A_209 = arith.cmpi slt, %xor3A_4, %parallel_loop3A_208 : vector<16xi32>
        %parallel_loop3A_210 = arith.constant 16 : i32
        %parallel_loop3A_211 = vector.broadcast %parallel_loop3A_210 : i32 to vector<16xi32>
        %parallel_loop3A_212 = arith.addi %xor3A_4, %parallel_loop3A_211 : vector<16xi32>
        %parallel_loop3A_213 = arith.select %parallel_loop3A_209, %parallel_loop3A_212, %xor3A_4 : vector<16xi1>, vector<16xi32>
        %parallel_loop3A_214 = vector.shape_cast %parallel_loop3A_213 : vector<16xi32> to vector<16x1xi32>
        %parallel_loop3A_215 = vector.shape_cast %parallel_loop3A_214 : vector<16x1xi32> to vector<16xi32>
        %parallel_loop3A_216 = tpu.dynamic_gather %parallel_loop3A_205[%parallel_loop3A_215] in [0] : vector<16xf32>, vector<16xi32> -> vector<16xf32>
        %parallel_loop3A_217 = arith.addf %parallel_loop3A_206, %parallel_loop3A_216 : vector<16xf32>
        %parallel_loop3A_218 = arith.constant 3 : i32
        %parallel_loop3A_219 = arith.muli %parallel_loop3A_66, %parallel_loop3A_218 : i32
        %parallel_loop3A_220 = arith.constant 0 : i32
        %parallel_loop3A_221 = arith.addi %parallel_loop3A_219, %parallel_loop3A_220 : i32
        %parallel_loop3A_222 = arith.constant 16 : i32
        %parallel_loop3A_223 = arith.muli %parallel_loop3A_221, %parallel_loop3A_222 : i32
        %parallel_loop3A_224 = arith.index_cast %parallel_loop3A_223 : i32 to index
        %parallel_loop3A_225 = tpu.vector_load %arg7[%parallel_loop3A_224] {strides = array<i32>} : memref<3072xf32, #tpu.memory_space<vmem>>, vector<16xf32>,
        tpu.vector_store %arg7[%parallel_loop3A_224], %parallel_loop3A_217 {strides = array<i32>} : memref<3072xf32, #tpu.memory_space<vmem>>, vector<16xf32>,
        %parallel_loop3A_226 = arith.index_cast %parallel_loop3A_66 : i32 to index
        %parallel_loop3A_227 = arith.constant 256 : index
        %parallel_loop3A_228 = tpu.vector_load %arg6[%parallel_loop3A_226, %parallel_loop3A_227] {strides = array<i32>} : memref<64x768xf32, #tpu.memory_space<vmem>>, vector<16xf32>,
        %parallel_loop3A_229 = arith.index_cast %parallel_loop3A_66 : i32 to index
        %parallel_loop3A_230 = arith.constant 384 : index
        %parallel_loop3A_231 = tpu.vector_load %arg6[%parallel_loop3A_229, %parallel_loop3A_230] {strides = array<i32>} : memref<64x768xf32, #tpu.memory_space<vmem>>, vector<16xf32>,
        %parallel_loop3A_232 = arith.addf %parallel_loop3A_228, %parallel_loop3A_231 : vector<16xf32>
        %parallel_loop3A_233 = arith.constant 0 : i32
        %parallel_loop3A_234 = vector.broadcast %parallel_loop3A_233 : i32 to vector<16xi32>
        %parallel_loop3A_235 = arith.cmpi slt, %xor3A_4, %parallel_loop3A_234 : vector<16xi32>
        %parallel_loop3A_236 = arith.constant 16 : i32
        %parallel_loop3A_237 = vector.broadcast %parallel_loop3A_236 : i32 to vector<16xi32>
        %parallel_loop3A_238 = arith.addi %xor3A_4, %parallel_loop3A_237 : vector<16xi32>
        %parallel_loop3A_239 = arith.select %parallel_loop3A_235, %parallel_loop3A_238, %xor3A_4 : vector<16xi1>, vector<16xi32>
        %parallel_loop3A_240 = vector.shape_cast %parallel_loop3A_239 : vector<16xi32> to vector<16x1xi32>
        %parallel_loop3A_241 = vector.shape_cast %parallel_loop3A_240 : vector<16x1xi32> to vector<16xi32>
        %parallel_loop3A_242 = tpu.dynamic_gather %parallel_loop3A_232[%parallel_loop3A_241] in [0] : vector<16xf32>, vector<16xi32> -> vector<16xf32>
        %parallel_loop3A_243 = arith.addf %parallel_loop3A_232, %parallel_loop3A_242 : vector<16xf32>
        %parallel_loop3A_244 = arith.index_cast %parallel_loop3A_66 : i32 to index
        %parallel_loop3A_245 = arith.constant 272 : index
        %parallel_loop3A_246 = tpu.vector_load %arg6[%parallel_loop3A_244, %parallel_loop3A_245] {strides = array<i32>} : memref<64x768xf32, #tpu.memory_space<vmem>>, vector<16xf32>,
        %parallel_loop3A_247 = arith.index_cast %parallel_loop3A_66 : i32 to index
        %parallel_loop3A_248 = arith.constant 400 : index
        %parallel_loop3A_249 = tpu.vector_load %arg6[%parallel_loop3A_247, %parallel_loop3A_248] {strides = array<i32>} : memref<64x768xf32, #tpu.memory_space<vmem>>, vector<16xf32>,
        %parallel_loop3A_250 = arith.addf %parallel_loop3A_246, %parallel_loop3A_249 : vector<16xf32>
        %parallel_loop3A_251 = arith.addf %parallel_loop3A_243, %parallel_loop3A_250 : vector<16xf32>
        %parallel_loop3A_252 = arith.constant 0 : i32
        %parallel_loop3A_253 = vector.broadcast %parallel_loop3A_252 : i32 to vector<16xi32>
        %parallel_loop3A_254 = arith.cmpi slt, %xor3A_4, %parallel_loop3A_253 : vector<16xi32>
        %parallel_loop3A_255 = arith.constant 16 : i32
        %parallel_loop3A_256 = vector.broadcast %parallel_loop3A_255 : i32 to vector<16xi32>
        %parallel_loop3A_257 = arith.addi %xor3A_4, %parallel_loop3A_256 : vector<16xi32>
        %parallel_loop3A_258 = arith.select %parallel_loop3A_254, %parallel_loop3A_257, %xor3A_4 : vector<16xi1>, vector<16xi32>
        %parallel_loop3A_259 = vector.shape_cast %parallel_loop3A_258 : vector<16xi32> to vector<16x1xi32>
        %parallel_loop3A_260 = vector.shape_cast %parallel_loop3A_259 : vector<16x1xi32> to vector<16xi32>
        %parallel_loop3A_261 = tpu.dynamic_gather %parallel_loop3A_250[%parallel_loop3A_260] in [0] : vector<16xf32>, vector<16xi32> -> vector<16xf32>
        %parallel_loop3A_262 = arith.addf %parallel_loop3A_251, %parallel_loop3A_261 : vector<16xf32>
        %parallel_loop3A_263 = arith.index_cast %parallel_loop3A_66 : i32 to index
        %parallel_loop3A_264 = arith.constant 288 : index
        %parallel_loop3A_265 = tpu.vector_load %arg6[%parallel_loop3A_263, %parallel_loop3A_264] {strides = array<i32>} : memref<64x768xf32, #tpu.memory_space<vmem>>, vector<16xf32>,
        %parallel_loop3A_266 = arith.index_cast %parallel_loop3A_66 : i32 to index
        %parallel_loop3A_267 = arith.constant 416 : index
        %parallel_loop3A_268 = tpu.vector_load %arg6[%parallel_loop3A_266, %parallel_loop3A_267] {strides = array<i32>} : memref<64x768xf32, #tpu.memory_space<vmem>>, vector<16xf32>,
        %parallel_loop3A_269 = arith.addf %parallel_loop3A_265, %parallel_loop3A_268 : vector<16xf32>
        %parallel_loop3A_270 = arith.addf %parallel_loop3A_262, %parallel_loop3A_269 : vector<16xf32>
        %parallel_loop3A_271 = arith.constant 0 : i32
        %parallel_loop3A_272 = vector.broadcast %parallel_loop3A_271 : i32 to vector<16xi32>
        %parallel_loop3A_273 = arith.cmpi slt, %xor3A_4, %parallel_loop3A_272 : vector<16xi32>
        %parallel_loop3A_274 = arith.constant 16 : i32
        %parallel_loop3A_275 = vector.broadcast %parallel_loop3A_274 : i32 to vector<16xi32>
        %parallel_loop3A_276 = arith.addi %xor3A_4, %parallel_loop3A_275 : vector<16xi32>
        %parallel_loop3A_277 = arith.select %parallel_loop3A_273, %parallel_loop3A_276, %xor3A_4 : vector<16xi1>, vector<16xi32>
        %parallel_loop3A_278 = vector.shape_cast %parallel_loop3A_277 : vector<16xi32> to vector<16x1xi32>
        %parallel_loop3A_279 = vector.shape_cast %parallel_loop3A_278 : vector<16x1xi32> to vector<16xi32>
        %parallel_loop3A_280 = tpu.dynamic_gather %parallel_loop3A_269[%parallel_loop3A_279] in [0] : vector<16xf32>, vector<16xi32> -> vector<16xf32>
        %parallel_loop3A_281 = arith.addf %parallel_loop3A_270, %parallel_loop3A_280 : vector<16xf32>
        %parallel_loop3A_282 = arith.index_cast %parallel_loop3A_66 : i32 to index
        %parallel_loop3A_283 = arith.constant 304 : index
        %parallel_loop3A_284 = tpu.vector_load %arg6[%parallel_loop3A_282, %parallel_loop3A_283] {strides = array<i32>} : memref<64x768xf32, #tpu.memory_space<vmem>>, vector<16xf32>,
        %parallel_loop3A_285 = arith.index_cast %parallel_loop3A_66 : i32 to index
        %parallel_loop3A_286 = arith.constant 432 : index
        %parallel_loop3A_287 = tpu.vector_load %arg6[%parallel_loop3A_285, %parallel_loop3A_286] {strides = array<i32>} : memref<64x768xf32, #tpu.memory_space<vmem>>, vector<16xf32>,
        %parallel_loop3A_288 = arith.addf %parallel_loop3A_284, %parallel_loop3A_287 : vector<16xf32>
        %parallel_loop3A_289 = arith.addf %parallel_loop3A_281, %parallel_loop3A_288 : vector<16xf32>
        %parallel_loop3A_290 = arith.constant 0 : i32
        %parallel_loop3A_291 = vector.broadcast %parallel_loop3A_290 : i32 to vector<16xi32>
        %parallel_loop3A_292 = arith.cmpi slt, %xor3A_4, %parallel_loop3A_291 : vector<16xi32>
        %parallel_loop3A_293 = arith.constant 16 : i32
        %parallel_loop3A_294 = vector.broadcast %parallel_loop3A_293 : i32 to vector<16xi32>
        %parallel_loop3A_295 = arith.addi %xor3A_4, %parallel_loop3A_294 : vector<16xi32>
        %parallel_loop3A_296 = arith.select %parallel_loop3A_292, %parallel_loop3A_295, %xor3A_4 : vector<16xi1>, vector<16xi32>
        %parallel_loop3A_297 = vector.shape_cast %parallel_loop3A_296 : vector<16xi32> to vector<16x1xi32>
        %parallel_loop3A_298 = vector.shape_cast %parallel_loop3A_297 : vector<16x1xi32> to vector<16xi32>
        %parallel_loop3A_299 = tpu.dynamic_gather %parallel_loop3A_288[%parallel_loop3A_298] in [0] : vector<16xf32>, vector<16xi32> -> vector<16xf32>
        %parallel_loop3A_300 = arith.addf %parallel_loop3A_289, %parallel_loop3A_299 : vector<16xf32>
        %parallel_loop3A_301 = arith.index_cast %parallel_loop3A_66 : i32 to index
        %parallel_loop3A_302 = arith.constant 320 : index
        %parallel_loop3A_303 = tpu.vector_load %arg6[%parallel_loop3A_301, %parallel_loop3A_302] {strides = array<i32>} : memref<64x768xf32, #tpu.memory_space<vmem>>, vector<16xf32>,
        %parallel_loop3A_304 = arith.index_cast %parallel_loop3A_66 : i32 to index
        %parallel_loop3A_305 = arith.constant 448 : index
        %parallel_loop3A_306 = tpu.vector_load %arg6[%parallel_loop3A_304, %parallel_loop3A_305] {strides = array<i32>} : memref<64x768xf32, #tpu.memory_space<vmem>>, vector<16xf32>,
        %parallel_loop3A_307 = arith.addf %parallel_loop3A_303, %parallel_loop3A_306 : vector<16xf32>
        %parallel_loop3A_308 = arith.addf %parallel_loop3A_300, %parallel_loop3A_307 : vector<16xf32>
        %parallel_loop3A_309 = arith.constant 0 : i32
        %parallel_loop3A_310 = vector.broadcast %parallel_loop3A_309 : i32 to vector<16xi32>
        %parallel_loop3A_311 = arith.cmpi slt, %xor3A_4, %parallel_loop3A_310 : vector<16xi32>
        %parallel_loop3A_312 = arith.constant 16 : i32
        %parallel_loop3A_313 = vector.broadcast %parallel_loop3A_312 : i32 to vector<16xi32>
        %parallel_loop3A_314 = arith.addi %xor3A_4, %parallel_loop3A_313 : vector<16xi32>
        %parallel_loop3A_315 = arith.select %parallel_loop3A_311, %parallel_loop3A_314, %xor3A_4 : vector<16xi1>, vector<16xi32>
        %parallel_loop3A_316 = vector.shape_cast %parallel_loop3A_315 : vector<16xi32> to vector<16x1xi32>
        %parallel_loop3A_317 = vector.shape_cast %parallel_loop3A_316 : vector<16x1xi32> to vector<16xi32>
        %parallel_loop3A_318 = tpu.dynamic_gather %parallel_loop3A_307[%parallel_loop3A_317] in [0] : vector<16xf32>, vector<16xi32> -> vector<16xf32>
        %parallel_loop3A_319 = arith.addf %parallel_loop3A_308, %parallel_loop3A_318 : vector<16xf32>
        %parallel_loop3A_320 = arith.index_cast %parallel_loop3A_66 : i32 to index
        %parallel_loop3A_321 = arith.constant 336 : index
        %parallel_loop3A_322 = tpu.vector_load %arg6[%parallel_loop3A_320, %parallel_loop3A_321] {strides = array<i32>} : memref<64x768xf32, #tpu.memory_space<vmem>>, vector<16xf32>,
        %parallel_loop3A_323 = arith.index_cast %parallel_loop3A_66 : i32 to index
        %parallel_loop3A_324 = arith.constant 464 : index
        %parallel_loop3A_325 = tpu.vector_load %arg6[%parallel_loop3A_323, %parallel_loop3A_324] {strides = array<i32>} : memref<64x768xf32, #tpu.memory_space<vmem>>, vector<16xf32>,
        %parallel_loop3A_326 = arith.addf %parallel_loop3A_322, %parallel_loop3A_325 : vector<16xf32>
        %parallel_loop3A_327 = arith.addf %parallel_loop3A_319, %parallel_loop3A_326 : vector<16xf32>
        %parallel_loop3A_328 = arith.constant 0 : i32
        %parallel_loop3A_329 = vector.broadcast %parallel_loop3A_328 : i32 to vector<16xi32>
        %parallel_loop3A_330 = arith.cmpi slt, %xor3A_4, %parallel_loop3A_329 : vector<16xi32>
        %parallel_loop3A_331 = arith.constant 16 : i32
        %parallel_loop3A_332 = vector.broadcast %parallel_loop3A_331 : i32 to vector<16xi32>
        %parallel_loop3A_333 = arith.addi %xor3A_4, %parallel_loop3A_332 : vector<16xi32>
        %parallel_loop3A_334 = arith.select %parallel_loop3A_330, %parallel_loop3A_333, %xor3A_4 : vector<16xi1>, vector<16xi32>
        %parallel_loop3A_335 = vector.shape_cast %parallel_loop3A_334 : vector<16xi32> to vector<16x1xi32>
        %parallel_loop3A_336 = vector.shape_cast %parallel_loop3A_335 : vector<16x1xi32> to vector<16xi32>
        %parallel_loop3A_337 = tpu.dynamic_gather %parallel_loop3A_326[%parallel_loop3A_336] in [0] : vector<16xf32>, vector<16xi32> -> vector<16xf32>
        %parallel_loop3A_338 = arith.addf %parallel_loop3A_327, %parallel_loop3A_337 : vector<16xf32>
        %parallel_loop3A_339 = arith.index_cast %parallel_loop3A_66 : i32 to index
        %parallel_loop3A_340 = arith.constant 352 : index
        %parallel_loop3A_341 = tpu.vector_load %arg6[%parallel_loop3A_339, %parallel_loop3A_340] {strides = array<i32>} : memref<64x768xf32, #tpu.memory_space<vmem>>, vector<16xf32>,
        %parallel_loop3A_342 = arith.index_cast %parallel_loop3A_66 : i32 to index
        %parallel_loop3A_343 = arith.constant 480 : index
        %parallel_loop3A_344 = tpu.vector_load %arg6[%parallel_loop3A_342, %parallel_loop3A_343] {strides = array<i32>} : memref<64x768xf32, #tpu.memory_space<vmem>>, vector<16xf32>,
        %parallel_loop3A_345 = arith.addf %parallel_loop3A_341, %parallel_loop3A_344 : vector<16xf32>
        %parallel_loop3A_346 = arith.addf %parallel_loop3A_338, %parallel_loop3A_345 : vector<16xf32>
        %parallel_loop3A_347 = arith.constant 0 : i32
        %parallel_loop3A_348 = vector.broadcast %parallel_loop3A_347 : i32 to vector<16xi32>
        %parallel_loop3A_349 = arith.cmpi slt, %xor3A_4, %parallel_loop3A_348 : vector<16xi32>
        %parallel_loop3A_350 = arith.constant 16 : i32
        %parallel_loop3A_351 = vector.broadcast %parallel_loop3A_350 : i32 to vector<16xi32>
        %parallel_loop3A_352 = arith.addi %xor3A_4, %parallel_loop3A_351 : vector<16xi32>
        %parallel_loop3A_353 = arith.select %parallel_loop3A_349, %parallel_loop3A_352, %xor3A_4 : vector<16xi1>, vector<16xi32>
        %parallel_loop3A_354 = vector.shape_cast %parallel_loop3A_353 : vector<16xi32> to vector<16x1xi32>
        %parallel_loop3A_355 = vector.shape_cast %parallel_loop3A_354 : vector<16x1xi32> to vector<16xi32>
        %parallel_loop3A_356 = tpu.dynamic_gather %parallel_loop3A_345[%parallel_loop3A_355] in [0] : vector<16xf32>, vector<16xi32> -> vector<16xf32>
        %parallel_loop3A_357 = arith.addf %parallel_loop3A_346, %parallel_loop3A_356 : vector<16xf32>
        %parallel_loop3A_358 = arith.index_cast %parallel_loop3A_66 : i32 to index
        %parallel_loop3A_359 = arith.constant 368 : index
        %parallel_loop3A_360 = tpu.vector_load %arg6[%parallel_loop3A_358, %parallel_loop3A_359] {strides = array<i32>} : memref<64x768xf32, #tpu.memory_space<vmem>>, vector<16xf32>,
        %parallel_loop3A_361 = arith.index_cast %parallel_loop3A_66 : i32 to index
        %parallel_loop3A_362 = arith.constant 496 : index
        %parallel_loop3A_363 = tpu.vector_load %arg6[%parallel_loop3A_361, %parallel_loop3A_362] {strides = array<i32>} : memref<64x768xf32, #tpu.memory_space<vmem>>, vector<16xf32>,
        %parallel_loop3A_364 = arith.addf %parallel_loop3A_360, %parallel_loop3A_363 : vector<16xf32>
        %parallel_loop3A_365 = arith.addf %parallel_loop3A_357, %parallel_loop3A_364 : vector<16xf32>
        %parallel_loop3A_366 = arith.constant 0 : i32
        %parallel_loop3A_367 = vector.broadcast %parallel_loop3A_366 : i32 to vector<16xi32>
        %parallel_loop3A_368 = arith.cmpi slt, %xor3A_4, %parallel_loop3A_367 : vector<16xi32>
        %parallel_loop3A_369 = arith.constant 16 : i32
        %parallel_loop3A_370 = vector.broadcast %parallel_loop3A_369 : i32 to vector<16xi32>
        %parallel_loop3A_371 = arith.addi %xor3A_4, %parallel_loop3A_370 : vector<16xi32>
        %parallel_loop3A_372 = arith.select %parallel_loop3A_368, %parallel_loop3A_371, %xor3A_4 : vector<16xi1>, vector<16xi32>
        %parallel_loop3A_373 = vector.shape_cast %parallel_loop3A_372 : vector<16xi32> to vector<16x1xi32>
        %parallel_loop3A_374 = vector.shape_cast %parallel_loop3A_373 : vector<16x1xi32> to vector<16xi32>
        %parallel_loop3A_375 = tpu.dynamic_gather %parallel_loop3A_364[%parallel_loop3A_374] in [0] : vector<16xf32>, vector<16xi32> -> vector<16xf32>
        %parallel_loop3A_376 = arith.addf %parallel_loop3A_365, %parallel_loop3A_375 : vector<16xf32>
        %parallel_loop3A_377 = arith.constant 3 : i32
        %parallel_loop3A_378 = arith.muli %parallel_loop3A_66, %parallel_loop3A_377 : i32
        %parallel_loop3A_379 = arith.constant 1 : i32
        %parallel_loop3A_380 = arith.addi %parallel_loop3A_378, %parallel_loop3A_379 : i32
        %parallel_loop3A_381 = arith.constant 16 : i32
        %parallel_loop3A_382 = arith.muli %parallel_loop3A_380, %parallel_loop3A_381 : i32
        %parallel_loop3A_383 = arith.index_cast %parallel_loop3A_382 : i32 to index
        %parallel_loop3A_384 = tpu.vector_load %arg7[%parallel_loop3A_383] {strides = array<i32>} : memref<3072xf32, #tpu.memory_space<vmem>>, vector<16xf32>,
        tpu.vector_store %arg7[%parallel_loop3A_383], %parallel_loop3A_376 {strides = array<i32>} : memref<3072xf32, #tpu.memory_space<vmem>>, vector<16xf32>,
        %parallel_loop3A_385 = arith.index_cast %parallel_loop3A_66 : i32 to index
        %parallel_loop3A_386 = arith.constant 512 : index
        %parallel_loop3A_387 = tpu.vector_load %arg6[%parallel_loop3A_385, %parallel_loop3A_386] {strides = array<i32>} : memref<64x768xf32, #tpu.memory_space<vmem>>, vector<16xf32>,
        %parallel_loop3A_388 = arith.index_cast %parallel_loop3A_66 : i32 to index
        %parallel_loop3A_389 = arith.constant 640 : index
        %parallel_loop3A_390 = tpu.vector_load %arg6[%parallel_loop3A_388, %parallel_loop3A_389] {strides = array<i32>} : memref<64x768xf32, #tpu.memory_space<vmem>>, vector<16xf32>,
        %parallel_loop3A_391 = arith.addf %parallel_loop3A_387, %parallel_loop3A_390 : vector<16xf32>
        %parallel_loop3A_392 = arith.constant 0 : i32
        %parallel_loop3A_393 = vector.broadcast %parallel_loop3A_392 : i32 to vector<16xi32>
        %parallel_loop3A_394 = arith.cmpi slt, %xor3A_4, %parallel_loop3A_393 : vector<16xi32>
        %parallel_loop3A_395 = arith.constant 16 : i32
        %parallel_loop3A_396 = vector.broadcast %parallel_loop3A_395 : i32 to vector<16xi32>
        %parallel_loop3A_397 = arith.addi %xor3A_4, %parallel_loop3A_396 : vector<16xi32>
        %parallel_loop3A_398 = arith.select %parallel_loop3A_394, %parallel_loop3A_397, %xor3A_4 : vector<16xi1>, vector<16xi32>
        %parallel_loop3A_399 = vector.shape_cast %parallel_loop3A_398 : vector<16xi32> to vector<16x1xi32>
        %parallel_loop3A_400 = vector.shape_cast %parallel_loop3A_399 : vector<16x1xi32> to vector<16xi32>
        %parallel_loop3A_401 = tpu.dynamic_gather %parallel_loop3A_391[%parallel_loop3A_400] in [0] : vector<16xf32>, vector<16xi32> -> vector<16xf32>
        %parallel_loop3A_402 = arith.addf %parallel_loop3A_391, %parallel_loop3A_401 : vector<16xf32>
        %parallel_loop3A_403 = arith.index_cast %parallel_loop3A_66 : i32 to index
        %parallel_loop3A_404 = arith.constant 528 : index
        %parallel_loop3A_405 = tpu.vector_load %arg6[%parallel_loop3A_403, %parallel_loop3A_404] {strides = array<i32>} : memref<64x768xf32, #tpu.memory_space<vmem>>, vector<16xf32>,
        %parallel_loop3A_406 = arith.index_cast %parallel_loop3A_66 : i32 to index
        %parallel_loop3A_407 = arith.constant 656 : index
        %parallel_loop3A_408 = tpu.vector_load %arg6[%parallel_loop3A_406, %parallel_loop3A_407] {strides = array<i32>} : memref<64x768xf32, #tpu.memory_space<vmem>>, vector<16xf32>,
        %parallel_loop3A_409 = arith.addf %parallel_loop3A_405, %parallel_loop3A_408 : vector<16xf32>
        %parallel_loop3A_410 = arith.addf %parallel_loop3A_402, %parallel_loop3A_409 : vector<16xf32>
        %parallel_loop3A_411 = arith.constant 0 : i32
        %parallel_loop3A_412 = vector.broadcast %parallel_loop3A_411 : i32 to vector<16xi32>
        %parallel_loop3A_413 = arith.cmpi slt, %xor3A_4, %parallel_loop3A_412 : vector<16xi32>
        %parallel_loop3A_414 = arith.constant 16 : i32
        %parallel_loop3A_415 = vector.broadcast %parallel_loop3A_414 : i32 to vector<16xi32>
        %parallel_loop3A_416 = arith.addi %xor3A_4, %parallel_loop3A_415 : vector<16xi32>
        %parallel_loop3A_417 = arith.select %parallel_loop3A_413, %parallel_loop3A_416, %xor3A_4 : vector<16xi1>, vector<16xi32>
        %parallel_loop3A_418 = vector.shape_cast %parallel_loop3A_417 : vector<16xi32> to vector<16x1xi32>
        %parallel_loop3A_419 = vector.shape_cast %parallel_loop3A_418 : vector<16x1xi32> to vector<16xi32>
        %parallel_loop3A_420 = tpu.dynamic_gather %parallel_loop3A_409[%parallel_loop3A_419] in [0] : vector<16xf32>, vector<16xi32> -> vector<16xf32>
        %parallel_loop3A_421 = arith.addf %parallel_loop3A_410, %parallel_loop3A_420 : vector<16xf32>
        %parallel_loop3A_422 = arith.index_cast %parallel_loop3A_66 : i32 to index
        %parallel_loop3A_423 = arith.constant 544 : index
        %parallel_loop3A_424 = tpu.vector_load %arg6[%parallel_loop3A_422, %parallel_loop3A_423] {strides = array<i32>} : memref<64x768xf32, #tpu.memory_space<vmem>>, vector<16xf32>,
        %parallel_loop3A_425 = arith.index_cast %parallel_loop3A_66 : i32 to index
        %parallel_loop3A_426 = arith.constant 672 : index
        %parallel_loop3A_427 = tpu.vector_load %arg6[%parallel_loop3A_425, %parallel_loop3A_426] {strides = array<i32>} : memref<64x768xf32, #tpu.memory_space<vmem>>, vector<16xf32>,
        %parallel_loop3A_428 = arith.addf %parallel_loop3A_424, %parallel_loop3A_427 : vector<16xf32>
        %parallel_loop3A_429 = arith.addf %parallel_loop3A_421, %parallel_loop3A_428 : vector<16xf32>
        %parallel_loop3A_430 = arith.constant 0 : i32
        %parallel_loop3A_431 = vector.broadcast %parallel_loop3A_430 : i32 to vector<16xi32>
        %parallel_loop3A_432 = arith.cmpi slt, %xor3A_4, %parallel_loop3A_431 : vector<16xi32>
        %parallel_loop3A_433 = arith.constant 16 : i32
        %parallel_loop3A_434 = vector.broadcast %parallel_loop3A_433 : i32 to vector<16xi32>
        %parallel_loop3A_435 = arith.addi %xor3A_4, %parallel_loop3A_434 : vector<16xi32>
        %parallel_loop3A_436 = arith.select %parallel_loop3A_432, %parallel_loop3A_435, %xor3A_4 : vector<16xi1>, vector<16xi32>
        %parallel_loop3A_437 = vector.shape_cast %parallel_loop3A_436 : vector<16xi32> to vector<16x1xi32>
        %parallel_loop3A_438 = vector.shape_cast %parallel_loop3A_437 : vector<16x1xi32> to vector<16xi32>
        %parallel_loop3A_439 = tpu.dynamic_gather %parallel_loop3A_428[%parallel_loop3A_438] in [0] : vector<16xf32>, vector<16xi32> -> vector<16xf32>
        %parallel_loop3A_440 = arith.addf %parallel_loop3A_429, %parallel_loop3A_439 : vector<16xf32>
        %parallel_loop3A_441 = arith.index_cast %parallel_loop3A_66 : i32 to index
        %parallel_loop3A_442 = arith.constant 560 : index
        %parallel_loop3A_443 = tpu.vector_load %arg6[%parallel_loop3A_441, %parallel_loop3A_442] {strides = array<i32>} : memref<64x768xf32, #tpu.memory_space<vmem>>, vector<16xf32>,
        %parallel_loop3A_444 = arith.index_cast %parallel_loop3A_66 : i32 to index
        %parallel_loop3A_445 = arith.constant 688 : index
        %parallel_loop3A_446 = tpu.vector_load %arg6[%parallel_loop3A_444, %parallel_loop3A_445] {strides = array<i32>} : memref<64x768xf32, #tpu.memory_space<vmem>>, vector<16xf32>,
        %parallel_loop3A_447 = arith.addf %parallel_loop3A_443, %parallel_loop3A_446 : vector<16xf32>
        %parallel_loop3A_448 = arith.addf %parallel_loop3A_440, %parallel_loop3A_447 : vector<16xf32>
        %parallel_loop3A_449 = arith.constant 0 : i32
        %parallel_loop3A_450 = vector.broadcast %parallel_loop3A_449 : i32 to vector<16xi32>
        %parallel_loop3A_451 = arith.cmpi slt, %xor3A_4, %parallel_loop3A_450 : vector<16xi32>
        %parallel_loop3A_452 = arith.constant 16 : i32
        %parallel_loop3A_453 = vector.broadcast %parallel_loop3A_452 : i32 to vector<16xi32>
        %parallel_loop3A_454 = arith.addi %xor3A_4, %parallel_loop3A_453 : vector<16xi32>
        %parallel_loop3A_455 = arith.select %parallel_loop3A_451, %parallel_loop3A_454, %xor3A_4 : vector<16xi1>, vector<16xi32>
        %parallel_loop3A_456 = vector.shape_cast %parallel_loop3A_455 : vector<16xi32> to vector<16x1xi32>
        %parallel_loop3A_457 = vector.shape_cast %parallel_loop3A_456 : vector<16x1xi32> to vector<16xi32>
        %parallel_loop3A_458 = tpu.dynamic_gather %parallel_loop3A_447[%parallel_loop3A_457] in [0] : vector<16xf32>, vector<16xi32> -> vector<16xf32>
        %parallel_loop3A_459 = arith.addf %parallel_loop3A_448, %parallel_loop3A_458 : vector<16xf32>
        %parallel_loop3A_460 = arith.index_cast %parallel_loop3A_66 : i32 to index
        %parallel_loop3A_461 = arith.constant 576 : index
        %parallel_loop3A_462 = tpu.vector_load %arg6[%parallel_loop3A_460, %parallel_loop3A_461] {strides = array<i32>} : memref<64x768xf32, #tpu.memory_space<vmem>>, vector<16xf32>,
        %parallel_loop3A_463 = arith.index_cast %parallel_loop3A_66 : i32 to index
        %parallel_loop3A_464 = arith.constant 704 : index
        %parallel_loop3A_465 = tpu.vector_load %arg6[%parallel_loop3A_463, %parallel_loop3A_464] {strides = array<i32>} : memref<64x768xf32, #tpu.memory_space<vmem>>, vector<16xf32>,
        %parallel_loop3A_466 = arith.addf %parallel_loop3A_462, %parallel_loop3A_465 : vector<16xf32>
        %parallel_loop3A_467 = arith.addf %parallel_loop3A_459, %parallel_loop3A_466 : vector<16xf32>
        %parallel_loop3A_468 = arith.constant 0 : i32
        %parallel_loop3A_469 = vector.broadcast %parallel_loop3A_468 : i32 to vector<16xi32>
        %parallel_loop3A_470 = arith.cmpi slt, %xor3A_4, %parallel_loop3A_469 : vector<16xi32>
        %parallel_loop3A_471 = arith.constant 16 : i32
        %parallel_loop3A_472 = vector.broadcast %parallel_loop3A_471 : i32 to vector<16xi32>
        %parallel_loop3A_473 = arith.addi %xor3A_4, %parallel_loop3A_472 : vector<16xi32>
        %parallel_loop3A_474 = arith.select %parallel_loop3A_470, %parallel_loop3A_473, %xor3A_4 : vector<16xi1>, vector<16xi32>
        %parallel_loop3A_475 = vector.shape_cast %parallel_loop3A_474 : vector<16xi32> to vector<16x1xi32>
        %parallel_loop3A_476 = vector.shape_cast %parallel_loop3A_475 : vector<16x1xi32> to vector<16xi32>
        %parallel_loop3A_477 = tpu.dynamic_gather %parallel_loop3A_466[%parallel_loop3A_476] in [0] : vector<16xf32>, vector<16xi32> -> vector<16xf32>
        %parallel_loop3A_478 = arith.addf %parallel_loop3A_467, %parallel_loop3A_477 : vector<16xf32>
        %parallel_loop3A_479 = arith.index_cast %parallel_loop3A_66 : i32 to index
        %parallel_loop3A_480 = arith.constant 592 : index
        %parallel_loop3A_481 = tpu.vector_load %arg6[%parallel_loop3A_479, %parallel_loop3A_480] {strides = array<i32>} : memref<64x768xf32, #tpu.memory_space<vmem>>, vector<16xf32>,
        %parallel_loop3A_482 = arith.index_cast %parallel_loop3A_66 : i32 to index
        %parallel_loop3A_483 = arith.constant 720 : index
        %parallel_loop3A_484 = tpu.vector_load %arg6[%parallel_loop3A_482, %parallel_loop3A_483] {strides = array<i32>} : memref<64x768xf32, #tpu.memory_space<vmem>>, vector<16xf32>,
        %parallel_loop3A_485 = arith.addf %parallel_loop3A_481, %parallel_loop3A_484 : vector<16xf32>
        %parallel_loop3A_486 = arith.addf %parallel_loop3A_478, %parallel_loop3A_485 : vector<16xf32>
        %parallel_loop3A_487 = arith.constant 0 : i32
        %parallel_loop3A_488 = vector.broadcast %parallel_loop3A_487 : i32 to vector<16xi32>
        %parallel_loop3A_489 = arith.cmpi slt, %xor3A_4, %parallel_loop3A_488 : vector<16xi32>
        %parallel_loop3A_490 = arith.constant 16 : i32
        %parallel_loop3A_491 = vector.broadcast %parallel_loop3A_490 : i32 to vector<16xi32>
        %parallel_loop3A_492 = arith.addi %xor3A_4, %parallel_loop3A_491 : vector<16xi32>
        %parallel_loop3A_493 = arith.select %parallel_loop3A_489, %parallel_loop3A_492, %xor3A_4 : vector<16xi1>, vector<16xi32>
        %parallel_loop3A_494 = vector.shape_cast %parallel_loop3A_493 : vector<16xi32> to vector<16x1xi32>
        %parallel_loop3A_495 = vector.shape_cast %parallel_loop3A_494 : vector<16x1xi32> to vector<16xi32>
        %parallel_loop3A_496 = tpu.dynamic_gather %parallel_loop3A_485[%parallel_loop3A_495] in [0] : vector<16xf32>, vector<16xi32> -> vector<16xf32>
        %parallel_loop3A_497 = arith.addf %parallel_loop3A_486, %parallel_loop3A_496 : vector<16xf32>
        %parallel_loop3A_498 = arith.index_cast %parallel_loop3A_66 : i32 to index
        %parallel_loop3A_499 = arith.constant 608 : index
        %parallel_loop3A_500 = tpu.vector_load %arg6[%parallel_loop3A_498, %parallel_loop3A_499] {strides = array<i32>} : memref<64x768xf32, #tpu.memory_space<vmem>>, vector<16xf32>,
        %parallel_loop3A_501 = arith.index_cast %parallel_loop3A_66 : i32 to index
        %parallel_loop3A_502 = arith.constant 736 : index
        %parallel_loop3A_503 = tpu.vector_load %arg6[%parallel_loop3A_501, %parallel_loop3A_502] {strides = array<i32>} : memref<64x768xf32, #tpu.memory_space<vmem>>, vector<16xf32>,
        %parallel_loop3A_504 = arith.addf %parallel_loop3A_500, %parallel_loop3A_503 : vector<16xf32>
        %parallel_loop3A_505 = arith.addf %parallel_loop3A_497, %parallel_loop3A_504 : vector<16xf32>
        %parallel_loop3A_506 = arith.constant 0 : i32
        %parallel_loop3A_507 = vector.broadcast %parallel_loop3A_506 : i32 to vector<16xi32>
        %parallel_loop3A_508 = arith.cmpi slt, %xor3A_4, %parallel_loop3A_507 : vector<16xi32>
        %parallel_loop3A_509 = arith.constant 16 : i32
        %parallel_loop3A_510 = vector.broadcast %parallel_loop3A_509 : i32 to vector<16xi32>
        %parallel_loop3A_511 = arith.addi %xor3A_4, %parallel_loop3A_510 : vector<16xi32>
        %parallel_loop3A_512 = arith.select %parallel_loop3A_508, %parallel_loop3A_511, %xor3A_4 : vector<16xi1>, vector<16xi32>
        %parallel_loop3A_513 = vector.shape_cast %parallel_loop3A_512 : vector<16xi32> to vector<16x1xi32>
        %parallel_loop3A_514 = vector.shape_cast %parallel_loop3A_513 : vector<16x1xi32> to vector<16xi32>
        %parallel_loop3A_515 = tpu.dynamic_gather %parallel_loop3A_504[%parallel_loop3A_514] in [0] : vector<16xf32>, vector<16xi32> -> vector<16xf32>
        %parallel_loop3A_516 = arith.addf %parallel_loop3A_505, %parallel_loop3A_515 : vector<16xf32>
        %parallel_loop3A_517 = arith.index_cast %parallel_loop3A_66 : i32 to index
        %parallel_loop3A_518 = arith.constant 624 : index
        %parallel_loop3A_519 = tpu.vector_load %arg6[%parallel_loop3A_517, %parallel_loop3A_518] {strides = array<i32>} : memref<64x768xf32, #tpu.memory_space<vmem>>, vector<16xf32>,
        %parallel_loop3A_520 = arith.index_cast %parallel_loop3A_66 : i32 to index
        %parallel_loop3A_521 = arith.constant 752 : index
        %parallel_loop3A_522 = tpu.vector_load %arg6[%parallel_loop3A_520, %parallel_loop3A_521] {strides = array<i32>} : memref<64x768xf32, #tpu.memory_space<vmem>>, vector<16xf32>,
        %parallel_loop3A_523 = arith.addf %parallel_loop3A_519, %parallel_loop3A_522 : vector<16xf32>
        %parallel_loop3A_524 = arith.addf %parallel_loop3A_516, %parallel_loop3A_523 : vector<16xf32>
        %parallel_loop3A_525 = arith.constant 0 : i32
        %parallel_loop3A_526 = vector.broadcast %parallel_loop3A_525 : i32 to vector<16xi32>
        %parallel_loop3A_527 = arith.cmpi slt, %xor3A_4, %parallel_loop3A_526 : vector<16xi32>
        %parallel_loop3A_528 = arith.constant 16 : i32
        %parallel_loop3A_529 = vector.broadcast %parallel_loop3A_528 : i32 to vector<16xi32>
        %parallel_loop3A_530 = arith.addi %xor3A_4, %parallel_loop3A_529 : vector<16xi32>
        %parallel_loop3A_531 = arith.select %parallel_loop3A_527, %parallel_loop3A_530, %xor3A_4 : vector<16xi1>, vector<16xi32>
        %parallel_loop3A_532 = vector.shape_cast %parallel_loop3A_531 : vector<16xi32> to vector<16x1xi32>
        %parallel_loop3A_533 = vector.shape_cast %parallel_loop3A_532 : vector<16x1xi32> to vector<16xi32>
        %parallel_loop3A_534 = tpu.dynamic_gather %parallel_loop3A_523[%parallel_loop3A_533] in [0] : vector<16xf32>, vector<16xi32> -> vector<16xf32>
        %parallel_loop3A_535 = arith.addf %parallel_loop3A_524, %parallel_loop3A_534 : vector<16xf32>
        %parallel_loop3A_536 = arith.constant 3 : i32
        %parallel_loop3A_537 = arith.muli %parallel_loop3A_66, %parallel_loop3A_536 : i32
        %parallel_loop3A_538 = arith.constant 2 : i32
        %parallel_loop3A_539 = arith.addi %parallel_loop3A_537, %parallel_loop3A_538 : i32
        %parallel_loop3A_540 = arith.constant 16 : i32
        %parallel_loop3A_541 = arith.muli %parallel_loop3A_539, %parallel_loop3A_540 : i32
        %parallel_loop3A_542 = arith.index_cast %parallel_loop3A_541 : i32 to index
        %parallel_loop3A_543 = tpu.vector_load %arg7[%parallel_loop3A_542] {strides = array<i32>} : memref<3072xf32, #tpu.memory_space<vmem>>, vector<16xf32>,
        tpu.vector_store %arg7[%parallel_loop3A_542], %parallel_loop3A_535 {strides = array<i32>} : memref<3072xf32, #tpu.memory_space<vmem>>, vector<16xf32>,
      } {sc.loop_unroll_factor = 4 : i64, sc.parallel_access}
      %scan3A_58 = arith.constant 0 : i32
      %scan3A_59 = arith.constant 0 : i32
      %scan3A_60 = arith.constant 4 : i32
      %scan3A_61 = arith.addi %scan3A_59, %scan3A_60 : i32
      %scan3A_62 = arith.constant 1 : i32
      %scan3A_63 = scf.for %scan3A_66 = %scan3A_59 to %scan3A_61 step %scan3A_62 iter_args(%scan3A_67 = %scan3A_58) -> (i32)  : i32 {
        %mul3A_68 = arith.constant 16 : i32
        %mul3A_69 = arith.muli %scan3A_66, %mul3A_68 : i32
        %add3A_70 = vector.broadcast %mul3A_69 : i32 to vector<16xi32>
        %add3A_71 = arith.addi %add3A_70, %iota3A : vector<16xi32>
        %mul3A_72 = arith.constant 48 : i32
        %mul3A_73 = vector.broadcast %mul3A_72 : i32 to vector<16xi32>
        %mul3A_74 = arith.muli %add3A_71, %mul3A_73 : vector<16xi32>
        %add3A_75 = arith.constant 0 : i32
        %add3A_76 = vector.broadcast %add3A_75 : i32 to vector<16xi32>
        %add3A_77 = arith.addi %mul3A_74, %add3A_76 : vector<16xi32>
        %add3A_78 = arith.constant 0 : i32
        %add3A_79 = vector.broadcast %add3A_78 : i32 to vector<16xi32>
        %add3A_80 = arith.addi %add3A_77, %add3A_79 : vector<16xi32>
        %gather3A = tpu.vector_load_idx %arg7[%add3A_80] : memref<3072xf32, #tpu.memory_space<vmem>>[vector<16xi32>], vector<16xf32>,
        %add3A_81 = arith.constant 0 : i32
        %add3A_82 = vector.broadcast %add3A_81 : i32 to vector<16xi32>
        %add3A_83 = arith.addi %mul3A_74, %add3A_82 : vector<16xi32>
        %add3A_84 = arith.constant 1 : i32
        %add3A_85 = vector.broadcast %add3A_84 : i32 to vector<16xi32>
        %add3A_86 = arith.addi %add3A_83, %add3A_85 : vector<16xi32>
        %gather3A_87 = tpu.vector_load_idx %arg7[%add3A_86] : memref<3072xf32, #tpu.memory_space<vmem>>[vector<16xi32>], vector<16xf32>,
        %add3A_88 = arith.constant 0 : i32
        %add3A_89 = vector.broadcast %add3A_88 : i32 to vector<16xi32>
        %add3A_90 = arith.addi %mul3A_74, %add3A_89 : vector<16xi32>
        %add3A_91 = arith.constant 2 : i32
        %add3A_92 = vector.broadcast %add3A_91 : i32 to vector<16xi32>
        %add3A_93 = arith.addi %add3A_90, %add3A_92 : vector<16xi32>
        %gather3A_94 = tpu.vector_load_idx %arg7[%add3A_93] : memref<3072xf32, #tpu.memory_space<vmem>>[vector<16xi32>], vector<16xf32>,
        %add3A_95 = arith.constant 0 : i32
        %add3A_96 = vector.broadcast %add3A_95 : i32 to vector<16xi32>
        %add3A_97 = arith.addi %mul3A_74, %add3A_96 : vector<16xi32>
        %add3A_98 = arith.constant 3 : i32
        %add3A_99 = vector.broadcast %add3A_98 : i32 to vector<16xi32>
        %add3A_100 = arith.addi %add3A_97, %add3A_99 : vector<16xi32>
        %gather3A_101 = tpu.vector_load_idx %arg7[%add3A_100] : memref<3072xf32, #tpu.memory_space<vmem>>[vector<16xi32>], vector<16xf32>,
        %add3A_102 = arith.constant 0 : i32
        %add3A_103 = vector.broadcast %add3A_102 : i32 to vector<16xi32>
        %add3A_104 = arith.addi %mul3A_74, %add3A_103 : vector<16xi32>
        %add3A_105 = arith.constant 4 : i32
        %add3A_106 = vector.broadcast %add3A_105 : i32 to vector<16xi32>
        %add3A_107 = arith.addi %add3A_104, %add3A_106 : vector<16xi32>
        %gather3A_108 = tpu.vector_load_idx %arg7[%add3A_107] : memref<3072xf32, #tpu.memory_space<vmem>>[vector<16xi32>], vector<16xf32>,
        %add3A_109 = arith.constant 0 : i32
        %add3A_110 = vector.broadcast %add3A_109 : i32 to vector<16xi32>
        %add3A_111 = arith.addi %mul3A_74, %add3A_110 : vector<16xi32>
        %add3A_112 = arith.constant 5 : i32
        %add3A_113 = vector.broadcast %add3A_112 : i32 to vector<16xi32>
        %add3A_114 = arith.addi %add3A_111, %add3A_113 : vector<16xi32>
        %gather3A_115 = tpu.vector_load_idx %arg7[%add3A_114] : memref<3072xf32, #tpu.memory_space<vmem>>[vector<16xi32>], vector<16xf32>,
        %add3A_116 = arith.constant 0 : i32
        %add3A_117 = vector.broadcast %add3A_116 : i32 to vector<16xi32>
        %add3A_118 = arith.addi %mul3A_74, %add3A_117 : vector<16xi32>
        %add3A_119 = arith.constant 6 : i32
        %add3A_120 = vector.broadcast %add3A_119 : i32 to vector<16xi32>
        %add3A_121 = arith.addi %add3A_118, %add3A_120 : vector<16xi32>
        %gather3A_122 = tpu.vector_load_idx %arg7[%add3A_121] : memref<3072xf32, #tpu.memory_space<vmem>>[vector<16xi32>], vector<16xf32>,
        %add3A_123 = arith.constant 0 : i32
        %add3A_124 = vector.broadcast %add3A_123 : i32 to vector<16xi32>
        %add3A_125 = arith.addi %mul3A_74, %add3A_124 : vector<16xi32>
        %add3A_126 = arith.constant 7 : i32
        %add3A_127 = vector.broadcast %add3A_126 : i32 to vector<16xi32>
        %add3A_128 = arith.addi %add3A_125, %add3A_127 : vector<16xi32>
        %gather3A_129 = tpu.vector_load_idx %arg7[%add3A_128] : memref<3072xf32, #tpu.memory_space<vmem>>[vector<16xi32>], vector<16xf32>,
        %add3A_130 = arith.addf %gather3A, %gather3A_108 : vector<16xf32>
        %add3A_131 = arith.addf %gather3A_94, %gather3A_122 : vector<16xf32>
        %add3A_132 = arith.addf %add3A_130, %add3A_131 : vector<16xf32>
        %add3A_133 = arith.addf %gather3A_87, %gather3A_115 : vector<16xf32>
        %add3A_134 = arith.addf %gather3A_101, %gather3A_129 : vector<16xf32>
        %add3A_135 = arith.addf %add3A_133, %add3A_134 : vector<16xf32>
        %add3A_136 = arith.addf %add3A_132, %add3A_135 : vector<16xf32>
        %add3A_137 = arith.constant 16 : i32
        %add3A_138 = vector.broadcast %add3A_137 : i32 to vector<16xi32>
        %add3A_139 = arith.addi %mul3A_74, %add3A_138 : vector<16xi32>
        %add3A_140 = arith.constant 0 : i32
        %add3A_141 = vector.broadcast %add3A_140 : i32 to vector<16xi32>
        %add3A_142 = arith.addi %add3A_139, %add3A_141 : vector<16xi32>
        %gather3A_143 = tpu.vector_load_idx %arg7[%add3A_142] : memref<3072xf32, #tpu.memory_space<vmem>>[vector<16xi32>], vector<16xf32>,
        %add3A_144 = arith.constant 16 : i32
        %add3A_145 = vector.broadcast %add3A_144 : i32 to vector<16xi32>
        %add3A_146 = arith.addi %mul3A_74, %add3A_145 : vector<16xi32>
        %add3A_147 = arith.constant 1 : i32
        %add3A_148 = vector.broadcast %add3A_147 : i32 to vector<16xi32>
        %add3A_149 = arith.addi %add3A_146, %add3A_148 : vector<16xi32>
        %gather3A_150 = tpu.vector_load_idx %arg7[%add3A_149] : memref<3072xf32, #tpu.memory_space<vmem>>[vector<16xi32>], vector<16xf32>,
        %add3A_151 = arith.constant 16 : i32
        %add3A_152 = vector.broadcast %add3A_151 : i32 to vector<16xi32>
        %add3A_153 = arith.addi %mul3A_74, %add3A_152 : vector<16xi32>
        %add3A_154 = arith.constant 2 : i32
        %add3A_155 = vector.broadcast %add3A_154 : i32 to vector<16xi32>
        %add3A_156 = arith.addi %add3A_153, %add3A_155 : vector<16xi32>
        %gather3A_157 = tpu.vector_load_idx %arg7[%add3A_156] : memref<3072xf32, #tpu.memory_space<vmem>>[vector<16xi32>], vector<16xf32>,
        %add3A_158 = arith.constant 16 : i32
        %add3A_159 = vector.broadcast %add3A_158 : i32 to vector<16xi32>
        %add3A_160 = arith.addi %mul3A_74, %add3A_159 : vector<16xi32>
        %add3A_161 = arith.constant 3 : i32
        %add3A_162 = vector.broadcast %add3A_161 : i32 to vector<16xi32>
        %add3A_163 = arith.addi %add3A_160, %add3A_162 : vector<16xi32>
        %gather3A_164 = tpu.vector_load_idx %arg7[%add3A_163] : memref<3072xf32, #tpu.memory_space<vmem>>[vector<16xi32>], vector<16xf32>,
        %add3A_165 = arith.constant 16 : i32
        %add3A_166 = vector.broadcast %add3A_165 : i32 to vector<16xi32>
        %add3A_167 = arith.addi %mul3A_74, %add3A_166 : vector<16xi32>
        %add3A_168 = arith.constant 4 : i32
        %add3A_169 = vector.broadcast %add3A_168 : i32 to vector<16xi32>
        %add3A_170 = arith.addi %add3A_167, %add3A_169 : vector<16xi32>
        %gather3A_171 = tpu.vector_load_idx %arg7[%add3A_170] : memref<3072xf32, #tpu.memory_space<vmem>>[vector<16xi32>], vector<16xf32>,
        %add3A_172 = arith.constant 16 : i32
        %add3A_173 = vector.broadcast %add3A_172 : i32 to vector<16xi32>
        %add3A_174 = arith.addi %mul3A_74, %add3A_173 : vector<16xi32>
        %add3A_175 = arith.constant 5 : i32
        %add3A_176 = vector.broadcast %add3A_175 : i32 to vector<16xi32>
        %add3A_177 = arith.addi %add3A_174, %add3A_176 : vector<16xi32>
        %gather3A_178 = tpu.vector_load_idx %arg7[%add3A_177] : memref<3072xf32, #tpu.memory_space<vmem>>[vector<16xi32>], vector<16xf32>,
        %add3A_179 = arith.constant 16 : i32
        %add3A_180 = vector.broadcast %add3A_179 : i32 to vector<16xi32>
        %add3A_181 = arith.addi %mul3A_74, %add3A_180 : vector<16xi32>
        %add3A_182 = arith.constant 6 : i32
        %add3A_183 = vector.broadcast %add3A_182 : i32 to vector<16xi32>
        %add3A_184 = arith.addi %add3A_181, %add3A_183 : vector<16xi32>
        %gather3A_185 = tpu.vector_load_idx %arg7[%add3A_184] : memref<3072xf32, #tpu.memory_space<vmem>>[vector<16xi32>], vector<16xf32>,
        %add3A_186 = arith.constant 16 : i32
        %add3A_187 = vector.broadcast %add3A_186 : i32 to vector<16xi32>
        %add3A_188 = arith.addi %mul3A_74, %add3A_187 : vector<16xi32>
        %add3A_189 = arith.constant 7 : i32
        %add3A_190 = vector.broadcast %add3A_189 : i32 to vector<16xi32>
        %add3A_191 = arith.addi %add3A_188, %add3A_190 : vector<16xi32>
        %gather3A_192 = tpu.vector_load_idx %arg7[%add3A_191] : memref<3072xf32, #tpu.memory_space<vmem>>[vector<16xi32>], vector<16xf32>,
        %add3A_193 = arith.addf %gather3A_143, %gather3A_171 : vector<16xf32>
        %add3A_194 = arith.addf %gather3A_157, %gather3A_185 : vector<16xf32>
        %add3A_195 = arith.addf %add3A_193, %add3A_194 : vector<16xf32>
        %add3A_196 = arith.addf %gather3A_150, %gather3A_178 : vector<16xf32>
        %add3A_197 = arith.addf %gather3A_164, %gather3A_192 : vector<16xf32>
        %add3A_198 = arith.addf %add3A_196, %add3A_197 : vector<16xf32>
        %add3A_199 = arith.addf %add3A_195, %add3A_198 : vector<16xf32>
        %add3A_200 = arith.constant 32 : i32
        %add3A_201 = vector.broadcast %add3A_200 : i32 to vector<16xi32>
        %add3A_202 = arith.addi %mul3A_74, %add3A_201 : vector<16xi32>
        %add3A_203 = arith.constant 0 : i32
        %add3A_204 = vector.broadcast %add3A_203 : i32 to vector<16xi32>
        %add3A_205 = arith.addi %add3A_202, %add3A_204 : vector<16xi32>
        %gather3A_206 = tpu.vector_load_idx %arg7[%add3A_205] : memref<3072xf32, #tpu.memory_space<vmem>>[vector<16xi32>], vector<16xf32>,
        %add3A_207 = arith.constant 32 : i32
        %add3A_208 = vector.broadcast %add3A_207 : i32 to vector<16xi32>
        %add3A_209 = arith.addi %mul3A_74, %add3A_208 : vector<16xi32>
        %add3A_210 = arith.constant 1 : i32
        %add3A_211 = vector.broadcast %add3A_210 : i32 to vector<16xi32>
        %add3A_212 = arith.addi %add3A_209, %add3A_211 : vector<16xi32>
        %gather3A_213 = tpu.vector_load_idx %arg7[%add3A_212] : memref<3072xf32, #tpu.memory_space<vmem>>[vector<16xi32>], vector<16xf32>,
        %add3A_214 = arith.constant 32 : i32
        %add3A_215 = vector.broadcast %add3A_214 : i32 to vector<16xi32>
        %add3A_216 = arith.addi %mul3A_74, %add3A_215 : vector<16xi32>
        %add3A_217 = arith.constant 2 : i32
        %add3A_218 = vector.broadcast %add3A_217 : i32 to vector<16xi32>
        %add3A_219 = arith.addi %add3A_216, %add3A_218 : vector<16xi32>
        %gather3A_220 = tpu.vector_load_idx %arg7[%add3A_219] : memref<3072xf32, #tpu.memory_space<vmem>>[vector<16xi32>], vector<16xf32>,
        %add3A_221 = arith.constant 32 : i32
        %add3A_222 = vector.broadcast %add3A_221 : i32 to vector<16xi32>
        %add3A_223 = arith.addi %mul3A_74, %add3A_222 : vector<16xi32>
        %add3A_224 = arith.constant 3 : i32
        %add3A_225 = vector.broadcast %add3A_224 : i32 to vector<16xi32>
        %add3A_226 = arith.addi %add3A_223, %add3A_225 : vector<16xi32>
        %gather3A_227 = tpu.vector_load_idx %arg7[%add3A_226] : memref<3072xf32, #tpu.memory_space<vmem>>[vector<16xi32>], vector<16xf32>,
        %add3A_228 = arith.constant 32 : i32
        %add3A_229 = vector.broadcast %add3A_228 : i32 to vector<16xi32>
        %add3A_230 = arith.addi %mul3A_74, %add3A_229 : vector<16xi32>
        %add3A_231 = arith.constant 4 : i32
        %add3A_232 = vector.broadcast %add3A_231 : i32 to vector<16xi32>
        %add3A_233 = arith.addi %add3A_230, %add3A_232 : vector<16xi32>
        %gather3A_234 = tpu.vector_load_idx %arg7[%add3A_233] : memref<3072xf32, #tpu.memory_space<vmem>>[vector<16xi32>], vector<16xf32>,
        %add3A_235 = arith.constant 32 : i32
        %add3A_236 = vector.broadcast %add3A_235 : i32 to vector<16xi32>
        %add3A_237 = arith.addi %mul3A_74, %add3A_236 : vector<16xi32>
        %add3A_238 = arith.constant 5 : i32
        %add3A_239 = vector.broadcast %add3A_238 : i32 to vector<16xi32>
        %add3A_240 = arith.addi %add3A_237, %add3A_239 : vector<16xi32>
        %gather3A_241 = tpu.vector_load_idx %arg7[%add3A_240] : memref<3072xf32, #tpu.memory_space<vmem>>[vector<16xi32>], vector<16xf32>,
        %add3A_242 = arith.constant 32 : i32
        %add3A_243 = vector.broadcast %add3A_242 : i32 to vector<16xi32>
        %add3A_244 = arith.addi %mul3A_74, %add3A_243 : vector<16xi32>
        %add3A_245 = arith.constant 6 : i32
        %add3A_246 = vector.broadcast %add3A_245 : i32 to vector<16xi32>
        %add3A_247 = arith.addi %add3A_244, %add3A_246 : vector<16xi32>
        %gather3A_248 = tpu.vector_load_idx %arg7[%add3A_247] : memref<3072xf32, #tpu.memory_space<vmem>>[vector<16xi32>], vector<16xf32>,
        %add3A_249 = arith.constant 32 : i32
        %add3A_250 = vector.broadcast %add3A_249 : i32 to vector<16xi32>
        %add3A_251 = arith.addi %mul3A_74, %add3A_250 : vector<16xi32>
        %add3A_252 = arith.constant 7 : i32
        %add3A_253 = vector.broadcast %add3A_252 : i32 to vector<16xi32>
        %add3A_254 = arith.addi %add3A_251, %add3A_253 : vector<16xi32>
        %gather3A_255 = tpu.vector_load_idx %arg7[%add3A_254] : memref<3072xf32, #tpu.memory_space<vmem>>[vector<16xi32>], vector<16xf32>,
        %add3A_256 = arith.addf %gather3A_206, %gather3A_234 : vector<16xf32>
        %add3A_257 = arith.addf %gather3A_220, %gather3A_248 : vector<16xf32>
        %add3A_258 = arith.addf %add3A_256, %add3A_257 : vector<16xf32>
        %add3A_259 = arith.addf %gather3A_213, %gather3A_241 : vector<16xf32>
        %add3A_260 = arith.addf %gather3A_227, %gather3A_255 : vector<16xf32>
        %add3A_261 = arith.addf %add3A_259, %add3A_260 : vector<16xf32>
        %add3A_262 = arith.addf %add3A_258, %add3A_261 : vector<16xf32>
        %add3A_263 = arith.addf %add3A_136, %add3A_199 : vector<16xf32>
        %add3A_264 = arith.addf %add3A_263, %add3A_262 : vector<16xf32>
        %abs3A = math.absf %add3A_264 : vector<16xf32>
        %mul3A_265 = arith.constant 1.000000e+03 : f32
        %mul3A_266 = vector.broadcast %mul3A_265 : f32 to vector<16xf32>
        %mul3A_267 = arith.mulf %abs3A, %mul3A_266 : vector<16xf32>
        %convert_element_type3A_268 = arith.fptosi %mul3A_267 : vector<16xf32> to vector<16xi32>
        %jit3A = arith.constant 64 : i32
        %eq3A = arith.constant 0 : i32
        %eq3A_269 = arith.cmpi eq, %jit3A, %eq3A : i32
        %jit3A_270 = arith.constant 1 : i32
        %select_n3A = arith.select %eq3A_269, %jit3A_270, %jit3A : i32
        %rem3A = vector.broadcast %select_n3A : i32 to vector<16xi32>
        %rem3A_271 = arith.remsi %convert_element_type3A_268, %rem3A : vector<16xi32>
        %ne3A = arith.constant 0 : i32
        %ne3A_272 = vector.broadcast %ne3A : i32 to vector<16xi32>
        %ne3A_273 = arith.cmpi ne, %rem3A_271, %ne3A_272 : vector<16xi32>
        %lt3A_274 = arith.constant 0 : i32
        %lt3A_275 = vector.broadcast %lt3A_274 : i32 to vector<16xi32>
        %lt3A_276 = arith.cmpi slt, %rem3A_271, %lt3A_275 : vector<16xi32>
        %lt3A_277 = arith.constant 0 : i32
        %lt3A_278 = arith.cmpi slt, %select_n3A, %lt3A_277 : i32
        %ne3A_279 = vector.broadcast %lt3A_278 : i1 to vector<16xi1>
        %ne3A_280 = vector.broadcast %ne3A_279 : vector<16xi1> to vector<16xi1>
        %ne3A_281 = arith.xori %lt3A_276, %ne3A_280 : vector<16xi1>
        %and3A = arith.andi %ne3A_281, %ne3A_273 : vector<16xi1>
        %add3A_282 = vector.broadcast %select_n3A : i32 to vector<16xi32>
        %add3A_283 = arith.addi %rem3A_271, %add3A_282 : vector<16xi32>
        %select_n3A_284 = arith.select %and3A, %add3A_283, %rem3A_271 : vector<16xi1>, vector<16xi32>
        %add3A_285 = arith.constant 1 : i32
        %add3A_286 = vector.broadcast %add3A_285 : i32 to vector<16xi32>
        %add3A_287 = arith.addi %select_n3A_284, %add3A_286 : vector<16xi32>
        %jit3A_288 = arith.constant 64 : i32
        %eq3A_289 = arith.constant 0 : i32
        %eq3A_290 = arith.cmpi eq, %jit3A_288, %eq3A_289 : i32
        %jit3A_291 = arith.constant 1 : i32
        %select_n3A_292 = arith.select %eq3A_290, %jit3A_291, %jit3A_288 : i32
        %rem3A_293 = vector.broadcast %select_n3A_292 : i32 to vector<16xi32>
        %rem3A_294 = arith.remsi %add3A_287, %rem3A_293 : vector<16xi32>
        %ne3A_295 = arith.constant 0 : i32
        %ne3A_296 = vector.broadcast %ne3A_295 : i32 to vector<16xi32>
        %ne3A_297 = arith.cmpi ne, %rem3A_294, %ne3A_296 : vector<16xi32>
        %lt3A_298 = arith.constant 0 : i32
        %lt3A_299 = vector.broadcast %lt3A_298 : i32 to vector<16xi32>
        %lt3A_300 = arith.cmpi slt, %rem3A_294, %lt3A_299 : vector<16xi32>
        %lt3A_301 = arith.constant 0 : i32
        %lt3A_302 = arith.cmpi slt, %select_n3A_292, %lt3A_301 : i32
        %ne3A_303 = vector.broadcast %lt3A_302 : i1 to vector<16xi1>
        %ne3A_304 = vector.broadcast %ne3A_303 : vector<16xi1> to vector<16xi1>
        %ne3A_305 = arith.xori %lt3A_300, %ne3A_304 : vector<16xi1>
        %and3A_306 = arith.andi %ne3A_305, %ne3A_297 : vector<16xi1>
        %add3A_307 = vector.broadcast %select_n3A_292 : i32 to vector<16xi32>
        %add3A_308 = arith.addi %rem3A_294, %add3A_307 : vector<16xi32>
        %select_n3A_309 = arith.select %and3A_306, %add3A_308, %rem3A_294 : vector<16xi1>, vector<16xi32>
        %mul3A_310 = arith.constant 64 : i32
        %mul3A_311 = arith.muli %add3A_54, %mul3A_310 : i32
        %mul3A_312 = arith.constant 16 : i32
        %mul3A_313 = arith.muli %scan3A_66, %mul3A_312 : i32
        %add3A_314 = arith.addi %mul3A_311, %mul3A_313 : i32
        %swap3A = arith.index_cast %add3A_314 : i32 to index
        %swap3A_315 = tpu.vector_load %arg8[%swap3A] {strides = array<i32>} : memref<1024xi32, #tpu.memory_space<vmem>>, vector<16xi32>,
        tpu.vector_store %arg8[%swap3A], %select_n3A_284 {strides = array<i32>} : memref<1024xi32, #tpu.memory_space<vmem>>, vector<16xi32>,
        %swap3A_316 = arith.index_cast %add3A_314 : i32 to index
        %swap3A_317 = tpu.vector_load %arg9[%swap3A_316] {strides = array<i32>} : memref<1024xi32, #tpu.memory_space<vmem>>, vector<16xi32>,
        tpu.vector_store %arg9[%swap3A_316], %select_n3A_309 {strides = array<i32>} : memref<1024xi32, #tpu.memory_space<vmem>>, vector<16xi32>,
        %scan3A_318 = arith.constant 0 : i32
        scf.yield %scan3A_318 : i32
      }
      %scan3A_64 = arith.constant 4 : i32
      %scan3A_65 = arith.constant 0 : i32
      scf.yield %scan3A_65 : i32
    }
    %scan3A_15 = arith.constant 8 : i32
    %multiple_of3A_16 = tpu.assume_multiple %mul3A_2, 8 : i32
    "tpu.region"() ({
      %run_scoped3A = tpu.sem_alloc : memref<!tpu.dma_semaphore, #tpu.memory_space<semaphore_mem>>
      %dma_start3A_17 = tpu.memref_slice %arg3[%multiple_of3A_16] : memref<32768xi32, #tpu.memory_space<hbm>> -> memref<1024xi32, #tpu.memory_space<hbm>>
      %dma_start3A_18 = tpu.memref_slice %arg3[%multiple_of3A_16] : memref<32768xi32, #tpu.memory_space<hbm>> -> memref<1024xi32, #tpu.memory_space<hbm>>
      tpu.enqueue_dma source(%arg8 : memref<1024xi32, #tpu.memory_space<vmem>>) target(%dma_start3A_18 : memref<1024xi32, #tpu.memory_space<hbm>>) target_semaphore(%run_scoped3A : memref<!tpu.dma_semaphore, #tpu.memory_space<semaphore_mem>>)
      %dma_wait3A = tpu.memref_slice %arg3[%multiple_of3A_16] : memref<32768xi32, #tpu.memory_space<hbm>> -> memref<1024xi32, #tpu.memory_space<hbm>>
      %dma_wait3A_19 = tpu.memref_slice %arg3[%multiple_of3A_16] : memref<32768xi32, #tpu.memory_space<hbm>> -> memref<1024xi32, #tpu.memory_space<hbm>>
      tpu.wait_dma2 semaphore(%run_scoped3A : memref<!tpu.dma_semaphore, #tpu.memory_space<semaphore_mem>>) src(%arg8 : memref<1024xi32, #tpu.memory_space<vmem>>) dst(%dma_wait3A_19 : memref<1024xi32, #tpu.memory_space<hbm>>)
      tpu.yield
    }) : () -> ()
    "tpu.region"() ({
      %run_scoped3A = tpu.sem_alloc : memref<!tpu.dma_semaphore, #tpu.memory_space<semaphore_mem>>
      %dma_start3A_17 = tpu.memref_slice %arg4[%multiple_of3A_16] : memref<32768xi32, #tpu.memory_space<hbm>> -> memref<1024xi32, #tpu.memory_space<hbm>>
      %dma_start3A_18 = tpu.memref_slice %arg4[%multiple_of3A_16] : memref<32768xi32, #tpu.memory_space<hbm>> -> memref<1024xi32, #tpu.memory_space<hbm>>
      tpu.enqueue_dma source(%arg9 : memref<1024xi32, #tpu.memory_space<vmem>>) target(%dma_start3A_18 : memref<1024xi32, #tpu.memory_space<hbm>>) target_semaphore(%run_scoped3A : memref<!tpu.dma_semaphore, #tpu.memory_space<semaphore_mem>>)
      %dma_wait3A = tpu.memref_slice %arg4[%multiple_of3A_16] : memref<32768xi32, #tpu.memory_space<hbm>> -> memref<1024xi32, #tpu.memory_space<hbm>>
      %dma_wait3A_19 = tpu.memref_slice %arg4[%multiple_of3A_16] : memref<32768xi32, #tpu.memory_space<hbm>> -> memref<1024xi32, #tpu.memory_space<hbm>>
      tpu.wait_dma2 semaphore(%run_scoped3A : memref<!tpu.dma_semaphore, #tpu.memory_space<semaphore_mem>>) src(%arg9 : memref<1024xi32, #tpu.memory_space<vmem>>) dst(%dma_wait3A_19 : memref<1024xi32, #tpu.memory_space<hbm>>)
      tpu.yield
    }) : () -> ()
    return
  }
}

</mosaic_0001>

<sc_bundles>
// kernel: kernel.3.cloned.1.call-start
scs
__scs_entry_jumppad:
0x0: {  	(pc) =	sbr.rel $0x88, $3  }
0x1: {  	(tag) =	ssettag $0x0;
	lr =	simm.s32 $0x1  }
0x2: {  	[smem:$0x3FA0] =	sst lr;
	_ =	strace $0xD0000000  }
0x3: {  	_ = 	snop  }
0x4: {  	_ = 	snop  }
0x5: {  	_ = 	snop  }
0x6: {  	_ = 	snop  }
0x7: {  	_ = 	snop  }
__scs_overlays_trampoline_lowered:
0x8: {  	[smem:$0x3FAF] =	sst s0  }
0x9: {  	[smem:$0x3FB0] =	sst s1  }
0xa: {  	[smem:$0x3FB1] =	sst s2  }
0xb: {  	[smem:$0x3FB2] =	sst s3  }
0xc: {  	[smem:$0x3FB3] =	sst s4  }
0xd: {  	[smem:$0x3FB4] =	sst s5  }
0xe: {  	[smem:$0x3FB5] =	sst s6  }
0xf: {  	[smem:$0x3FB6] =	sst s7  }
0x10: {  	[smem:$0x3FB7] =	sst s8  }
0x11: {  	[smem:$0x3FB8] =	sst s9;
	s0 =	simm.s32 @!p0 $0x0  }
0x12: {  	s1 =	sld [smem:$0x3F9E];
	s0 =	simm.s32 @p0 $0x1  }
0x13: {  	[smem:$0x3FB9] =	sst s0;
	s0 =	simm.s32 @!p1 $0x0  }
0x14: {  	s2 =	sld [smem:$0x3F9D];
	s0 =	simm.s32 @p1 $0x1  }
0x15: {  	[smem:$0x3FBA] =	sst s0;
	s0 =	simm.s32 @!p2 $0x0  }
0x16: {  	s3 =	sld [smem:$0x3FDB];
	s0 =	simm.s32 @p2 $0x1  }
0x17: {  	s4 =	simm.s32 $0x1BF5;
	[smem:$0x3FBC] =	sst s0  }
0x18: {  	s0 =	sld [smem:$0x3F9F];
	_ =	swait.ge [sflag:s4], $0x0  }
0x19: {  	s7 =	sld [smem:$0x3FA0]  }
0x1a: {  	s8 =	sadd.s32 $0xFFFFE003, lr  }
0x1b: {  	s9 =	sadd.s32 $0xFFFFFEF7, lr;
	s5 =	simm.s32 $0xFFFFFFFF;
	p2 =	slt.u32 s8, $0xFFFFF086  }
0x1c: {  	p1 =	slt.u32 s9, $0xF7A;
	s5 =	simm.s32 @!p2 $0x0  }
0x1d: {  	s5 =	simm.s32 @p1 $0x1;
	p0 =	seq.s32 s7, s2  }
0x1e: {  	s7 =	smul.u32 @!p0 $0xF7A, s2;
	p2 =	seq.s32 @!p0 s5, $0x0  }
0x1f: {  	s9 =	smul.u32 $0xF7A, s1;
	s8 =	simm.s32 @!p0 $0x1BF5;
	p2 =	por !p2, p0  }
0x20: {  	[sflag:s8] =	ssyncset.s32 @!p0 $0xFFFFF086;
	s6 =	sadd.s32 @!p0 s3, s7;
	s7 =	simm.s32 @!p0 $0x108  }
0x21: {  	s3 =	sadd.s32 s3, s9;
	s6 =	sadd.s32 @!p0 $0x88, s6;
	s7 =	simm.s32 @p2 $0x1082  }
0x22: {  	[simem:s7], [sflag:s8] =	dma.local @!p0 [hbm:s6], $0xF7A  }
0x23: {  	s9 =	sor.u32 $0xD0000000, s2;
	s6 =	simm.s32 $0x108;
	_ =	swait.ge @!p0 [sflag:s8], $0x0  }
0x24: {  	s3 =	sadd.s32 $0x88, s3;
	s6 =	simm.s32 @!p1 $0x1082;
	[sflag:s4] =	ssyncset.s32 $0xFFFFF086  }
0x25: {  	[simem:s6], [sflag:s4] =	dma.local [hbm:s3], $0xF7A  }
0x26: {  	[smem:$0x3FA0] =	sst s1;
	(tag) =	ssettag s2;
	_ =	strace s9  }
0x27: {  	s1 =	sld [smem:$0x3FB0]  }
0x28: {  	s2 =	sld [smem:$0x3FB1]  }
0x29: {  	s4 =	sld [smem:$0x3FB3]  }
0x2a: {  	p0 =	seq.s32 s5, $0x0;
	s5 =	sld [smem:$0x3FB4]  }
0x2b: {  	s6 =	sld [smem:$0x3FB5]  }
0x2c: {  	s7 =	sld [smem:$0x3FB6]  }
0x2d: {  	s3 =	simm.s32 $0x108;
	s8 =	sld [smem:$0x3FB7]  }
0x2e: {  	s3 =	simm.s32 @!p0 $0x1082;
	s9 =	sld [smem:$0x3FB8]  }
0x2f: {  	lr =	sadd.s32 s0, s3;
	s0 =	sld [smem:$0x3FAF]  }
0x30: {  	s3 =	sld [smem:$0x3FB2]  }
0x31: {  	[smem:$0x3FBB] =	sst s10  }
0x32: {  	s10 =	sld [smem:$0x3FB9];
	_ =	sdelay $0x3  }
0x33: {  	p0 =	seq.s32 s10, $0x1;
	s10 =	sld [smem:$0x3FBB];
	_ =	sdelay $0x3  }
0x34: {  	[smem:$0x3FBB] =	sst s10  }
0x35: {  	s10 =	sld [smem:$0x3FBA];
	_ =	sdelay $0x3  }
0x36: {  	p1 =	seq.s32 s10, $0x1;
	s10 =	sld [smem:$0x3FBB];
	_ =	sdelay $0x3  }
0x37: {  	[smem:$0x3FBB] =	sst s10  }
0x38: {  	s10 =	sld [smem:$0x3FBC]  }
0x39: {  	_ = 	snop;
	(pc) =	sbr.ind lr, $3  }
0x3a: {  	_ = 	snop  }
0x3b: {  	_ = 	snop  }
0x3c: {  	p2 =	seq.s32 s10, $0x1;
	s10 =	sld [smem:$0x3FBB]  }
0x3d: {  	_ =	shalt  }
0x3e: {  	_ =	shalt  }
0x3f: {  	_ =	shalt  }
0x40: {  	_ =	shalt  }
0x41: {  	_ =	shalt  }
0x42: {  	_ =	shalt  }
0x43: {  	_ =	shalt  }
0x44: {  	_ =	shalt  }
0x45: {  	_ =	shalt  }
0x46: {  	_ =	shalt  }
0x47: {  	_ =	shalt  }
0x48: {  	_ =	shalt  }
0x49: {  	_ =	shalt  }
0x4a: {  	_ =	shalt  }
0x4b: {  	_ =	shalt  }
0x4c: {  	_ =	shalt  }
0x4d: {  	_ =	shalt  }
0x4e: {  	_ =	shalt  }
0x4f: {  	_ =	shalt  }
0x50: {  	_ =	shalt  }
0x51: {  	_ =	shalt  }
0x52: {  	_ =	shalt  }
0x53: {  	_ =	shalt  }
0x54: {  	_ =	shalt  }
0x55: {  	_ =	shalt  }
0x56: {  	_ =	shalt  }
0x57: {  	_ =	shalt  }
0x58: {  	_ =	shalt  }
0x59: {  	_ =	shalt  }
0x5a: {  	_ =	shalt  }
0x5b: {  	_ =	shalt  }
0x5c: {  	_ =	shalt  }
0x5d: {  	_ =	shalt  }
0x5e: {  	_ =	shalt  }
0x5f: {  	_ =	shalt  }
0x60: {  	_ =	shalt  }
0x61: {  	_ =	shalt  }
0x62: {  	_ =	shalt  }
0x63: {  	_ =	shalt  }
0x64: {  	_ =	shalt  }
0x65: {  	_ =	shalt  }
0x66: {  	_ =	shalt  }
0x67: {  	_ =	shalt  }
0x68: {  	_ =	shalt  }
0x69: {  	_ =	shalt  }
0x6a: {  	_ =	shalt  }
0x6b: {  	_ =	shalt  }
0x6c: {  	_ =	shalt  }
0x6d: {  	_ =	shalt  }
0x6e: {  	_ =	shalt  }
0x6f: {  	_ =	shalt  }
0x70: {  	_ =	shalt  }
0x71: {  	_ =	shalt  }
0x72: {  	_ =	shalt  }
0x73: {  	_ =	shalt  }
0x74: {  	_ =	shalt  }
0x75: {  	_ =	shalt  }
0x76: {  	_ =	shalt  }
0x77: {  	_ =	shalt  }
0x78: {  	_ =	shalt  }
0x79: {  	_ =	shalt  }
0x7a: {  	_ =	shalt  }
0x7b: {  	_ =	shalt  }
0x7c: {  	_ =	shalt  }
0x7d: {  	_ =	shalt  }
0x7e: {  	_ =	shalt  }
0x7f: {  	_ =	shalt  }
0x80: {  	_ =	shalt  }
0x81: {  	_ =	shalt  }
0x82: {  	_ =	shalt  }
0x83: {  	_ =	shalt  }
0x84: {  	_ =	shalt  }
0x85: {  	_ =	shalt  }
0x86: {  	_ =	shalt  }
0x87: {  	_ =	shalt  }
.Lfunc_end0:
.L_simem_size_0:
called_computation_lowered:
.L_overlay_start_0:
0x88: {  	s2 =	sld [smem:$0x3FD9]  }
0x89: {  	s3 =	sld [smem:$0x3FFE];
	_ =	sdelay $0x1  }
0x8a: {  	s1 =	srdreg.scid  }
0x8b: {  	s0 =	sand.u32 $0x1, s1  }
0x8c: {  	s14 =	sshll.u32 s0, $0xA;
	s2 =	sadd.s32 s3, s2  }
0x8d: {  	s2 =	sadd.s32 s2, s14  }
0x8e: {  	[smem:$0x3FC7] =	sst s2  }
0x8f: {  	_ = 	snop  }
0x90: {  	s2 =	sld [smem:$0x3FD0];
	_ =	sdelay $0x2  }
0x91: {  	s4 =	simm.s32 $0xA;
	s5 =	simm.s32 $0x10;
	s15 =	sld [smem:$0x3FC9]  }
0x92: {  	[smem:s5], [sflag:s4] =	dma.local [hbm:s2], $0x1  }
0x93: {  	_ =	swait.eq [sflag:s4], $0x1  }
0x94: {  	[sflag:s4] =	ssyncset.done $0x0  }
0x95: {  	[sflag:s4] =	ssyncadd.s32 $0xFFFFFFFF  }
0x96: {  	s16 =	sld [smem:$0x11];
	(tm) =	ssettm $0x1  }
0x97: {  	s17 =	sld [smem:$0x3FFB];
	_ =	sdelay $0x3  }
0x98: {  	_ =	strace s17  }
0x99: {  	s4 =	sld [smem:$0x3FFC];
	_ =	sdelay $0x3  }
0x9a: {  	_ =	strace s4  }
0x9b: {  	s4 =	sld [smem:$0x3FFD];
	_ =	sdelay $0x3  }
0x9c: {  	_ =	strace s4  }
0x9d: {  	_ =	strace $0x8FFFFFFF  }
0x9e: {  	s18 =	sld [smem:$0x3FDB];
	_ =	sdelay $0x1  }
0x9f: {  	s19 =	simm.s32 $_scs_section_size  }
0xa0: {  	s6 =	simm.s32 $_size__tile_overlayer_lowered;
	s7 =	simm.s32 $_tile_overlayer_lowered  }
0xa1: {  	s22 =	simm.s32 $0x1BFF;
	s21 =	sshll.u32 s7, $0x1;
	s4 =	sadd.s32 s19, s18  }
0xa2: {  	s8 =	simm.s32 $0x0;
	s20 =	sshll.u32 s6, $0x1;
	s6 =	sadd.s32 s21, s4  }
0xa3: {  	[timem:s8], [sflag:s22] =	dma.local [hbm:s6], s20  }
0xa4: {  	_ =	swait.ge [sflag:s22], s20  }
0xa5: {  	s5 =	ssub.s32 $0x0, s20;
	[sflag:s22] =	ssyncset.done $0x0  }
0xa6: {  	[sflag:s22] =	ssyncadd.s32 s5;
	_ =	sdelay $0x1  }
0xa7: {  	s23 =	simm.s32 $0x1B8B  }
0xa8: {  	_ =	swait.ge [sflag:s23], $0x1  }
0xa9: {  	[sflag:s23] =	ssyncset.done $0x0  }
0xaa: {  	s25 =	simm.s32 $0x1B8E;
	s24 =	sld [smem:$0x3FFE];
	[sflag:s23] =	ssyncadd.s32 $0xFFFFFFFF  }
0xab: {  	s26 =	simm.s32 $execute0_lowered;
	[smem:$0x3FD2] =	sst s25  }
0xac: {  	s6 =	sshll.u32 s26, $0x1;
	_ =	strace $0x80000046;
	[dreg:$0x1] =	wrdreg $0xFFFFFFFF  }
0xad: {  	s28 =	simm.s32 $_size_execute0_lowered;
	s4 =	sadd.s32 s4, s6;
	[dreg:$0x0] =	wrdreg $0x0  }
0xae: {  	s6 =	sshll.u32 s28, $0x1;
	[dreg:$0x2] =	wrdreg s4  }
0xaf: {  	[dreg:$0x3] =	wrdreg s6  }
0xb0: {  	[dreg:$0x4] =	wrdreg $0xC0  }
0xb1: {  	_ =	task [dreg:s8], $0x5FFFF  }
0xb2: {  	[dreg:$0x1] =	wrdreg $0xFFFFFFFF  }
0xb3: {  	[dreg:$0x0] =	wrdreg $0x60  }
0xb4: {  	[dreg:$0x2] =	wrdreg s15  }
0xb5: {  	[dreg:$0x3] =	wrdreg s16  }
0xb6: {  	[dreg:$0x4] =	wrdreg s24  }
0xb7: {  	[dreg:$0x5] =	wrdreg $0x9  }
0xb8: {  	_ =	task.clear_ibuf [dreg:s8], $0x6FFFF;
	_ =	strace $0x90000046  }
0xb9: {  	s29 =	simm.s32 $0x9;
	_ =	strace $0x80000048  }
0xba: {  	_ =	swait.ge [sflag:s29], $0x1  }
0xbb: {  	[sflag:s29] =	ssyncadd.s32 $0xFFFFFFFF  }
0xbc: {  	_ =	strace $0x90000048  }
0xbd: {  	_ =	sfence  }
0xbe: {  	s30 =	sld [smem:$0x0];
	_ =	sdelay $0x2  }
0xbf: {  	s31 =	sshll.u32 s1, $0xD;
	s1 =	sshrl.u32 s1, $0x2  }
0xc0: {  	s3 =	sand.u32 $0x4000, s31;
	s1 =	sadd.s32 s1, s30  }
0xc1: {  	s0 =	sor.u32 s3, s0;
	s1 =	sshll.u32 s1, $0x11  }
0xc2: {  	s0 =	sor.u32 s1, s0  }
0xc3: {  	s0 =	sadd.s32 $0x8F2B, s0  }
0xc4: {  	[sflag:s0] =	ssyncadd.remote.s32 $0x1  }
0xc5: {  	_ =	sfence.sel $0xFFFF  }
0xc6: {  	[dreg:$0x0] =	wrdreg $0xFFFFFFFF;
	(pc) =	sbr.abs _section_cstart, $3  }
0xc7: {  	[dreg:$0x1] =	wrdreg $0xFFFFFFFF  }
0xc8: {  	_ =	task.clear_ibuf [dreg:s8], $0x2FFFF;
	_ =	strace $0x9FFFFFFF  }
0xc9: {  	(tm) =	ssettm $0x7FFFFFFF  }
tec
execute0_lowered:
.L_overlay_start_1:
0x0: {  	(tag) =	ssettag $0x1  }
0x1: {  	v0 =	vimm.s32 $0xFEDCBA98  }
0x2: {  	v1 =	vimm.s32 $0x76543210;
	v0 =	vunpack.c.l.s4.s8 v0  }
0x3: {  	v2 =	vimm.s32 $0x10603000;
	v1 =	vunpack.c.l.s4.s8 v1  }
0x4: {  	v3 =	vimm.s32 $0x11613101;
	v4 =	vimm.s32 $0x51217141;
	v0 =	vunpack.c.0.s8.s32 v0  }
0x5: {  	vm0 =	vcmask $0x1F10;
	v5 =	vimm.s32 $0x12623202;
	v1 =	vunpack.c.0.s8.s32 v1  }
0x6: {  	v6 =	vimm.s32 $0x52227242;
	v7 =	vimm.s32 $0x13633303;
	v0 =	vand.u32 $0xF, v0  }
0x7: {  	v0 =	vcombine.low v0, v1;
	v1 =	vunpack.c.0.s8.s32 v2;
	v2 =	vimm.s32 $0x50207040  }
0x8: {  	v8 =	vimm.s32 $0x53237343;
	v9 =	vimm.s32 $0x14643404;
	v2 =	vunpack.c.0.s8.s32 v2  }
0x9: {  	v10 =	vimm.s32 $0x54247444;
	v3 =	vunpack.c.0.s8.s32 v3;
	v4 =	vunpack.c.0.s8.s32 v4  }
0xa: {  	v5 =	vunpack.c.0.s8.s32 v5;
	v6 =	vunpack.c.0.s8.s32 v6;
	v1 =	vsel vm0, v2, v1  }
0xb: {  	v7 =	vunpack.c.0.s8.s32 v7;
	v8 =	vunpack.c.0.s8.s32 v8;
	[tilespmem:$0x1FE70] =	vst v1;
	v1 =	vsel vm0, v4, v3  }
0xc: {  	v9 =	vunpack.c.0.s8.s32 v9;
	v10 =	vunpack.c.0.s8.s32 v10;
	[tilespmem:$0x1FE80] =	vst v1;
	v1 =	vsel vm0, v6, v5  }
0xd: {  	v39 =	vimm.s32 $0x56267646;
	[tilespmem:$0x1FE90] =	vst v1;
	v1 =	vsel vm0, v8, v7  }
0xe: {  	v40 =	vimm.s32 $0x17673707;
	v41 =	vimm.s32 $0x57277747;
	[tilespmem:$0x1FEA0] =	vst v1;
	v1 =	vsel vm0, v10, v9  }
0xf: {  	v2 =	vimm.s32 $0x55257545;
	[tilespmem:$0x1FEB0] =	vst v1;
	v1 =	vimm.s32 $0x15653505  }
0x10: {  	v42 =	vimm.s32 $0x60300050;
	v2 =	vunpack.c.0.s8.s32 v2;
	v1 =	vunpack.c.0.s8.s32 v1  }
0x11: {  	v43 =	vimm.s32 $0x61310151;
	v44 =	vimm.s32 $0x22724212;
	v3 =	vimm.s32 $0x16663606  }
0x12: {  	v4 =	vunpack.c.0.s8.s32 v39;
	v3 =	vunpack.c.0.s8.s32 v3;
	v1 =	vsel vm0, v2, v1  }
0x13: {  	v45 =	vimm.s32 $0x62320252;
	v2 =	vunpack.c.0.s8.s32 v41;
	[tilespmem:$0x1FEC0] =	vst v1;
	v1 =	vunpack.c.0.s8.s32 v40  }
0x14: {  	v46 =	vimm.s32 $0x23734313;
	v47 =	vimm.s32 $0x63330353;
	v3 =	vsel vm0, v4, v3  }
0x15: {  	v48 =	vimm.s32 $0x65350555;
	[tilespmem:$0x1FED0] =	vst v3;
	v3 =	vimm.s32 $0x20704010;
	v1 =	vsel vm0, v2, v1  }
0x16: {  	v49 =	vimm.s32 $0x26764616;
	v2 =	vunpack.c.0.s8.s32 v42;
	[tilespmem:$0x1FEE0] =	vst v1;
	v1 =	vunpack.c.0.s8.s32 v3  }
0x17: {  	v5 =	vunpack.c.0.s8.s32 v44;
	v6 =	vunpack.c.0.s8.s32 v45;
	v3 =	vimm.s32 $0x21714111  }
0x18: {  	v4 =	vunpack.c.0.s8.s32 v43;
	v3 =	vunpack.c.0.s8.s32 v3;
	v1 =	vsel vm0, v2, v1  }
0x19: {  	v7 =	vunpack.c.0.s8.s32 v46;
	v8 =	vunpack.c.0.s8.s32 v47;
	v2 =	vsel vm0, v6, v5;
	[tilespmem:$0x1FEF0] =	vst v1  }
0x1a: {  	v50 =	vimm.s32 $0x66360656;
	v51 =	vimm.s32 $0x27774717;
	v1 =	vsel vm0, v4, v3;
	[tilespmem:$0x1FF10] =	vst v2  }
0x1b: {  	v52 =	vimm.s32 $0x67370757;
	v53 =	vimm.s32 $0x30005020;
	v2 =	vsel vm0, v8, v7;
	[tilespmem:$0x1FF00] =	vst v1  }
0x1c: {  	v1 =	vimm.s32 $0x24744414;
	[tilespmem:$0x1FF20] =	vst v2;
	v2 =	vimm.s32 $0x64340454  }
0x1d: {  	v3 =	vimm.s32 $0x25754515;
	v1 =	vunpack.c.0.s8.s32 v1;
	v2 =	vunpack.c.0.s8.s32 v2  }
0x1e: {  	v54 =	vimm.s32 $0x70401060;
	v4 =	vunpack.c.0.s8.s32 v48;
	v3 =	vunpack.c.0.s8.s32 v3  }
0x1f: {  	v5 =	vunpack.c.0.s8.s32 v49;
	v6 =	vunpack.c.0.s8.s32 v50;
	v1 =	vsel vm0, v2, v1  }
0x20: {  	v7 =	vunpack.c.0.s8.s32 v51;
	v8 =	vunpack.c.0.s8.s32 v52;
	[tilespmem:$0x1FF30] =	vst v1;
	v1 =	vsel vm0, v4, v3  }
0x21: {  	v9 =	vunpack.c.0.s8.s32 v53;
	v10 =	vunpack.c.0.s8.s32 v54;
	[tilespmem:$0x1FF40] =	vst v1;
	v1 =	vsel vm0, v6, v5  }
0x22: {  	[tilespmem:$0x1FF50] =	vst v1;
	v1 =	vsel vm0, v8, v7  }
0x23: {  	v55 =	vimm.s32 $0x72421262;
	[tilespmem:$0x1FF60] =	vst v1;
	v1 =	vsel vm0, v10, v9  }
0x24: {  	v2 =	vimm.s32 $0x71411161;
	[tilespmem:$0x1FF70] =	vst v1;
	v1 =	vimm.s32 $0x31015121  }
0x25: {  	v56 =	vimm.s32 $0x33035323;
	v2 =	vunpack.c.0.s8.s32 v2;
	v1 =	vunpack.c.0.s8.s32 v1  }
0x26: {  	s0 =	srdreg.scid;
	v57 =	vimm.s32 $0x73431363;
	v58 =	vimm.s32 $0x74441464;
	v3 =	vimm.s32 $0x32025222  }
0x27: {  	s1 =	stileid.u32;
	s0 =	sand.u32 $0x1, s0;
	v4 =	vunpack.c.0.s8.s32 v55;
	v3 =	vunpack.c.0.s8.s32 v3;
	v1 =	vsel vm0, v2, v1  }
0x28: {  	s6 =	rddreg [dreg:$0x0];
	v59 =	vimm.s32 $0x75451565;
	s1 =	sshll.u32 s1, $0xB;
	s2 =	sshll.u32 s0, $0xA;
	v2 =	vunpack.c.0.s8.s32 v57;
	[tilespmem:$0x1FF80] =	vst v1;
	v1 =	vunpack.c.0.s8.s32 v56  }
0x29: {  	s3 =	rddreg [dreg:$0x1];
	v60 =	vimm.s32 $0x36065626;
	v61 =	vimm.s32 $0x76461666;
	s7 =	sor.u32 s2, s1;
	v3 =	vsel vm0, v4, v3  }
0x2a: {  	s28 =	rddreg [dreg:$0x2];
	v62 =	vimm.s32 $0x37075727;
	s2 =	sshrl.u32 s7, $0x3;
	[tilespmem:$0x1FF90] =	vst v3;
	v3 =	vimm.s32 $0x34045424;
	v1 =	vsel vm0, v2, v1  }
0x2b: {  	s8 =	simm.s32 $0x0;
	s4 =	smul.u32 $0x300, s2;
	s1 =	sadd.s32 s2, s28;
	v2 =	vunpack.c.0.s8.s32 v58;
	[tilespmem:$0x1FFA0] =	vst v1;
	v1 =	vunpack.c.0.s8.s32 v3;
	v3 =	vimm.s32 $0x35055525  }
0x2c: {  	v63 =	vimm.s32 $0x77471767;
	[smem:$0x7FF] =	sst s8;
	s1 =	sadd.s32 $0x800, s1;
	v4 =	vunpack.c.0.s8.s32 v59;
	v3 =	vunpack.c.0.s8.s32 v3  }
0x2d: {  	s29 =	sadd.s32 s6, s4;
	v5 =	vunpack.c.0.s8.s32 v60;
	v6 =	vunpack.c.0.s8.s32 v61;
	_ =	strace $0x80000047;
	[dreg:$0x5] =	wrdreg s1;
	v1 =	vsel vm0, v2, v1  }
0x2e: {  	s0 =	ssub.s32 $0x2, s0;
	v7 =	vunpack.c.0.s8.s32 v62;
	v8 =	vunpack.c.0.s8.s32 v63;
	[dreg:$0x6] =	wrdreg s29;
	[tilespmem:$0x1FFB0] =	vst v1;
	v1 =	vsel vm0, v4, v3  }
0x2f: {  	s5 =	sshrl.u32 s0, $0x1;
	s30 =	sor.u32 $0x80, s7;
	[dreg:$0x4] =	wrdreg s7;
	v2 =	vsel vm0, v6, v5;
	[tilespmem:$0x1FFC0] =	vst v1;
	v1 =	vlaneseq.u32  }
0x30: {  	s0 =	ssub.s32 s0, s5;
	s31 =	sadd.s32 s3, s2;
	[dreg:$0x7] =	wrdreg s30;
	[tilespmem:$0x1FFD0] =	vst v2;
	v30 =	vmul.u32 $0x30, v1;
	v1 =	vsel vm0, v8, v7  }
0x31: {  	s0 =	smax.u32 s0, $0x1;
	[dreg:$0x8] =	wrdreg s31;
	[tilespmem:$0x1FFE0] =	vst v1  }
0x32: {  	s12 =	simm.s32 $0x18000;
	s2 =	simm.s32 $0x0;
	[dreg:$0x9] =	wrdreg s0;
	[tilespmem:$0x1FFF0] =	vst v30  }
.LBB2_1:
0x33: {  	[dreg:$0xa] =	wrdreg s2  }
0x34: {  	s0 =	rddreg [dreg:$0x6];
	s3 =	simm.s32 $0x19040;
	s4 =	simm.s32 $0x18C40  }
0x35: {  	s20 =	simm.s32 $0x19000;
	s21 =	simm.s32 $0x18C00;
	s22 =	simm.s32 $0x0  }
0x36: {  	[tilespmem:s8], [sflag:$0x1] =	stream.linear.gather [hbm4b:s0+s8], $0xC000, $0x38;
	[tilespmem:$0x19400] =	vst v63  }
.LBB2_2:
0x37: {  	s1 =	sshll.u32 s22, $0x7;
	s0 =	rddreg [dreg:$0x4]  }
0x38: {  	s0 =	sor.u32 s0, s1  }
0x39: {  	s0 =	sor.u32 $0x40, s0  }
0x3a: {  	[dreg:$0xc] =	wrdreg s4;
	s0 =	sshrl.u32 s0, $0x3  }
0x3b: {  	[dreg:$0xb] =	wrdreg s3;
	s0 =	smul.u32 $0x300, s0  }
0x3c: {  	s8 =	rddreg [dreg:$0x0];
	s9 =	simm.s32 $0x0  }
0x3d: {  	s10 =	simm.s32 $0xC000;
	s11 =	simm.s32 $0x0;
	s0 =	sadd.s32 s8, s0  }
0x3e: {  	[tilespmem:s10], [sflag:$0x2] =	stream.linear.gather [hbm4b:s0+s9], $0xC000, $0x38;
	[tilespmem:$0x19400] =	vst v63  }
0x3f: {  	s13 =	simm.s32 $0x1;
	[dreg:$0xd] =	wrdreg s1;
	s0 =	smul.u32 $0x6000, s11  }
0x40: {  	s14 =	simm.s32 $0x180;
	_ =	swait.ge [sflag:s13], $0xC000  }
0x41: {  	s1 =	sand.u32 $0x380, s14;
	[sflag:s13] =	ssyncset.done $0x0;
	s2 =	sshra.s32 s0, $0x2  }
0x42: {  	[sflag:s13] =	ssyncadd.s32 $0xFFFF4000;
	s7 =	sor.u32 s1, s2  }
0x43: {  	v1 =	vld [tilespmem:s7+$0x0]  }
0x44: {  	s4 =	sand.u32 $0x200, s9;
	v2 =	vld [tilespmem:s7+$0x400]  }
0x45: {  	s6 =	sor.u32 s4, s2  }
0x46: {  	v3 =	vld [tilespmem:s6+$0x0]  }
0x47: {  	v4 =	vld [tilespmem:s7+$0x10]  }
0x48: {  	v5 =	vld [tilespmem:s7+$0x410]  }
0x49: {  	s15 =	simm.s32 $0x80;
	v6 =	vld [tilespmem:s6+$0x400];
	v1 =	vadd.f32 v2, v1  }
0x4a: {  	s0 =	sand.u32 $0x280, s15;
	v8 =	vld [tilespmem:s7+$0x20]  }
0x4b: {  	s5 =	simm.s32 $0x100;
	s16 =	sor.u32 s0, s2;
	v9 =	vld [tilespmem:s7+$0x420];
	v7 =	vperm.xlane v1, v0  }
0x4c: {  	s14 =	sand.u32 $0x300, s5;
	v10 =	vld [tilespmem:s16+$0x400]  }
0x4d: {  	s5 =	sor.u32 s14, s2;
	v11 =	vld [tilespmem:s7+$0x430];
	v4 =	vadd.f32 v5, v4;
	v1 =	vadd.f32 v7, v1  }
0x4e: {  	v12 =	vld [tilespmem:s5+$0x400]  }
0x4f: {  	v13 =	vld [tilespmem:s7+$0x440];
	v1 =	vadd.f32 v4, v1;
	v4 =	vperm.xlane v4, v0  }
0x50: {  	v7 =	vld [tilespmem:s7+$0x30]  }
0x51: {  	v14 =	vld [tilespmem:s6+$0x410];
	v1 =	vadd.f32 v1, v4;
	v4 =	vadd.f32 v9, v8  }
0x52: {  	v15 =	vld [tilespmem:s7+$0x450]  }
0x53: {  	v16 =	vld [tilespmem:s16+$0x410];
	v1 =	vadd.f32 v4, v1;
	v4 =	vperm.xlane v4, v0  }
0x54: {  	v9 =	vld [tilespmem:s7+$0x40]  }
0x55: {  	v41 =	vld [tilespmem:s7+$0x60];
	v1 =	vadd.f32 v1, v4;
	v4 =	vadd.f32 v11, v7  }
0x56: {  	v17 =	vld [tilespmem:s7+$0x460]  }
0x57: {  	v18 =	vld [tilespmem:s5+$0x410];
	v1 =	vadd.f32 v4, v1;
	v4 =	vperm.xlane v4, v0  }
0x58: {  	v11 =	vld [tilespmem:s7+$0x50]  }
0x59: {  	v42 =	vld [tilespmem:s7+$0x70];
	v1 =	vadd.f32 v1, v4;
	v4 =	vadd.f32 v13, v9  }
0x5a: {  	v19 =	vld [tilespmem:s7+$0x470]  }
0x5b: {  	v20 =	vld [tilespmem:s6+$0x420];
	v1 =	vadd.f32 v4, v1;
	v4 =	vperm.xlane v4, v0  }
0x5c: {  	v43 =	vld [tilespmem:s16+$0x20]  }
0x5d: {  	v44 =	vld [tilespmem:s16+$0x420];
	v1 =	vadd.f32 v1, v4;
	v4 =	vadd.f32 v15, v11  }
0x5e: {  	v21 =	vld [tilespmem:s5+$0x20]  }
0x5f: {  	v22 =	vld [tilespmem:s5+$0x420];
	v1 =	vadd.f32 v4, v1;
	v4 =	vperm.xlane v4, v0  }
0x60: {  	v45 =	vld [tilespmem:s6+$0x30]  }
0x61: {  	v46 =	vld [tilespmem:s6+$0x430];
	v1 =	vadd.f32 v1, v4;
	v4 =	vadd.f32 v17, v41  }
0x62: {  	v23 =	vld [tilespmem:s16+$0x430]  }
0x63: {  	v47 =	vld [tilespmem:s5+$0x430];
	v1 =	vadd.f32 v4, v1;
	v4 =	vperm.xlane v4, v0  }
0x64: {  	v49 =	vld [tilespmem:s6+$0x440]  }
0x65: {  	v2 =	vld [tilespmem:s16+$0x0];
	v1 =	vadd.f32 v1, v4;
	v4 =	vadd.f32 v19, v42  }
0x66: {  	v55 =	vld [tilespmem:s5+$0x40]  }
0x67: {  	v8 =	vld [tilespmem:s6+$0x10];
	v1 =	vadd.f32 v4, v1;
	v4 =	vperm.xlane v4, v0  }
0x68: {  	v5 =	vld [tilespmem:s5+$0x0];
	v3 =	vadd.f32 v6, v3  }
0x69: {  	v7 =	vld [tilespmem:s16+$0x10];
	v1 =	vadd.f32 v1, v4  }
0x6a: {  	s25 =	simm.s32 $0x18060;
	s17 =	sadd.s32 $0x800, s2;
	v2 =	vadd.f32 v10, v2;
	v9 =	vld [tilespmem:s5+$0x10];
	v4 =	vperm.xlane v3, v0  }
0x6b: {  	s8 =	sadd.s32 $0xC00, s2;
	s9 =	sor.u32 s1, s17;
	v11 =	vld [tilespmem:s6+$0x20];
	[tilespmem:s25+$0x30] =	vst v1  }
0x6c: {  	s10 =	sor.u32 s1, s8;
	v1 =	vadd.f32 v4, v3;
	v3 =	vperm.xlane v2, v0;
	v4 =	vadd.f32 v14, v8;
	v8 =	vld [tilespmem:s9+$0x0]  }
0x6d: {  	v5 =	vadd.f32 v12, v5;
	v24 =	vld [tilespmem:s10+$0x0]  }
0x6e: {  	v6 =	vld [tilespmem:s16+$0x30];
	v2 =	vadd.f32 v3, v2;
	v1 =	vadd.f32 v4, v1;
	v3 =	vperm.xlane v4, v0  }
0x6f: {  	v53 =	vadd.f32 v22, v21;
	v10 =	vld [tilespmem:s5+$0x30];
	v7 =	vadd.f32 v16, v7  }
0x70: {  	v48 =	vperm.xlane v5, v0;
	v1 =	vadd.f32 v1, v3;
	v3 =	vadd.f32 v18, v9;
	v9 =	vld [tilespmem:s9+$0x10]  }
0x71: {  	v16 =	vperm.xlane v7, v0;
	v2 =	vadd.f32 v7, v2;
	v7 =	vadd.f32 v20, v11;
	v11 =	vld [tilespmem:s10+$0x10]  }
0x72: {  	v57 =	vld [tilespmem:s5+$0x440];
	v56 =	vadd.f32 v46, v45;
	v8 =	vadd.f32 v24, v8  }
0x73: {  	v6 =	vadd.f32 v23, v6;
	v5 =	vadd.f32 v48, v5;
	v52 =	vld [tilespmem:s9+$0x20]  }
0x74: {  	v10 =	vadd.f32 v47, v10;
	v13 =	vadd.f32 v44, v43;
	v54 =	vld [tilespmem:s10+$0x20];
	v51 =	vperm.xlane v8, v0  }
0x75: {  	v58 =	vld [tilespmem:s9+$0x30];
	v18 =	vperm.xlane v3, v0;
	v3 =	vadd.f32 v3, v5;
	v2 =	vadd.f32 v2, v16  }
0x76: {  	v4 =	vld [tilespmem:s6+$0x40];
	v50 =	vperm.xlane v7, v0;
	v9 =	vadd.f32 v11, v9;
	v8 =	vadd.f32 v51, v8  }
0x77: {  	v5 =	vld [tilespmem:s16+$0x40];
	v1 =	vadd.f32 v7, v1;
	v2 =	vadd.f32 v13, v2;
	v11 =	vperm.xlane v13, v0  }
0x78: {  	v7 =	vld [tilespmem:s16+$0x440];
	v3 =	vadd.f32 v3, v18;
	v8 =	vadd.f32 v9, v8;
	v9 =	vperm.xlane v9, v0  }
0x79: {  	v1 =	vadd.f32 v1, v50;
	v2 =	vadd.f32 v2, v11;
	v11 =	vld [tilespmem:s10+$0x30]  }
0x7a: {  	v59 =	vld [tilespmem:s6+$0x50];
	v8 =	vadd.f32 v8, v9;
	v9 =	vadd.f32 v54, v52  }
0x7b: {  	v61 =	vld [tilespmem:s6+$0x450];
	v16 =	vperm.xlane v53, v0;
	v4 =	vadd.f32 v49, v4;
	v3 =	vadd.f32 v53, v3  }
0x7c: {  	v62 =	vld [tilespmem:s9+$0x40];
	v1 =	vadd.f32 v56, v1;
	v8 =	vadd.f32 v9, v8;
	v9 =	vperm.xlane v9, v0  }
0x7d: {  	v60 =	vperm.xlane v56, v0;
	v63 =	vld [tilespmem:s10+$0x40];
	v5 =	vadd.f32 v7, v5;
	v3 =	vadd.f32 v3, v16  }
0x7e: {  	v25 =	vld [tilespmem:s6+$0x60];
	v8 =	vadd.f32 v8, v9;
	v9 =	vadd.f32 v11, v58  }
0x7f: {  	v22 =	vld [tilespmem:s16+$0x50];
	v1 =	vadd.f32 v1, v60;
	v2 =	vadd.f32 v6, v2;
	v6 =	vperm.xlane v6, v0  }
0x80: {  	v7 =	vld [tilespmem:s10+$0x50];
	v3 =	vadd.f32 v10, v3;
	v8 =	vadd.f32 v9, v8;
	v9 =	vperm.xlane v9, v0  }
0x81: {  	v1 =	vadd.f32 v4, v1;
	v2 =	vadd.f32 v2, v6;
	v11 =	vld [tilespmem:s9+$0x50]  }
0x82: {  	v23 =	vld [tilespmem:s5+$0x50];
	v4 =	vperm.xlane v4, v0;
	v8 =	vadd.f32 v8, v9;
	v9 =	vadd.f32 v63, v62  }
0x83: {  	v10 =	vperm.xlane v10, v0;
	v6 =	vld [tilespmem:s16+$0x450];
	v2 =	vadd.f32 v5, v2;
	v5 =	vperm.xlane v5, v0  }
0x84: {  	v24 =	vld [tilespmem:s10+$0x60];
	v1 =	vadd.f32 v1, v4;
	v4 =	vadd.f32 v9, v8;
	v8 =	vperm.xlane v9, v0  }
0x85: {  	v3 =	vadd.f32 v3, v10;
	v2 =	vadd.f32 v2, v5;
	v9 =	vld [tilespmem:s9+$0x60]  }
0x86: {  	v26 =	vld [tilespmem:s9+$0x70];
	v7 =	vadd.f32 v7, v11;
	v4 =	vadd.f32 v4, v8  }
0x87: {  	v10 =	vld [tilespmem:s5+$0x450];
	v5 =	vadd.f32 v57, v55;
	v8 =	vadd.f32 v61, v59  }
0x88: {  	v6 =	vadd.f32 v6, v22;
	v11 =	vld [tilespmem:s6+$0x460];
	v4 =	vadd.f32 v7, v4;
	v7 =	vperm.xlane v7, v0  }
0x89: {  	v27 =	vld [tilespmem:s10+$0x70];
	v3 =	vadd.f32 v5, v3;
	v5 =	vperm.xlane v5, v0;
	v1 =	vadd.f32 v8, v1  }
0x8a: {  	v32 =	vld [tilespmem:s16+$0x60];
	v8 =	vperm.xlane v8, v0;
	v4 =	vadd.f32 v4, v7;
	v7 =	vadd.f32 v24, v9  }
0x8b: {  	v2 =	vadd.f32 v6, v2;
	v3 =	vadd.f32 v3, v5;
	v5 =	vld [tilespmem:s16+$0x460]  }
0x8c: {  	v33 =	vld [tilespmem:s5+$0x60];
	v1 =	vadd.f32 v1, v8;
	v4 =	vadd.f32 v7, v4;
	v7 =	vperm.xlane v7, v0  }
0x8d: {  	v6 =	vperm.xlane v6, v0;
	v8 =	vld [tilespmem:s6+$0x70];
	v9 =	vadd.f32 v10, v23;
	v10 =	vadd.f32 v11, v25  }
0x8e: {  	v11 =	vld [tilespmem:s6+$0x470];
	v4 =	vadd.f32 v4, v7;
	v7 =	vadd.f32 v27, v26  }
0x8f: {  	v2 =	vadd.f32 v2, v6;
	v6 =	vld [tilespmem:s5+$0x460];
	v1 =	vadd.f32 v10, v1;
	v10 =	vperm.xlane v10, v0  }
0x90: {  	v34 =	vld [tilespmem:s16+$0x70];
	v5 =	vadd.f32 v5, v32;
	v4 =	vadd.f32 v7, v4;
	v7 =	vperm.xlane v7, v0  }
0x91: {  	v3 =	vadd.f32 v9, v3;
	v9 =	vperm.xlane v9, v0;
	v1 =	vadd.f32 v1, v10;
	v10 =	vld [tilespmem:s16+$0x470]  }
0x92: {  	v2 =	vadd.f32 v5, v2;
	v4 =	vadd.f32 v4, v7  }
0x93: {  	s18 =	sadd.s32 $0x1000, s2;
	v5 =	vperm.xlane v5, v0;
	v3 =	vadd.f32 v3, v9;
	v9 =	vld [tilespmem:s5+$0x470];
	v7 =	vadd.f32 v11, v8  }
0x94: {  	s2 =	sadd.s32 $0x1400, s2;
	s19 =	sor.u32 s1, s18;
	v6 =	vadd.f32 v6, v33;
	v8 =	vld [tilespmem:s5+$0x70];
	[tilespmem:s25+$0x40] =	vst v4  }
0x95: {  	s1 =	sor.u32 s1, s2;
	v2 =	vadd.f32 v2, v5;
	v1 =	vadd.f32 v7, v1;
	v4 =	vperm.xlane v7, v0;
	v5 =	vld [tilespmem:s19+$0x0]  }
0x96: {  	v7 =	vadd.f32 v10, v34;
	v10 =	vld [tilespmem:s1+$0x0]  }
0x97: {  	v3 =	vadd.f32 v6, v3;
	v11 =	vld [tilespmem:s1+$0x10];
	v1 =	vadd.f32 v1, v4;
	v4 =	vperm.xlane v6, v0  }
0x98: {  	v6 =	vld [tilespmem:s19+$0x10]  }
0x99: {  	s23 =	sor.u32 s4, s17;
	v2 =	vadd.f32 v7, v2;
	v7 =	vperm.xlane v7, v0;
	[tilespmem:s25+$0xFFFFFFA0] =	vst v1;
	v1 =	vadd.f32 v3, v4;
	v3 =	vld [tilespmem:s19+$0x20]  }
0x9a: {  	s24 =	sor.u32 s4, s8;
	v35 =	vld [tilespmem:s23+$0x0]  }
0x9b: {  	v2 =	vadd.f32 v2, v7;
	v7 =	vld [tilespmem:s24+$0x0]  }
0x9c: {  	v38 =	vld [tilespmem:s23+$0x10]  }
0x9d: {  	v39 =	vld [tilespmem:s24+$0x10]  }
0x9e: {  	v44 =	vld [tilespmem:s23+$0x20]  }
0x9f: {  	v45 =	vld [tilespmem:s24+$0x20]  }
0xa0: {  	v4 =	vadd.f32 v9, v8;
	v49 =	vld [tilespmem:s23+$0x30]  }
0xa1: {  	v50 =	vld [tilespmem:s24+$0x30]  }
0xa2: {  	s26 =	sor.u32 s0, s17;
	v1 =	vadd.f32 v4, v1;
	v8 =	vperm.xlane v4, v0;
	[tilespmem:s25+$0xFFFFFFD0] =	vst v2;
	v4 =	vld [tilespmem:s1+$0x20]  }
0xa3: {  	v9 =	vld [tilespmem:s26+$0x0]  }
0xa4: {  	s11 =	sor.u32 s0, s8;
	v40 =	vld [tilespmem:s26+$0x10]  }
0xa5: {  	v41 =	vld [tilespmem:s11+$0x10]  }
0xa6: {  	v46 =	vld [tilespmem:s26+$0x20]  }
0xa7: {  	v5 =	vadd.f32 v10, v5;
	v10 =	vld [tilespmem:s11+$0x20]  }
0xa8: {  	v26 =	vld [tilespmem:s26+$0x50]  }
0xa9: {  	v27 =	vld [tilespmem:s11+$0x50]  }
0xaa: {  	v2 =	vadd.f32 v1, v8;
	v8 =	vld [tilespmem:s11+$0x0]  }
0xab: {  	v1 =	vld [tilespmem:s19+$0x30]  }
0xac: {  	s7 =	sor.u32 s14, s17;
	[tilespmem:s25+$0x0] =	vst v2;
	v2 =	vld [tilespmem:s1+$0x30]  }
0xad: {  	s8 =	sor.u32 s14, s8;
	v48 =	vperm.xlane v5, v0;
	v36 =	vld [tilespmem:s7+$0x0]  }
0xae: {  	v6 =	vadd.f32 v11, v6;
	v37 =	vld [tilespmem:s8+$0x0]  }
0xaf: {  	v7 =	vadd.f32 v7, v35;
	v5 =	vadd.f32 v48, v5;
	v42 =	vld [tilespmem:s7+$0x10]  }
0xb0: {  	v15 =	vadd.f32 v39, v38;
	v56 =	vadd.f32 v45, v44;
	v43 =	vld [tilespmem:s8+$0x10]  }
0xb1: {  	v14 =	vadd.f32 v50, v49;
	v54 =	vld [tilespmem:s7+$0x30];
	v3 =	vadd.f32 v4, v3;
	v25 =	vperm.xlane v7, v0  }
0xb2: {  	v55 =	vld [tilespmem:s8+$0x30];
	v5 =	vadd.f32 v6, v5;
	v6 =	vperm.xlane v6, v0;
	v8 =	vadd.f32 v8, v9  }
0xb3: {  	v32 =	vld [tilespmem:s7+$0x50];
	v10 =	vadd.f32 v10, v46;
	v38 =	vadd.f32 v27, v26  }
0xb4: {  	v34 =	vld [tilespmem:s8+$0x50];
	v7 =	vadd.f32 v25, v7;
	v5 =	vadd.f32 v5, v6;
	v11 =	vperm.xlane v8, v0  }
0xb5: {  	v1 =	vadd.f32 v2, v1;
	v13 =	vadd.f32 v37, v36  }
0xb6: {  	v47 =	vld [tilespmem:s7+$0x20];
	v8 =	vadd.f32 v11, v8;
	v11 =	vadd.f32 v41, v40  }
0xb7: {  	v9 =	vld [tilespmem:s8+$0x20];
	v7 =	vadd.f32 v15, v7;
	v19 =	vadd.f32 v43, v42;
	v51 =	vperm.xlane v13, v0  }
0xb8: {  	v52 =	vld [tilespmem:s26+$0x30];
	v25 =	vadd.f32 v55, v54;
	v8 =	vadd.f32 v11, v8;
	v11 =	vperm.xlane v11, v0  }
0xb9: {  	v53 =	vld [tilespmem:s11+$0x30];
	v15 =	vperm.xlane v15, v0;
	v12 =	vadd.f32 v34, v32;
	v13 =	vadd.f32 v51, v13  }
0xba: {  	v57 =	vld [tilespmem:s23+$0x40];
	v5 =	vadd.f32 v3, v5;
	v8 =	vadd.f32 v8, v11  }
0xbb: {  	v58 =	vld [tilespmem:s24+$0x40];
	v7 =	vadd.f32 v7, v15;
	v11 =	vperm.xlane v19, v0;
	v13 =	vadd.f32 v19, v13  }
0xbc: {  	v63 =	vld [tilespmem:s23+$0x50];
	v9 =	vadd.f32 v9, v47;
	v8 =	vadd.f32 v10, v8;
	v10 =	vperm.xlane v10, v0  }
0xbd: {  	v59 =	vld [tilespmem:s26+$0x40];
	v22 =	vperm.xlane v56, v0;
	v7 =	vadd.f32 v56, v7;
	v11 =	vadd.f32 v13, v11  }
0xbe: {  	v60 =	vld [tilespmem:s11+$0x40];
	v8 =	vadd.f32 v8, v10;
	v10 =	vadd.f32 v53, v52  }
0xbf: {  	v61 =	vld [tilespmem:s7+$0x40];
	v7 =	vadd.f32 v7, v22;
	v11 =	vadd.f32 v9, v11;
	v9 =	vperm.xlane v9, v0  }
0xc0: {  	v62 =	vld [tilespmem:s8+$0x40];
	v3 =	vperm.xlane v3, v0;
	v8 =	vadd.f32 v10, v8;
	v10 =	vperm.xlane v10, v0  }
0xc1: {  	v24 =	vld [tilespmem:s24+$0x50];
	v7 =	vadd.f32 v14, v7;
	v9 =	vadd.f32 v11, v9;
	v11 =	vperm.xlane v14, v0  }
0xc2: {  	v35 =	vld [tilespmem:s23+$0x60];
	v3 =	vadd.f32 v5, v3;
	v8 =	vadd.f32 v8, v10  }
0xc3: {  	v44 =	vld [tilespmem:s11+$0x70];
	v7 =	vadd.f32 v7, v11;
	v11 =	vadd.f32 v58, v57  }
0xc4: {  	v39 =	vld [tilespmem:s7+$0x60];
	v33 =	vperm.xlane v25, v0;
	v10 =	vadd.f32 v60, v59;
	v9 =	vadd.f32 v25, v9  }
0xc5: {  	v36 =	vld [tilespmem:s24+$0x60];
	v13 =	vadd.f32 v62, v61;
	v7 =	vadd.f32 v11, v7;
	v11 =	vperm.xlane v11, v0  }
0xc6: {  	v37 =	vld [tilespmem:s11+$0x60];
	v8 =	vadd.f32 v10, v8;
	v10 =	vperm.xlane v10, v0;
	v9 =	vadd.f32 v9, v33  }
0xc7: {  	v43 =	vld [tilespmem:s26+$0x70];
	v7 =	vadd.f32 v7, v11;
	v11 =	vadd.f32 v24, v63  }
0xc8: {  	v8 =	vadd.f32 v8, v10;
	v10 =	vld [tilespmem:s26+$0x60];
	v9 =	vadd.f32 v13, v9;
	v13 =	vperm.xlane v13, v0  }
0xc9: {  	v41 =	vld [tilespmem:s23+$0x70];
	v3 =	vadd.f32 v1, v3;
	v6 =	vadd.f32 v11, v7;
	v7 =	vperm.xlane v11, v0  }
0xca: {  	v42 =	vadd.f32 v36, v35;
	v11 =	vld [tilespmem:s8+$0x60];
	v9 =	vadd.f32 v9, v13  }
0xcb: {  	v40 =	vperm.xlane v38, v0;
	v8 =	vadd.f32 v38, v8;
	v6 =	vadd.f32 v6, v7;
	v7 =	vld [tilespmem:s24+$0x70]  }
0xcc: {  	v14 =	vadd.f32 v44, v43;
	v9 =	vadd.f32 v12, v9;
	v12 =	vperm.xlane v12, v0  }
0xcd: {  	v45 =	vld [tilespmem:s7+$0x70];
	v8 =	vadd.f32 v8, v40;
	v10 =	vadd.f32 v37, v10  }
0xce: {  	v46 =	vld [tilespmem:s8+$0x70];
	v13 =	vperm.xlane v42, v0;
	v6 =	vadd.f32 v42, v6;
	v9 =	vadd.f32 v9, v12  }
0xcf: {  	v4 =	vld [tilespmem:s19+$0x40];
	v8 =	vadd.f32 v10, v8;
	v10 =	vperm.xlane v10, v0;
	v11 =	vadd.f32 v11, v39  }
0xd0: {  	v47 =	vld [tilespmem:s1+$0x40];
	v6 =	vadd.f32 v6, v13;
	v7 =	vadd.f32 v7, v41  }
0xd1: {  	v48 =	vld [tilespmem:s1+$0x50];
	v8 =	vadd.f32 v8, v10;
	v9 =	vadd.f32 v11, v9  }
0xd2: {  	v49 =	vld [tilespmem:s19+$0x60];
	v11 =	vperm.xlane v11, v0;
	v6 =	vadd.f32 v7, v6;
	v7 =	vperm.xlane v7, v0  }
0xd3: {  	v2 =	vld [tilespmem:s19+$0x70];
	v1 =	vperm.xlane v1, v0;
	v12 =	vadd.f32 v46, v45;
	v8 =	vadd.f32 v14, v8  }
0xd4: {  	v5 =	vld [tilespmem:s1+$0x70];
	v14 =	vperm.xlane v14, v0;
	v9 =	vadd.f32 v9, v11;
	v6 =	vadd.f32 v6, v7  }
0xd5: {  	v1 =	vadd.f32 v3, v1;
	v3 =	vadd.f32 v47, v4;
	v10 =	vld [tilespmem:s19+$0x50]  }
0xd6: {  	s28 =	sor.u32 s4, s18;
	v11 =	vld [tilespmem:s1+$0x60];
	v7 =	vadd.f32 v8, v14;
	v8 =	vadd.f32 v12, v9;
	v9 =	vperm.xlane v12, v0;
	[tilespmem:s25+$0xFFFFFFB0] =	vst v6  }
0xd7: {  	s29 =	sor.u32 s4, s2;
	v6 =	vld [tilespmem:s28+$0x0]  }
0xd8: {  	s30 =	sor.u32 s0, s18;
	v1 =	vadd.f32 v3, v1;
	v3 =	vperm.xlane v3, v0;
	[tilespmem:s25+$0xFFFFFFE0] =	vst v7;
	v7 =	vadd.f32 v8, v9;
	v8 =	vld [tilespmem:s29+$0x0]  }
0xd9: {  	v4 =	vld [tilespmem:s30+$0x0]  }
0xda: {  	v1 =	vadd.f32 v1, v3;
	v3 =	vadd.f32 v48, v10;
	v10 =	vld [tilespmem:s28+$0x10]  }
0xdb: {  	v51 =	vld [tilespmem:s29+$0x10]  }
0xdc: {  	s31 =	sor.u32 s0, s2;
	v52 =	vld [tilespmem:s30+$0x10]  }
0xdd: {  	v53 =	vld [tilespmem:s31+$0x10]  }
0xde: {  	v55 =	vld [tilespmem:s29+$0x20]  }
0xdf: {  	v60 =	vld [tilespmem:s30+$0x30]  }
0xe0: {  	s0 =	sor.u32 s14, s18;
	v1 =	vadd.f32 v3, v1;
	v3 =	vperm.xlane v3, v0;
	[tilespmem:s25+$0x10] =	vst v7;
	v7 =	vld [tilespmem:s31+$0x0]  }
0xe1: {  	s4 =	sor.u32 s14, s2;
	v9 =	vld [tilespmem:s0+$0x0]  }
0xe2: {  	v1 =	vadd.f32 v1, v3;
	v3 =	vadd.f32 v11, v49;
	v50 =	vld [tilespmem:s4+$0x0]  }
0xe3: {  	v61 =	vld [tilespmem:s31+$0x30]  }
0xe4: {  	v11 =	vld [tilespmem:s0+$0x10];
	v1 =	vadd.f32 v3, v1;
	v3 =	vperm.xlane v3, v0  }
0xe5: {  	v6 =	vadd.f32 v8, v6;
	v8 =	vld [tilespmem:s4+$0x10];
	v4 =	vadd.f32 v7, v4  }
0xe6: {  	v2 =	vadd.f32 v5, v2;
	v56 =	vld [tilespmem:s30+$0x20];
	v1 =	vadd.f32 v1, v3  }
0xe7: {  	v7 =	vld [tilespmem:s28+$0x20];
	v54 =	vperm.xlane v6, v0;
	v9 =	vadd.f32 v50, v9;
	v3 =	vperm.xlane v4, v0  }
0xe8: {  	v57 =	vld [tilespmem:s31+$0x20];
	v10 =	vadd.f32 v51, v10;
	v14 =	vadd.f32 v53, v52  }
0xe9: {  	v59 =	vld [tilespmem:s29+$0x30];
	v6 =	vadd.f32 v54, v6;
	v3 =	vadd.f32 v3, v4;
	v4 =	vperm.xlane v9, v0  }
0xea: {  	v5 =	vld [tilespmem:s0+$0x20];
	v12 =	vadd.f32 v61, v60;
	v8 =	vadd.f32 v8, v11  }
0xeb: {  	v58 =	vperm.xlane v10, v0;
	v6 =	vadd.f32 v10, v6;
	v10 =	vld [tilespmem:s4+$0x20];
	v4 =	vadd.f32 v4, v9  }
0xec: {  	v11 =	vperm.xlane v14, v0;
	v7 =	vadd.f32 v55, v7;
	v9 =	vld [tilespmem:s28+$0x30];
	v3 =	vadd.f32 v14, v3  }
0xed: {  	v6 =	vadd.f32 v6, v58;
	v4 =	vadd.f32 v8, v4;
	v8 =	vperm.xlane v8, v0  }
0xee: {  	v3 =	vadd.f32 v3, v11;
	v11 =	vadd.f32 v57, v56  }
0xef: {  	v8 =	vadd.f32 v4, v8;
	v4 =	vadd.f32 v7, v6;
	v6 =	vperm.xlane v7, v0;
	v7 =	vld [tilespmem:s0+$0x30]  }
0xf0: {  	v62 =	vadd.f32 v2, v1;
	v2 =	vperm.xlane v2, v0;
	v5 =	vadd.f32 v10, v5;
	v10 =	vld [tilespmem:s4+$0x30]  }
0xf1: {  	v1 =	vld [tilespmem:s28+$0x40];
	v3 =	vadd.f32 v11, v3;
	v11 =	vperm.xlane v11, v0;
	v9 =	vadd.f32 v59, v9  }
0xf2: {  	v6 =	vadd.f32 v4, v6;
	v4 =	vld [tilespmem:s29+$0x40];
	v8 =	vadd.f32 v5, v8;
	v5 =	vperm.xlane v5, v0  }
0xf3: {  	v13 =	vadd.f32 v62, v2;
	v11 =	vadd.f32 v3, v11;
	v3 =	vld [tilespmem:s30+$0x40]  }
0xf4: {  	v63 =	vperm.xlane v9, v0;
	v14 =	vadd.f32 v9, v6;
	v6 =	vld [tilespmem:s31+$0x40];
	v8 =	vadd.f32 v8, v5  }
0xf5: {  	v2 =	vld [tilespmem:s0+$0x40];
	v9 =	vadd.f32 v12, v11;
	v11 =	vperm.xlane v12, v0;
	v10 =	vadd.f32 v10, v7  }
0xf6: {  	s14 =	simm.s32 $0x0;
	s16 =	simm.s32 $0x0;
	s26 =	simm.s32 $0x18060;
	[tilespmem:s25+$0x50] =	vst v13;
	v5 =	vld [tilespmem:s4+$0x40];
	v7 =	vadd.f32 v14, v63  }
.LBB2_3:
0xf7: {  	s14 =	sadd.s32 $0x4, s14;
	v12 =	vld [tilespmem:s28+$0x50];
	v9 =	vadd.f32 v9, v11;
	v8 =	vadd.f32 v10, v8;
	v10 =	vperm.xlane v10, v0  }
0xf8: {  	v1 =	vadd.f32 v4, v1;
	s1 =	sshrl.u32 s14, $0x3;
	v4 =	vld [tilespmem:s29+$0x50]  }
0xf9: {  	s16 =	sadd.s32 $0x200, s16;
	s1 =	smul.u32 $0x6000, s1;
	v3 =	vadd.f32 v6, v3;
	v6 =	vld [tilespmem:s30+$0x50];
	v8 =	vadd.f32 v8, v10  }
0xfa: {  	s3 =	sadd.s32 $0x80, s16;
	s5 =	sadd.s32 $0x100, s16;
	s6 =	sadd.s32 $0x180, s16;
	v7 =	vadd.f32 v1, v7;
	v1 =	vperm.xlane v1, v0;
	v10 =	vld [tilespmem:s31+$0x50]  }
0xfb: {  	s17 =	sand.u32 $0x280, s3;
	s10 =	sand.u32 $0x380, s6;
	s2 =	sshra.s32 s1, $0x2;
	v9 =	vadd.f32 v3, v9;
	v3 =	vperm.xlane v3, v0;
	v2 =	vadd.f32 v5, v2;
	v5 =	vld [tilespmem:s0+$0x50]  }
0xfc: {  	s7 =	sand.u32 $0x200, s16;
	s1 =	sand.u32 $0x300, s5;
	v1 =	vadd.f32 v7, v1;
	s3 =	sor.u32 s10, s2;
	v7 =	vld [tilespmem:s4+$0x50]  }
0xfd: {  	s24 =	sor.u32 s7, s2;
	s13 =	sor.u32 s17, s2;
	s11 =	sor.u32 s1, s2;
	v11 =	vld [tilespmem:s3+$0x0];
	v3 =	vadd.f32 v9, v3;
	v8 =	vadd.f32 v2, v8;
	v2 =	vperm.xlane v2, v0  }
0xfe: {  	p0 =	slt.u32 s14, $0x3C;
	v4 =	vadd.f32 v4, v12;
	v9 =	vld [tilespmem:s3+$0x400]  }
0xff: {  	v12 =	vld [tilespmem:s24+$0x0];
	v6 =	vadd.f32 v10, v6;
	v2 =	vadd.f32 v8, v2  }
0x100: {  	v1 =	vadd.f32 v4, v1;
	v4 =	vperm.xlane v4, v0;
	v8 =	vld [tilespmem:s24+$0x400]  }
0x101: {  	v10 =	vld [tilespmem:s3+$0x10];
	v13 =	vadd.f32 v6, v3;
	v6 =	vperm.xlane v6, v0;
	v5 =	vadd.f32 v7, v5  }
0x102: {  	v3 =	vadd.f32 v1, v4;
	v7 =	vld [tilespmem:s3+$0x410]  }
0x103: {  	v4 =	vld [tilespmem:s13+$0x0];
	v9 =	vadd.f32 v9, v11;
	v1 =	vadd.f32 v5, v2;
	v5 =	vperm.xlane v5, v0  }
0x104: {  	v2 =	vadd.f32 v13, v6;
	v11 =	vld [tilespmem:s13+$0x400]  }
0x105: {  	v6 =	vadd.f32 v8, v12;
	v8 =	vperm.xlane v9, v0;
	v12 =	vld [tilespmem:s3+$0x20];
	v1 =	vadd.f32 v1, v5  }
0x106: {  	v5 =	vld [tilespmem:s3+$0x420]  }
0x107: {  	v13 =	vperm.xlane v6, v0;
	v14 =	vld [tilespmem:s11+$0x0];
	v8 =	vadd.f32 v8, v9;
	v7 =	vadd.f32 v7, v10  }
0x108: {  	v9 =	vld [tilespmem:s11+$0x400]  }
0x109: {  	v4 =	vadd.f32 v11, v4;
	v8 =	vadd.f32 v7, v8;
	v7 =	vperm.xlane v7, v0;
	v10 =	vld [tilespmem:s3+$0x30]  }
0x10a: {  	v6 =	vadd.f32 v13, v6;
	v11 =	vld [tilespmem:s3+$0x430]  }
0x10b: {  	v13 =	vld [tilespmem:s24+$0x10];
	v15 =	vperm.xlane v4, v0;
	v7 =	vadd.f32 v8, v7;
	v5 =	vadd.f32 v5, v12  }
0x10c: {  	v8 =	vld [tilespmem:s24+$0x410]  }
0x10d: {  	v9 =	vadd.f32 v9, v14;
	v7 =	vadd.f32 v5, v7;
	v5 =	vperm.xlane v5, v0;
	v12 =	vld [tilespmem:s3+$0x40]  }
0x10e: {  	v4 =	vadd.f32 v15, v4;
	v14 =	vld [tilespmem:s3+$0x440]  }
0x10f: {  	v15 =	vld [tilespmem:s13+$0x10];
	v16 =	vperm.xlane v9, v0;
	v5 =	vadd.f32 v7, v5;
	v7 =	vadd.f32 v11, v10  }
0x110: {  	v10 =	vld [tilespmem:s13+$0x410]  }
0x111: {  	v9 =	vadd.f32 v16, v9;
	v5 =	vadd.f32 v7, v5;
	v7 =	vperm.xlane v7, v0;
	v11 =	vld [tilespmem:s3+$0x50]  }
0x112: {  	v8 =	vadd.f32 v8, v13;
	v13 =	vld [tilespmem:s3+$0x450]  }
0x113: {  	v16 =	vld [tilespmem:s11+$0x10];
	v5 =	vadd.f32 v5, v7;
	v7 =	vadd.f32 v14, v12  }
0x114: {  	v6 =	vadd.f32 v8, v6;
	v8 =	vperm.xlane v8, v0;
	v12 =	vld [tilespmem:s11+$0x410]  }
0x115: {  	v10 =	vadd.f32 v10, v15;
	v5 =	vadd.f32 v7, v5;
	v7 =	vperm.xlane v7, v0;
	v14 =	vld [tilespmem:s3+$0x60]  }
0x116: {  	v6 =	vadd.f32 v6, v8;
	v8 =	vld [tilespmem:s3+$0x460]  }
0x117: {  	v15 =	vld [tilespmem:s24+$0x20];
	v17 =	vperm.xlane v10, v0;
	v5 =	vadd.f32 v5, v7;
	v7 =	vadd.f32 v13, v11  }
0x118: {  	v4 =	vadd.f32 v10, v4;
	v11 =	vld [tilespmem:s24+$0x420]  }
0x119: {  	v10 =	vadd.f32 v12, v16;
	v5 =	vadd.f32 v7, v5;
	v7 =	vperm.xlane v7, v0;
	v12 =	vld [tilespmem:s3+$0x70]  }
0x11a: {  	v4 =	vadd.f32 v4, v17;
	v13 =	vld [tilespmem:s3+$0x470]  }
0x11b: {  	v16 =	vld [tilespmem:s13+$0x20];
	v17 =	vperm.xlane v10, v0;
	v5 =	vadd.f32 v5, v7;
	v7 =	vadd.f32 v8, v14  }
0x11c: {  	v9 =	vadd.f32 v10, v9;
	v8 =	vld [tilespmem:s13+$0x420]  }
0x11d: {  	v10 =	vadd.f32 v11, v15;
	v11 =	vld [tilespmem:s11+$0x20];
	v5 =	vadd.f32 v7, v5;
	v7 =	vperm.xlane v7, v0  }
0x11e: {  	v9 =	vadd.f32 v9, v17;
	v14 =	vld [tilespmem:s11+$0x420]  }
0x11f: {  	v15 =	vperm.xlane v10, v0;
	v17 =	vld [tilespmem:s24+$0x30];
	v5 =	vadd.f32 v5, v7;
	v7 =	vadd.f32 v13, v12  }
0x120: {  	v6 =	vadd.f32 v10, v6;
	v10 =	vld [tilespmem:s24+$0x430]  }
0x121: {  	v8 =	vadd.f32 v8, v16;
	v12 =	vld [tilespmem:s13+$0x30];
	v5 =	vadd.f32 v7, v5;
	v7 =	vperm.xlane v7, v0  }
0x122: {  	v6 =	vadd.f32 v6, v15;
	v13 =	vld [tilespmem:s13+$0x430]  }
0x123: {  	v15 =	vperm.xlane v8, v0;
	v11 =	vadd.f32 v14, v11;
	v14 =	vld [tilespmem:s11+$0x30];
	v5 =	vadd.f32 v5, v7  }
0x124: {  	s25 =	sadd.s32 $0xC0, s25;
	s5 =	sadd.s32 $0x800, s2;
	v4 =	vadd.f32 v8, v4;
	v7 =	vld [tilespmem:s11+$0x430]  }
0x125: {  	s19 =	sadd.s32 $0xC00, s2;
	s8 =	sor.u32 s7, s5;
	s23 =	sor.u32 s10, s5;
	v8 =	vadd.f32 v10, v17;
	v10 =	vld [tilespmem:s24+$0x40];
	v9 =	vadd.f32 v11, v9;
	v11 =	vperm.xlane v11, v0;
	[tilespmem:s25+$0x30] =	vst v5  }
0x126: {  	s9 =	sor.u32 s17, s5;
	s18 =	sor.u32 s10, s19;
	s3 =	sor.u32 s7, s19;
	v4 =	vadd.f32 v4, v15;
	v5 =	vld [tilespmem:s23+$0x0]  }
0x127: {  	s15 =	sor.u32 s17, s19;
	s6 =	sor.u32 s1, s5;
	s5 =	sor.u32 s1, s19;
	v15 =	vperm.xlane v8, v0;
	v12 =	vadd.f32 v13, v12;
	v9 =	vadd.f32 v9, v11;
	v11 =	vld [tilespmem:s18+$0x0]  }
0x128: {  	v6 =	vadd.f32 v8, v6;
	v8 =	vld [tilespmem:s24+$0x440]  }
0x129: {  	v4 =	vadd.f32 v12, v4;
	v12 =	vperm.xlane v12, v0;
	v13 =	vld [tilespmem:s13+$0x40];
	v7 =	vadd.f32 v7, v14  }
0x12a: {  	v6 =	vadd.f32 v6, v15;
	v14 =	vld [tilespmem:s23+$0x10]  }
0x12b: {  	v4 =	vadd.f32 v4, v12;
	v9 =	vadd.f32 v7, v9;
	v7 =	vperm.xlane v7, v0;
	v12 =	vld [tilespmem:s18+$0x10]  }
0x12c: {  	v15 =	vld [tilespmem:s13+$0x440];
	v5 =	vadd.f32 v11, v5  }
0x12d: {  	v8 =	vadd.f32 v8, v10;
	v7 =	vadd.f32 v9, v7;
	v9 =	vld [tilespmem:s11+$0x40]  }
0x12e: {  	v10 =	vperm.xlane v5, v0;
	v11 =	vld [tilespmem:s23+$0x20]  }
0x12f: {  	v6 =	vadd.f32 v8, v6;
	v8 =	vperm.xlane v8, v0;
	v16 =	vld [tilespmem:s18+$0x20]  }
0x130: {  	v17 =	vld [tilespmem:s11+$0x440];
	v5 =	vadd.f32 v10, v5;
	v10 =	vadd.f32 v12, v14  }
0x131: {  	v6 =	vadd.f32 v6, v8;
	v8 =	vld [tilespmem:s24+$0x50];
	v12 =	vadd.f32 v15, v13  }
0x132: {  	v5 =	vadd.f32 v10, v5;
	v10 =	vperm.xlane v10, v0;
	v13 =	vld [tilespmem:s23+$0x30]  }
0x133: {  	v4 =	vadd.f32 v12, v4;
	v12 =	vperm.xlane v12, v0;
	v14 =	vld [tilespmem:s18+$0x30]  }
0x134: {  	v15 =	vld [tilespmem:s24+$0x450];
	v5 =	vadd.f32 v5, v10;
	v10 =	vadd.f32 v16, v11  }
0x135: {  	v4 =	vadd.f32 v4, v12;
	v11 =	vld [tilespmem:s13+$0x50];
	v9 =	vadd.f32 v17, v9  }
0x136: {  	v5 =	vadd.f32 v10, v5;
	v10 =	vperm.xlane v10, v0;
	v12 =	vld [tilespmem:s23+$0x40]  }
0x137: {  	v7 =	vadd.f32 v9, v7;
	v9 =	vperm.xlane v9, v0;
	v16 =	vld [tilespmem:s18+$0x40]  }
0x138: {  	v17 =	vld [tilespmem:s13+$0x450];
	v5 =	vadd.f32 v5, v10;
	v10 =	vadd.f32 v14, v13  }
0x139: {  	v8 =	vadd.f32 v15, v8;
	v7 =	vadd.f32 v7, v9;
	v9 =	vld [tilespmem:s11+$0x50]  }
0x13a: {  	v5 =	vadd.f32 v10, v5;
	v10 =	vperm.xlane v10, v0;
	v13 =	vld [tilespmem:s23+$0x50]  }
0x13b: {  	v6 =	vadd.f32 v8, v6;
	v8 =	vperm.xlane v8, v0;
	v14 =	vld [tilespmem:s18+$0x50]  }
0x13c: {  	v15 =	vld [tilespmem:s11+$0x450];
	v5 =	vadd.f32 v5, v10;
	v10 =	vadd.f32 v16, v12  }
0x13d: {  	v6 =	vadd.f32 v6, v8;
	v8 =	vld [tilespmem:s24+$0x60];
	v11 =	vadd.f32 v17, v11  }
0x13e: {  	v5 =	vadd.f32 v10, v5;
	v10 =	vperm.xlane v10, v0;
	v12 =	vld [tilespmem:s23+$0x60]  }
0x13f: {  	v4 =	vadd.f32 v11, v4;
	v11 =	vperm.xlane v11, v0;
	v16 =	vld [tilespmem:s18+$0x60]  }
0x140: {  	v17 =	vld [tilespmem:s24+$0x460];
	v5 =	vadd.f32 v5, v10;
	v10 =	vadd.f32 v14, v13  }
0x141: {  	v4 =	vadd.f32 v4, v11;
	v11 =	vld [tilespmem:s13+$0x60];
	v9 =	vadd.f32 v15, v9  }
0x142: {  	v5 =	vadd.f32 v10, v5;
	v10 =	vperm.xlane v10, v0;
	v13 =	vld [tilespmem:s23+$0x70]  }
0x143: {  	v7 =	vadd.f32 v9, v7;
	v9 =	vperm.xlane v9, v0;
	v14 =	vld [tilespmem:s18+$0x70]  }
0x144: {  	v15 =	vld [tilespmem:s13+$0x460];
	v5 =	vadd.f32 v5, v10;
	v10 =	vadd.f32 v16, v12  }
0x145: {  	v8 =	vadd.f32 v17, v8;
	v7 =	vadd.f32 v7, v9;
	v9 =	vld [tilespmem:s11+$0x60]  }
0x146: {  	v12 =	vld [tilespmem:s11+$0x460];
	v5 =	vadd.f32 v10, v5;
	v10 =	vperm.xlane v10, v0  }
0x147: {  	v6 =	vadd.f32 v8, v6;
	v8 =	vperm.xlane v8, v0;
	v16 =	vld [tilespmem:s24+$0x70]  }
0x148: {  	v17 =	vld [tilespmem:s24+$0x470];
	v5 =	vadd.f32 v5, v10;
	v10 =	vadd.f32 v14, v13  }
0x149: {  	v6 =	vadd.f32 v6, v8;
	v8 =	vadd.f32 v15, v11;
	v11 =	vld [tilespmem:s13+$0x70]  }
0x14a: {  	v13 =	vld [tilespmem:s13+$0x470];
	v5 =	vadd.f32 v10, v5;
	v10 =	vperm.xlane v10, v0  }
0x14b: {  	v4 =	vadd.f32 v8, v4;
	v8 =	vperm.xlane v8, v0;
	v9 =	vadd.f32 v12, v9;
	v12 =	vld [tilespmem:s11+$0x70]  }
0x14c: {  	v14 =	vld [tilespmem:s11+$0x470];
	v5 =	vadd.f32 v5, v10  }
0x14d: {  	s19 =	sadd.s32 $0x1000, s2;
	v4 =	vadd.f32 v4, v8;
	v7 =	vadd.f32 v9, v7;
	v8 =	vperm.xlane v9, v0;
	v9 =	vld [tilespmem:s28+$0x60]  }
0x14e: {  	s23 =	sadd.s32 $0x1400, s2;
	s24 =	sor.u32 s10, s19;
	s11 =	sor.u32 s7, s19;
	v10 =	vadd.f32 v17, v16;
	[tilespmem:s25+$0x40] =	vst v5;
	v5 =	vld [tilespmem:s29+$0x60]  }
0x14f: {  	s18 =	sor.u32 s10, s23;
	s13 =	sor.u32 s7, s23;
	s7 =	sor.u32 s17, s19;
	v11 =	vadd.f32 v13, v11;
	v7 =	vadd.f32 v7, v8;
	v8 =	vld [tilespmem:s24+$0x0]  }
0x150: {  	s2 =	sor.u32 s1, s19;
	s1 =	sor.u32 s1, s23;
	s10 =	sor.u32 s17, s23;
	v6 =	vadd.f32 v10, v6;
	v10 =	vperm.xlane v10, v0;
	v13 =	vld [tilespmem:s18+$0x0]  }
0x151: {  	v4 =	vadd.f32 v11, v4;
	v11 =	vperm.xlane v11, v0;
	v12 =	vadd.f32 v14, v12;
	v14 =	vld [tilespmem:s30+$0x60]  }
0x152: {  	v6 =	vadd.f32 v6, v10;
	v10 =	vld [tilespmem:s31+$0x60]  }
0x153: {  	v4 =	vadd.f32 v4, v11;
	v7 =	vadd.f32 v12, v7;
	v11 =	vperm.xlane v12, v0;
	v12 =	vld [tilespmem:s24+$0x10]  }
0x154: {  	v5 =	vadd.f32 v5, v9;
	[tilespmem:s25+$0xFFFFFFA0] =	vst v6;
	v6 =	vld [tilespmem:s18+$0x10]  }
0x155: {  	v9 =	vld [tilespmem:s8+$0x0];
	[tilespmem:s25+$0xFFFFFFD0] =	vst v4;
	v4 =	vadd.f32 v7, v11;
	v7 =	vadd.f32 v13, v8  }
0x156: {  	v3 =	vadd.f32 v5, v3;
	v5 =	vperm.xlane v5, v0;
	v8 =	vld [tilespmem:s3+$0x0]  }
0x157: {  	[tilespmem:s25+$0x0] =	vst v4;
	v4 =	vperm.xlane v7, v0;
	v11 =	vld [tilespmem:s24+$0x20];
	v10 =	vadd.f32 v10, v14  }
0x158: {  	v3 =	vadd.f32 v3, v5;
	v13 =	vld [tilespmem:s18+$0x20]  }
0x159: {  	v5 =	vld [tilespmem:s9+$0x0];
	v4 =	vadd.f32 v4, v7;
	v6 =	vadd.f32 v6, v12;
	v7 =	vperm.xlane v10, v0  }
0x15a: {  	v2 =	vadd.f32 v10, v2;
	v12 =	vld [tilespmem:s15+$0x0]  }
0x15b: {  	v8 =	vadd.f32 v8, v9;
	v4 =	vadd.f32 v6, v4;
	v6 =	vperm.xlane v6, v0;
	v9 =	vld [tilespmem:s24+$0x30]  }
0x15c: {  	v2 =	vadd.f32 v2, v7;
	v10 =	vld [tilespmem:s18+$0x30]  }
0x15d: {  	v7 =	vperm.xlane v8, v0;
	v14 =	vld [tilespmem:s6+$0x0];
	v4 =	vadd.f32 v4, v6;
	v6 =	vadd.f32 v13, v11  }
0x15e: {  	v11 =	vld [tilespmem:s5+$0x0]  }
0x15f: {  	v5 =	vadd.f32 v12, v5;
	v4 =	vadd.f32 v6, v4;
	v6 =	vperm.xlane v6, v0;
	v12 =	vld [tilespmem:s24+$0x40]  }
0x160: {  	v7 =	vadd.f32 v7, v8;
	v8 =	vld [tilespmem:s18+$0x40]  }
0x161: {  	v13 =	vld [tilespmem:s8+$0x10];
	v15 =	vperm.xlane v5, v0;
	v4 =	vadd.f32 v4, v6;
	v6 =	vadd.f32 v10, v9  }
0x162: {  	v9 =	vld [tilespmem:s3+$0x10]  }
0x163: {  	v10 =	vadd.f32 v11, v14;
	v4 =	vadd.f32 v6, v4;
	v6 =	vperm.xlane v6, v0;
	v11 =	vld [tilespmem:s24+$0x50]  }
0x164: {  	v5 =	vadd.f32 v15, v5;
	v14 =	vld [tilespmem:s18+$0x50]  }
0x165: {  	v15 =	vld [tilespmem:s9+$0x10];
	v16 =	vperm.xlane v10, v0;
	v4 =	vadd.f32 v4, v6;
	v6 =	vadd.f32 v8, v12  }
0x166: {  	v8 =	vld [tilespmem:s15+$0x10]  }
0x167: {  	v10 =	vadd.f32 v16, v10;
	v4 =	vadd.f32 v6, v4;
	v6 =	vperm.xlane v6, v0;
	v12 =	vld [tilespmem:s24+$0x60]  }
0x168: {  	v9 =	vadd.f32 v9, v13;
	v13 =	vld [tilespmem:s18+$0x60]  }
0x169: {  	v16 =	vld [tilespmem:s6+$0x10];
	v4 =	vadd.f32 v4, v6;
	v6 =	vadd.f32 v14, v11  }
0x16a: {  	v7 =	vadd.f32 v9, v7;
	v9 =	vperm.xlane v9, v0;
	v11 =	vld [tilespmem:s5+$0x10]  }
0x16b: {  	v8 =	vadd.f32 v8, v15;
	v4 =	vadd.f32 v6, v4;
	v6 =	vperm.xlane v6, v0;
	v14 =	vld [tilespmem:s24+$0x70]  }
0x16c: {  	v7 =	vadd.f32 v7, v9;
	v9 =	vld [tilespmem:s18+$0x70]  }
0x16d: {  	v15 =	vld [tilespmem:s8+$0x20];
	v17 =	vperm.xlane v8, v0;
	v4 =	vadd.f32 v4, v6;
	v6 =	vadd.f32 v13, v12  }
0x16e: {  	v5 =	vadd.f32 v8, v5;
	v12 =	vld [tilespmem:s3+$0x20]  }
0x16f: {  	v8 =	vld [tilespmem:s9+$0x20];
	v11 =	vadd.f32 v11, v16;
	v4 =	vadd.f32 v6, v4;
	v6 =	vperm.xlane v6, v0  }
0x170: {  	v5 =	vadd.f32 v5, v17;
	v13 =	vld [tilespmem:s15+$0x20]  }
0x171: {  	v16 =	vperm.xlane v11, v0;
	v17 =	vld [tilespmem:s6+$0x20];
	v4 =	vadd.f32 v4, v6;
	v6 =	vadd.f32 v9, v14  }
0x172: {  	v9 =	vadd.f32 v11, v10;
	v10 =	vld [tilespmem:s5+$0x20]  }
0x173: {  	v11 =	vadd.f32 v12, v15;
	v12 =	vld [tilespmem:s8+$0x30];
	v4 =	vadd.f32 v6, v4;
	v6 =	vperm.xlane v6, v0  }
0x174: {  	v9 =	vadd.f32 v9, v16;
	v14 =	vld [tilespmem:s3+$0x30]  }
0x175: {  	v15 =	vperm.xlane v11, v0;
	v8 =	vadd.f32 v13, v8;
	v13 =	vld [tilespmem:s9+$0x30];
	v4 =	vadd.f32 v4, v6  }
0x176: {  	v6 =	vadd.f32 v11, v7;
	v7 =	vld [tilespmem:s15+$0x30]  }
0x177: {  	v5 =	vadd.f32 v8, v5;
	v8 =	vperm.xlane v8, v0;
	v10 =	vadd.f32 v10, v17;
	v11 =	vld [tilespmem:s6+$0x30];
	[tilespmem:s25+$0x50] =	vst v4  }
0x178: {  	v4 =	vadd.f32 v6, v15;
	v6 =	vld [tilespmem:s5+$0x30]  }
0x179: {  	v15 =	vld [tilespmem:s8+$0x40];
	v5 =	vadd.f32 v5, v8;
	v8 =	vadd.f32 v10, v9;
	v9 =	vperm.xlane v10, v0  }
0x17a: {  	v10 =	vadd.f32 v14, v12;
	v12 =	vld [tilespmem:s3+$0x40]  }
0x17b: {  	v7 =	vadd.f32 v7, v13;
	v13 =	vld [tilespmem:s9+$0x40];
	v8 =	vadd.f32 v8, v9  }
0x17c: {  	v4 =	vadd.f32 v10, v4;
	v9 =	vperm.xlane v10, v0;
	v10 =	vld [tilespmem:s15+$0x40]  }
0x17d: {  	v5 =	vadd.f32 v7, v5;
	v7 =	vperm.xlane v7, v0;
	v6 =	vadd.f32 v6, v11;
	v11 =	vld [tilespmem:s6+$0x40]  }
0x17e: {  	v4 =	vadd.f32 v4, v9;
	v9 =	vld [tilespmem:s5+$0x40]  }
0x17f: {  	v14 =	vld [tilespmem:s8+$0x50];
	v5 =	vadd.f32 v5, v7;
	v7 =	vadd.f32 v6, v8;
	v6 =	vperm.xlane v6, v0  }
0x180: {  	v8 =	vadd.f32 v12, v15;
	v12 =	vld [tilespmem:s3+$0x50]  }
0x181: {  	v10 =	vadd.f32 v10, v13;
	v13 =	vld [tilespmem:s9+$0x50];
	v6 =	vadd.f32 v7, v6  }
0x182: {  	v4 =	vadd.f32 v8, v4;
	v7 =	vperm.xlane v8, v0;
	v8 =	vld [tilespmem:s15+$0x50]  }
0x183: {  	v5 =	vadd.f32 v10, v5;
	v10 =	vperm.xlane v10, v0;
	v9 =	vadd.f32 v9, v11;
	v11 =	vld [tilespmem:s6+$0x50]  }
0x184: {  	v4 =	vadd.f32 v4, v7;
	v7 =	vld [tilespmem:s5+$0x50]  }
0x185: {  	v15 =	vld [tilespmem:s8+$0x60];
	v5 =	vadd.f32 v5, v10;
	v6 =	vadd.f32 v9, v6;
	v9 =	vperm.xlane v9, v0  }
0x186: {  	v10 =	vadd.f32 v12, v14;
	v12 =	vld [tilespmem:s3+$0x60]  }
0x187: {  	v8 =	vadd.f32 v8, v13;
	v13 =	vld [tilespmem:s9+$0x60];
	v6 =	vadd.f32 v6, v9  }
0x188: {  	v4 =	vadd.f32 v10, v4;
	v9 =	vperm.xlane v10, v0;
	v10 =	vld [tilespmem:s15+$0x60]  }
0x189: {  	v5 =	vadd.f32 v8, v5;
	v8 =	vperm.xlane v8, v0;
	v7 =	vadd.f32 v7, v11;
	v11 =	vld [tilespmem:s6+$0x60]  }
0x18a: {  	v4 =	vadd.f32 v4, v9;
	v9 =	vld [tilespmem:s5+$0x60]  }
0x18b: {  	v14 =	vld [tilespmem:s8+$0x70];
	v5 =	vadd.f32 v5, v8;
	v6 =	vadd.f32 v7, v6;
	v7 =	vperm.xlane v7, v0  }
0x18c: {  	v8 =	vadd.f32 v12, v15;
	v12 =	vld [tilespmem:s3+$0x70]  }
0x18d: {  	v10 =	vadd.f32 v10, v13;
	v13 =	vld [tilespmem:s9+$0x70];
	v6 =	vadd.f32 v6, v7  }
0x18e: {  	v4 =	vadd.f32 v8, v4;
	v7 =	vperm.xlane v8, v0;
	v8 =	vld [tilespmem:s15+$0x70]  }
0x18f: {  	v5 =	vadd.f32 v10, v5;
	v10 =	vperm.xlane v10, v0;
	v9 =	vadd.f32 v9, v11;
	v11 =	vld [tilespmem:s6+$0x70]  }
0x190: {  	v4 =	vadd.f32 v4, v7;
	v7 =	vld [tilespmem:s5+$0x70]  }
0x191: {  	v5 =	vadd.f32 v5, v10;
	v6 =	vadd.f32 v9, v6;
	v9 =	vperm.xlane v9, v0;
	v10 =	vld [tilespmem:s0+$0x60]  }
0x192: {  	v12 =	vadd.f32 v12, v14;
	v14 =	vld [tilespmem:s4+$0x60]  }
0x193: {  	v8 =	vadd.f32 v8, v13;
	v6 =	vadd.f32 v6, v9;
	v9 =	vld [tilespmem:s28+$0x70];
	s28 =	smov.u32 s11  }
0x194: {  	v4 =	vadd.f32 v12, v4;
	v12 =	vperm.xlane v12, v0;
	v13 =	vld [tilespmem:s29+$0x70];
	s29 =	smov.u32 s13  }
0x195: {  	v5 =	vadd.f32 v8, v5;
	v8 =	vperm.xlane v8, v0;
	v7 =	vadd.f32 v7, v11;
	v11 =	vld [tilespmem:s30+$0x70];
	s30 =	smov.u32 s7  }
0x196: {  	v4 =	vadd.f32 v4, v12;
	v12 =	vld [tilespmem:s31+$0x70];
	s31 =	smov.u32 s10  }
0x197: {  	v5 =	vadd.f32 v5, v8;
	v6 =	vadd.f32 v7, v6;
	v7 =	vperm.xlane v7, v0;
	v8 =	vld [tilespmem:s0+$0x70];
	s0 =	smov.u32 s2  }
0x198: {  	[tilespmem:s25+$0xFFFFFFB0] =	vst v4;
	v4 =	vadd.f32 v14, v10;
	v10 =	vld [tilespmem:s4+$0x70];
	s4 =	smov.u32 s1  }
0x199: {  	v14 =	vld [tilespmem:s28+$0x0];
	[tilespmem:s25+$0xFFFFFFE0] =	vst v5;
	v5 =	vadd.f32 v6, v7;
	v6 =	vadd.f32 v13, v9  }
0x19a: {  	v7 =	vld [tilespmem:s29+$0x0];
	v1 =	vadd.f32 v4, v1;
	v4 =	vperm.xlane v4, v0  }
0x19b: {  	v9 =	vld [tilespmem:s30+$0x0];
	[tilespmem:s25+$0x10] =	vst v5;
	v3 =	vadd.f32 v6, v3;
	v5 =	vperm.xlane v6, v0;
	v6 =	vadd.f32 v12, v11  }
0x19c: {  	v11 =	vld [tilespmem:s31+$0x0];
	v1 =	vadd.f32 v1, v4  }
0x19d: {  	v4 =	vld [tilespmem:s0+$0x0];
	v2 =	vadd.f32 v6, v2;
	v6 =	vperm.xlane v6, v0;
	v8 =	vadd.f32 v10, v8  }
0x19e: {  	v3 =	vadd.f32 v3, v5;
	v10 =	vld [tilespmem:s4+$0x0]  }
0x19f: {  	v5 =	vadd.f32 v7, v14;
	v7 =	vld [tilespmem:s28+$0x10];
	v1 =	vadd.f32 v8, v1;
	v8 =	vperm.xlane v8, v0  }
0x1a0: {  	v2 =	vadd.f32 v2, v6;
	v12 =	vld [tilespmem:s29+$0x10];
	[tilespmem:s26+$0xFFFFFFC0] =	vst v3  }
0x1a1: {  	v3 =	vperm.xlane v5, v0;
	v6 =	vadd.f32 v11, v9;
	v9 =	vld [tilespmem:s30+$0x10];
	v1 =	vadd.f32 v1, v8  }
0x1a2: {  	v8 =	vld [tilespmem:s31+$0x10];
	[tilespmem:s26+$0xFFFFFFF0] =	vst v2  }
0x1a3: {  	v2 =	vadd.f32 v3, v5;
	v3 =	vperm.xlane v6, v0;
	v4 =	vadd.f32 v10, v4;
	v5 =	vld [tilespmem:s0+$0x10];
	[tilespmem:s26+$0x20] =	vst v1;
	s26 =	smov.u32 s25  }
0x1a4: {  	v1 =	vld [tilespmem:s4+$0x10]  }
0x1a5: {  	v7 =	vadd.f32 v12, v7;
	v10 =	vld [tilespmem:s28+$0x20];
	v3 =	vadd.f32 v3, v6;
	v6 =	vperm.xlane v4, v0  }
0x1a6: {  	v11 =	vld [tilespmem:s29+$0x20]  }
0x1a7: {  	v12 =	vperm.xlane v7, v0;
	v8 =	vadd.f32 v8, v9;
	v9 =	vld [tilespmem:s30+$0x20];
	v4 =	vadd.f32 v6, v4  }
0x1a8: {  	v2 =	vadd.f32 v7, v2;
	v6 =	vld [tilespmem:s31+$0x20]  }
0x1a9: {  	v3 =	vadd.f32 v8, v3;
	v7 =	vperm.xlane v8, v0;
	v1 =	vadd.f32 v1, v5;
	v5 =	vld [tilespmem:s0+$0x20]  }
0x1aa: {  	v2 =	vadd.f32 v2, v12;
	v8 =	vld [tilespmem:s4+$0x20]  }
0x1ab: {  	v12 =	vld [tilespmem:s28+$0x30];
	v3 =	vadd.f32 v3, v7;
	v4 =	vadd.f32 v1, v4;
	v1 =	vperm.xlane v1, v0  }
0x1ac: {  	v7 =	vadd.f32 v11, v10;
	v10 =	vld [tilespmem:s29+$0x30]  }
0x1ad: {  	v6 =	vadd.f32 v6, v9;
	v9 =	vld [tilespmem:s30+$0x30];
	v4 =	vadd.f32 v4, v1  }
0x1ae: {  	v1 =	vadd.f32 v7, v2;
	v2 =	vperm.xlane v7, v0;
	v7 =	vld [tilespmem:s31+$0x30]  }
0x1af: {  	v3 =	vadd.f32 v6, v3;
	v6 =	vperm.xlane v6, v0;
	v5 =	vadd.f32 v8, v5;
	v13 =	vld [tilespmem:s0+$0x30]  }
0x1b0: {  	v2 =	vadd.f32 v1, v2;
	v14 =	vld [tilespmem:s4+$0x30]  }
0x1b1: {  	v1 =	vld [tilespmem:s28+$0x40];
	v11 =	vadd.f32 v3, v6;
	v6 =	vadd.f32 v5, v4;
	v5 =	vperm.xlane v5, v0  }
.Ltmp0:
0x1b2: {  	v10 =	vadd.f32 v10, v12;
	v4 =	vld [tilespmem:s29+$0x40];
	(pc) =	sbr.rel @p0 .LBB2_3-.Ltmp0, $4  }
0x1b3: {  	v7 =	vadd.f32 v7, v9;
	v3 =	vld [tilespmem:s30+$0x40];
	v8 =	vadd.f32 v6, v5  }
0x1b4: {  	v5 =	vadd.f32 v10, v2;
	v12 =	vperm.xlane v10, v0;
	v6 =	vld [tilespmem:s31+$0x40]  }
0x1b5: {  	v9 =	vadd.f32 v7, v11;
	v11 =	vperm.xlane v7, v0;
	v10 =	vadd.f32 v14, v13;
	v2 =	vld [tilespmem:s0+$0x40]  }
0x1b6: {  	v7 =	vadd.f32 v5, v12;
	v5 =	vld [tilespmem:s4+$0x40]  }
0x1b7: {  	v12 =	vld [tilespmem:s28+$0x50]  }
0x1b8: {  	v13 =	vld [tilespmem:s29+$0x50]  }
0x1b9: {  	v14 =	vld [tilespmem:s30+$0x50]  }
0x1ba: {  	v15 =	vld [tilespmem:s31+$0x50];
	v1 =	vadd.f32 v4, v1  }
0x1bb: {  	v16 =	vld [tilespmem:s0+$0x50];
	v8 =	vadd.f32 v10, v8;
	v10 =	vperm.xlane v10, v0  }
0x1bc: {  	v17 =	vld [tilespmem:s4+$0x50];
	v3 =	vadd.f32 v6, v3;
	v6 =	vadd.f32 v1, v7;
	v1 =	vperm.xlane v1, v0  }
0x1bd: {  	v4 =	vld [tilespmem:s28+$0x60];
	v8 =	vadd.f32 v8, v10;
	v2 =	vadd.f32 v5, v2  }
0x1be: {  	v9 =	vadd.f32 v9, v11;
	v11 =	vld [tilespmem:s29+$0x60];
	v1 =	vadd.f32 v6, v1  }
0x1bf: {  	v7 =	vld [tilespmem:s30+$0x60];
	v10 =	vadd.f32 v13, v12;
	v8 =	vadd.f32 v2, v8;
	v2 =	vperm.xlane v2, v0  }
0x1c0: {  	v5 =	vld [tilespmem:s31+$0x60]  }
0x1c1: {  	v13 =	vld [tilespmem:s28+$0x70];
	v1 =	vadd.f32 v10, v1;
	v2 =	vadd.f32 v8, v2;
	v8 =	vperm.xlane v10, v0  }
0x1c2: {  	v9 =	vadd.f32 v3, v9;
	v3 =	vperm.xlane v3, v0;
	v10 =	vld [tilespmem:s29+$0x70]  }
0x1c3: {  	v6 =	vld [tilespmem:s0+$0x60];
	v4 =	vadd.f32 v11, v4;
	v1 =	vadd.f32 v1, v8  }
0x1c4: {  	v12 =	vld [tilespmem:s4+$0x60];
	v3 =	vadd.f32 v9, v3;
	v9 =	vadd.f32 v15, v14  }
0x1c5: {  	v14 =	vadd.f32 v17, v16;
	v15 =	vld [tilespmem:s30+$0x70];
	v1 =	vadd.f32 v4, v1;
	v4 =	vperm.xlane v4, v0  }
0x1c6: {  	v3 =	vadd.f32 v9, v3;
	v9 =	vperm.xlane v9, v0;
	v5 =	vadd.f32 v5, v7;
	v8 =	vld [tilespmem:s31+$0x70]  }
0x1c7: {  	v1 =	vadd.f32 v1, v4;
	v4 =	vadd.f32 v10, v13  }
0x1c8: {  	v3 =	vadd.f32 v3, v9;
	v2 =	vadd.f32 v14, v2  }
0x1c9: {  	v9 =	vperm.xlane v14, v0;
	v1 =	vadd.f32 v4, v1;
	v4 =	vperm.xlane v4, v0  }
0x1ca: {  	v14 =	vperm.xlane v5, v0;
	v3 =	vadd.f32 v5, v3;
	v5 =	vadd.f32 v12, v6  }
0x1cb: {  	v6 =	vadd.f32 v8, v15;
	v8 =	vadd.f32 v1, v4;
	v1 =	vld [tilespmem:$0x1FF70];
	_ =	sdelay $0x1  }
0x1cc: {  	v11 =	vld [tilespmem:s4+$0x70]  }
0x1cd: {  	v7 =	vld [tilespmem:s0+$0x70]  }
0x1ce: {  	v2 =	vadd.f32 v2, v9  }
0x1cf: {  	v32 =	vcombine.low v1, v1;
	v1 =	vld [tilespmem:$0x1FF80]  }
0x1d0: {  	v2 =	vadd.f32 v5, v2;
	v5 =	vperm.xlane v5, v0  }
0x1d1: {  	v3 =	vadd.f32 v3, v14  }
0x1d2: {  	v7 =	vadd.f32 v11, v7;
	v2 =	vadd.f32 v2, v5  }
0x1d3: {  	v3 =	vadd.f32 v6, v3;
	v5 =	vperm.xlane v6, v0  }
0x1d4: {  	v6 =	vperm.xlane v7, v0;
	v38 =	vcombine.low v1, v1;
	v1 =	vadd.f32 v7, v2;
	_ =	sdelay $0x1  }
0x1d5: {  	v6 =	vadd.f32 v1, v6;
	v1 =	vld [tilespmem:$0x1FFD0];
	_ =	sdelay $0x4  }
0x1d6: {  	v54 =	vcombine.low v1, v1;
	v1 =	vld [tilespmem:$0x1FFE0];
	_ =	sdelay $0x4  }
0x1d7: {  	v21 =	vcombine.low v1, v1;
	v1 =	vld [tilespmem:$0x1FE70];
	_ =	sdelay $0x4  }
0x1d8: {  	v18 =	vcombine.low v1, v1;
	v1 =	vld [tilespmem:$0x1FE80];
	_ =	sdelay $0x4  }
0x1d9: {  	v58 =	vcombine.low v1, v1;
	v1 =	vld [tilespmem:$0x1FE90];
	_ =	sdelay $0x4  }
0x1da: {  	v50 =	vcombine.low v1, v1;
	v1 =	vld [tilespmem:$0x1FEA0];
	_ =	sdelay $0x4  }
0x1db: {  	v41 =	vcombine.low v1, v1;
	v1 =	vld [tilespmem:$0x1FEB0];
	_ =	sdelay $0x4  }
0x1dc: {  	v60 =	vcombine.low v1, v1;
	v1 =	vld [tilespmem:$0x1FEC0];
	_ =	sdelay $0x4  }
0x1dd: {  	v19 =	vcombine.low v1, v1;
	v1 =	vld [tilespmem:$0x1FED0];
	_ =	sdelay $0x4  }
0x1de: {  	v35 =	vcombine.low v1, v1;
	v1 =	vld [tilespmem:$0x1FEE0];
	_ =	sdelay $0x4  }
0x1df: {  	v23 =	vcombine.low v1, v1;
	v1 =	vld [tilespmem:$0x1FEF0]  }
0x1e0: {  	v2 =	vld [tilespmem:$0x1FF90];
	_ =	sdelay $0x3  }
0x1e1: {  	v43 =	vcombine.low v1, v1;
	v1 =	vld [tilespmem:$0x1FF00]  }
0x1e2: {  	v44 =	vcombine.low v2, v2;
	v2 =	vld [tilespmem:$0x1FFA0]  }
0x1e3: {  	v45 =	vadd.s32 $0x20, v30;
	v49 =	vadd.s32 $0x21, v30;
	v48 =	vadd.s32 $0x22, v30  }
0x1e4: {  	v53 =	vadd.s32 $0x23, v30;
	v52 =	vadd.s32 $0x24, v30;
	v61 =	vadd.s32 $0x25, v30  }
0x1e5: {  	v34 =	vor.u32 $0x1, v30;
	v39 =	vor.u32 $0x2, v30;
	v40 =	vor.u32 $0x4, v30;
	s30 =	simm.s32 $0x0  }
0x1e6: {  	v15 =	vadd.f32 v3, v5;
	v3 =	vmov s30;
	v33 =	vcombine.low v1, v1;
	v1 =	vld [tilespmem:$0x1FF10]  }
0x1e7: {  	v22 =	vor.u32 $0x7, v30;
	v3 =	vmul.u32 $0x30, v3;
	v20 =	vcombine.low v2, v2;
	v2 =	vld [tilespmem:$0x1FFB0]  }
0x1e8: {  	v57 =	vor.u32 $0x5, v30;
	v59 =	vor.u32 $0x6, v30;
	v24 =	vadd.s32 $0x10, v30;
	[tilespmem:$0x1FE20] =	vst v22  }
0x1e9: {  	v36 =	vadd.s32 $0x14, v30;
	[tilespmem:$0x1FE30] =	vst v24;
	v10 =	vbroadcast v3, $0x0;
	v3 =	vadd.s32 $0x12, v30  }
0x1ea: {  	v31 =	vadd.s32 $0x16, v30;
	v9 =	vadd.s32 $0x27, v30;
	v4 =	vadd.s32 $0x26, v30;
	[tilespmem:$0x1FE50] =	vst v3  }
0x1eb: {  	v12 =	vadd.s32 v52, v10;
	v11 =	vadd.s32 v48, v10;
	[tilespmem:$0x1FDE0] =	vst v20;
	v28 =	vcombine.low v1, v1;
	v1 =	vld [tilespmem:$0x1FF30]  }
0x1ec: {  	v13 =	vadd.s32 v49, v10;
	v7 =	vadd.s32 v45, v10;
	[tilespmem:$0x1FDF0] =	vst v21;
	v46 =	vcombine.low v2, v2;
	v2 =	vld [tilespmem:$0x1FFC0]  }
0x1ed: {  	v14 =	vadd.s32 v61, v10;
	v12 =	vand.u32 $0xFFFFFF80, v12;
	v7 =	vand.u32 $0xFFFFFF80, v7;
	[tilespmem:$0x1FE00] =	vst v18  }
0x1ee: {  	v11 =	vand.u32 $0xFFFFFF80, v11;
	v13 =	vand.u32 $0xFFFFFF80, v13;
	v7 =	vor.u32 v32, v7;
	[tilespmem:$0x1FE10] =	vst v19  }
0x1ef: {  	v14 =	vand.u32 $0xFFFFFF80, v14;
	v16 =	vor.u32 v46, v12;
	v12 =	vadd.s32 v4, v10;
	[tilespmem:$0x1FE40] =	vst v23  }
0x1f0: {  	v11 =	vor.u32 v44, v11;
	v12 =	vand.u32 $0xFFFFFF80, v12;
	v5 =	vcombine.low v1, v1;
	v1 =	vld [tilespmem:$0x1FF50];
	[tilespmem:s26+$0xFFFFFFC0] =	vst v8  }
0x1f1: {  	v47 =	vcombine.low v2, v2;
	v8 =	vor.u32 v54, v12;
	v12 =	vadd.s32 v53, v10;
	[tilespmem:s26+$0xFFFFFFF0] =	vst v15  }
0x1f2: {  	v2 =	vadd.s32 $0x15, v30;
	v15 =	vor.u32 v38, v13;
	[tilespmem:s26+$0x20] =	vst v6;
	v12 =	vand.u32 $0xFFFFFF80, v12  }
0x1f3: {  	v13 =	vor.u32 v47, v14;
	v6 =	vadd.s32 v9, v10;
	v37 =	vld.idx.msk [tilespmem:v7+s12+$0x0], $0xffff;
	v12 =	vor.u32 v20, v12  }
0x1f4: {  	v14 =	vadd.s32 v40, v10;
	v6 =	vand.u32 $0xFFFFFF80, v6;
	v7 =	vadd.s32 v30, v10;
	v51 =	vld.idx.msk [tilespmem:v16+s12+$0x0], $0xffff  }
0x1f5: {  	v16 =	vadd.s32 v39, v10;
	v55 =	vld.idx.msk [tilespmem:v11+s12+$0x0], $0xffff;
	v6 =	vor.u32 v21, v6;
	v7 =	vand.u32 $0xFFFFFF80, v7  }
0x1f6: {  	v11 =	vand.u32 $0xFFFFFF80, v16;
	v7 =	vor.u32 v18, v7;
	v56 =	vld.idx.msk [tilespmem:v8+s12+$0x0], $0xffff;
	v8 =	vadd.s32 v59, v10  }
0x1f7: {  	v18 =	vadd.s32 v34, v10;
	v16 =	vor.u32 v50, v11;
	v11 =	vand.u32 $0xFFFFFF80, v8  }
0x1f8: {  	v8 =	vand.u32 $0xFFFFFF80, v18;
	v18 =	vadd.s32 v57, v10;
	v11 =	vor.u32 v35, v11;
	v12 =	vld.idx.msk [tilespmem:v12+s12+$0x0], $0xffff  }
0x1f9: {  	v14 =	vand.u32 $0xFFFFFF80, v14;
	v8 =	vor.u32 v58, v8;
	v18 =	vand.u32 $0xFFFFFF80, v18  }
0x1fa: {  	v21 =	vadd.s32 v22, v10;
	v17 =	vcombine.low v1, v1;
	v22 =	vld.idx.msk [tilespmem:v6+s12+$0x0], $0xffff;
	v6 =	vor.u32 v19, v18  }
0x1fb: {  	v1 =	vadd.s32 $0x11, v30;
	v13 =	vld.idx.msk [tilespmem:v13+s12+$0x0], $0xffff;
	v18 =	vand.u32 $0xFFFFFF80, v21;
	v21 =	vadd.s32 v24, v10  }
0x1fc: {  	v24 =	vadd.s32 v3, v10;
	v18 =	vor.u32 v23, v18;
	v23 =	vld.idx.msk [tilespmem:v7+s12+$0x0], $0xffff;
	v7 =	vadd.s32 v36, v10  }
0x1fd: {  	v7 =	vand.u32 $0xFFFFFF80, v7;
	[tilespmem:$0x1FDD0] =	vst v12;
	v12 =	vand.u32 $0xFFFFFF80, v24;
	v24 =	vadd.s32 v31, v10;
	v26 =	vld.idx.msk [tilespmem:v11+s12+$0x0], $0xffff  }
0x1fe: {  	v27 =	vor.u32 v5, v7;
	v11 =	vadd.s32 v1, v10;
	v7 =	vand.u32 $0xFFFFFF80, v24;
	v24 =	vld.idx.msk [tilespmem:v8+s12+$0x0], $0xffff  }
0x1ff: {  	[tilespmem:$0x1FD60] =	vst v17;
	v8 =	vand.u32 $0xFFFFFF80, v11;
	v29 =	vor.u32 v17, v7;
	v17 =	vld.idx.msk [tilespmem:v6+s12+$0x0], $0xffff;
	v6 =	vadd.s32 v2, v10  }
0x200: {  	v14 =	vor.u32 v60, v14;
	[tilespmem:$0x1FDC0] =	vst v13;
	v13 =	vor.u32 v33, v8;
	v8 =	vand.u32 $0xFFFFFF80, v6;
	v6 =	vld [tilespmem:$0x1FF40]  }
0x201: {  	v63 =	vor.u32 $0x3, v30  }
0x202: {  	v20 =	vadd.s32 v63, v10  }
0x203: {  	v20 =	vand.u32 $0xFFFFFF80, v20  }
0x204: {  	[tilespmem:$0x1FD70] =	vst v33;
	v20 =	vor.u32 v41, v20;
	v62 =	vld.idx.msk [tilespmem:v15+s12+$0x0], $0xffff;
	v33 =	vadd.s32 $0x13, v30  }
0x205: {  	[tilespmem:$0x1FD40] =	vst v1;
	v19 =	vld.idx.msk [tilespmem:v14+s12+$0x0], $0xffff;
	v21 =	vand.u32 $0xFFFFFF80, v21;
	v7 =	vadd.s32 v33, v10;
	v1 =	vcombine.low v6, v6  }
0x206: {  	v21 =	vor.u32 v43, v21;
	v11 =	vand.u32 $0xFFFFFF80, v7;
	v7 =	vld [tilespmem:$0x1FF20]  }
0x207: {  	[tilespmem:$0x1FD50] =	vst v28;
	v28 =	vor.u32 v28, v12;
	v12 =	vor.u32 v1, v8;
	v8 =	vld [tilespmem:$0x1FF60]  }
0x208: {  	v25 =	vld.idx.msk [tilespmem:v16+s12+$0x0], $0xffff  }
0x209: {  	v20 =	vld.idx.msk [tilespmem:v20+s12+$0x0], $0xffff  }
0x20a: {  	v18 =	vld.idx.msk [tilespmem:v18+s12+$0x0], $0xffff  }
0x20b: {  	[tilespmem:$0x1FD80] =	vst v2;
	v3 =	vadd.s32 $0x17, v30;
	v21 =	vld.idx.msk [tilespmem:v21+s12+$0x0], $0xffff;
	v2 =	vcombine.low v7, v7  }
0x20c: {  	v10 =	vadd.s32 v3, v10;
	v27 =	vld.idx.msk [tilespmem:v27+s12+$0x0], $0xffff;
	[tilespmem:$0x1FD90] =	vst v1;
	v1 =	vcombine.low v8, v8  }
0x20d: {  	v10 =	vand.u32 $0xFFFFFF80, v10;
	v28 =	vld.idx.msk [tilespmem:v28+s12+$0x0], $0xffff;
	v11 =	vor.u32 v2, v11  }
0x20e: {  	v29 =	vld.idx.msk [tilespmem:v29+s12+$0x0], $0xffff;
	v10 =	vor.u32 v1, v10  }
0x20f: {  	v42 =	vmov v1;
	v1 =	vld [tilespmem:$0x1FDC0]  }
0x210: {  	v13 =	vld.idx.msk [tilespmem:v13+s12+$0x0], $0xffff  }
0x211: {  	v12 =	vld.idx.msk [tilespmem:v12+s12+$0x0], $0xffff  }
0x212: {  	v11 =	vld.idx.msk [tilespmem:v11+s12+$0x0], $0xffff  }
0x213: {  	v16 =	vadd.f32 v51, v37;
	v15 =	vadd.f32 v56, v55;
	v10 =	vld.idx.msk [tilespmem:v10+s12+$0x0], $0xffff  }
0x214: {  	v19 =	vadd.f32 v19, v23;
	v14 =	vadd.f32 v1, v62;
	v1 =	vld [tilespmem:$0x1FDD0]  }
0x215: {  	v23 =	vadd.f32 v26, v25;
	v17 =	vadd.f32 v17, v24  }
0x216: {  	v18 =	vadd.f32 v18, v20;
	v20 =	vadd.f32 v27, v21  }
0x217: {  	v21 =	vadd.f32 v29, v28;
	v12 =	vadd.f32 v12, v13  }
0x218: {  	v13 =	vadd.f32 v18, v17;
	v10 =	vadd.f32 v10, v11  }
0x219: {  	v17 =	vadd.f32 v21, v20;
	v22 =	vadd.f32 v22, v1  }
0x21a: {  	v11 =	vadd.f32 v23, v19;
	v10 =	vadd.f32 v10, v12  }
0x21b: {  	v12 =	vadd.f32 v15, v16;
	v14 =	vadd.f32 v22, v14  }
0x21c: {  	v11 =	vadd.f32 v13, v11;
	v10 =	vadd.f32 v10, v17;
	_ =	sdelay $0x1  }
0x21d: {  	v12 =	vadd.f32 v14, v12;
	v10 =	vadd.f32 v10, v11;
	_ =	sdelay $0x1  }
0x21e: {  	v10 =	vadd.f32 v12, v10  }
0x21f: {  	s31 =	simm.s32 $0x10  }
0x220: {  	v11 =	vmov s31;
	v10 =	vand.u32 $0x7FFFFFFF, v10  }
0x221: {  	v11 =	vmul.u32 $0x30, v11;
	v10 =	vmul.f32 $1.000000000e+03, v10;
	_ =	sdelay $0x1  }
0x222: {  	v12 =	vtrunc.f32 v10;
	v10 =	vbroadcast v11, $0x0;
	_ =	sdelay $0x1  }
0x223: {  	v11 =	vcvt.f32.s32 v12;
	v12 =	vadd.s32 v45, v10  }
0x224: {  	v14 =	vadd.s32 v52, v10;
	v15 =	vadd.s32 v48, v10;
	v12 =	vand.u32 $0xFFFFFF80, v12  }
0x225: {  	v16 =	vadd.s32 v4, v10;
	v17 =	vadd.s32 v49, v10;
	v12 =	vor.u32 v32, v12  }
0x226: {  	v1 =	vld [tilespmem:$0x1FDE0];
	v13 =	vand.u32 $0x3F, v11;
	v11 =	vadd.s32 $0x1, v11;
	v14 =	vand.u32 $0xFFFFFF80, v14  }
0x227: {  	v15 =	vand.u32 $0xFFFFFF80, v15;
	v16 =	vand.u32 $0xFFFFFF80, v16;
	v11 =	vand.u32 $0x3F, v11  }
0x228: {  	v14 =	vor.u32 v46, v14;
	v15 =	vor.u32 v44, v15;
	[tilespmem:s21+$0x0] =	vst v13;
	v13 =	vand.u32 $0xFFFFFF80, v17  }
0x229: {  	v17 =	vadd.s32 v61, v10;
	[tilespmem:s20+$0x0] =	vst v11;
	v18 =	vor.u32 v38, v13;
	v13 =	vadd.s32 v53, v10  }
0x22a: {  	v62 =	vmovc v52;
	v52 =	vmovc v49;
	v16 =	vor.u32 v54, v16;
	v17 =	vand.u32 $0xFFFFFF80, v17;
	v11 =	vld.idx.msk [tilespmem:v12+s12+$0x0], $0xffff;
	v12 =	vand.u32 $0xFFFFFF80, v13  }
0x22b: {  	v49 =	vmovc v54;
	v54 =	vmovc v47;
	v17 =	vor.u32 v47, v17;
	v47 =	vmov v1;
	v20 =	vor.u32 v1, v12;
	v1 =	vld [tilespmem:$0x1FDF0];
	_ =	sdelay $0x1  }
0x22c: {  	v37 =	vmov v4;
	v4 =	vld [tilespmem:$0x1FE10]  }
0x22d: {  	v13 =	vadd.s32 v9, v10;
	v12 =	vld.idx.msk [tilespmem:v14+s12+$0x0], $0xffff  }
0x22e: {  	[tilespmem:$0x1FDB0] =	vst v2;
	v21 =	vadd.s32 v30, v10;
	v14 =	vand.u32 $0xFFFFFF80, v13;
	v13 =	vld.idx.msk [tilespmem:v15+s12+$0x0], $0xffff  }
0x22f: {  	v2 =	vmovc v61;
	v15 =	vand.u32 $0xFFFFFF80, v21;
	v21 =	vadd.s32 v39, v10;
	v61 =	vmovc v1;
	v22 =	vor.u32 v1, v14;
	v1 =	vld [tilespmem:$0x1FE00]  }
0x230: {  	v14 =	vld.idx.msk [tilespmem:v16+s12+$0x0], $0xffff;
	v16 =	vand.u32 $0xFFFFFF80, v21;
	v21 =	vadd.s32 v59, v10  }
0x231: {  	v25 =	vadd.s32 v57, v10;
	v21 =	vand.u32 $0xFFFFFF80, v21  }
0x232: {  	v26 =	vor.u32 v50, v16;
	v16 =	vld.idx.msk [tilespmem:v17+s12+$0x0], $0xffff;
	v28 =	vor.u32 v35, v21;
	v21 =	vand.u32 $0xFFFFFF80, v25  }
0x233: {  	v7 =	vmov v53;
	v17 =	vld.idx.msk [tilespmem:v20+s12+$0x0], $0xffff;
	v20 =	vadd.s32 v63, v10;
	v27 =	vor.u32 v4, v21  }
0x234: {  	v53 =	vmovc v1;
	v24 =	vor.u32 v1, v15;
	v1 =	vmovc v35;
	v35 =	vmov v63;
	v63 =	vmov v4;
	v4 =	vld [tilespmem:$0x1FE20];
	_ =	sdelay $0x1  }
0x235: {  	v19 =	vadd.s32 v40, v10  }
0x236: {  	v19 =	vand.u32 $0xFFFFFF80, v19;
	v15 =	vld.idx.msk [tilespmem:v18+s12+$0x0], $0xffff;
	v18 =	vadd.s32 v34, v10  }
0x237: {  	[tilespmem:$0x1FDA0] =	vst v3;
	v3 =	vmovc v60;
	v8 =	vld [tilespmem:$0x1FE40];
	v19 =	vor.u32 v60, v19;
	v60 =	vmovc v59;
	v59 =	vmov v50;
	v18 =	vand.u32 $0xFFFFFF80, v18  }
0x238: {  	v50 =	vmovc v57;
	v57 =	vmovc v58;
	v23 =	vor.u32 v58, v18;
	v58 =	vmov v4;
	v21 =	vadd.s32 v4, v10;
	v4 =	vld [tilespmem:$0x1FE30];
	_ =	sdelay $0x2  }
0x239: {  	v18 =	vld.idx.msk [tilespmem:v22+s12+$0x0], $0xffff;
	v22 =	vand.u32 $0xFFFFFF80, v20  }
0x23a: {  	v25 =	vor.u32 v41, v22;
	v20 =	vld.idx.msk [tilespmem:v24+s12+$0x0], $0xffff;
	v22 =	vand.u32 $0xFFFFFF80, v21  }
0x23b: {  	v24 =	vor.u32 v8, v22;
	v6 =	vmovc v4;
	v29 =	vadd.s32 v4, v10;
	v4 =	vmov v8;
	v8 =	vld [tilespmem:$0x1FE50]  }
0x23c: {  	v51 =	vmov v45  }
0x23d: {  	[tilespmem:$0x1FD30] =	vst v5;
	v55 =	vmovc v48;
	v56 =	vmovc v40;
	v5 =	vmov v41;
	v45 =	vmov v32;
	v48 =	vmov v46  }
0x23e: {  	[tilespmem:$0x1FE60] =	vst v31;
	v40 =	vmovc v39;
	v46 =	vmovc v44;
	v44 =	vmov v38;
	v38 =	vmov v9;
	v19 =	vld.idx.msk [tilespmem:v19+s12+$0x0], $0xffff;
	v9 =	vmov v43  }
0x23f: {  	v39 =	vmovc v34;
	v34 =	vmovc v30;
	v41 =	vmov v36;
	v21 =	vld.idx.msk [tilespmem:v26+s12+$0x0], $0xffff;
	v26 =	vand.u32 $0xFFFFFF80, v29;
	v29 =	vadd.s32 v36, v10  }
0x240: {  	s2 =	simm.s32 $0x20;
	s1 =	smov.u32 s21;
	s0 =	smov.u32 s20;
	v22 =	vld.idx.msk [tilespmem:v28+s12+$0x0], $0xffff;
	v26 =	vor.u32 v43, v26;
	v28 =	vand.u32 $0xFFFFFF80, v29;
	v36 =	vmovc v8;
	v29 =	vadd.s32 v8, v10  }
.LBB2_5:
0x241: {  	v8 =	vld [tilespmem:$0x1FD30];
	_ =	sdelay $0x4  }
0x242: {  	v28 =	vor.u32 v8, v28;
	v8 =	vld [tilespmem:$0x1FD40];
	_ =	sdelay $0x4  }
0x243: {  	v30 =	vadd.s32 v31, v10;
	v31 =	vadd.s32 v8, v10;
	v8 =	vld [tilespmem:$0x1FD50];
	_ =	sdelay $0x3  }
0x244: {  	v29 =	vand.u32 $0xFFFFFF80, v29  }
0x245: {  	v29 =	vor.u32 v8, v29;
	v8 =	vld [tilespmem:$0x1FD80];
	_ =	sdelay $0x4  }
0x246: {  	v32 =	vadd.s32 v8, v10;
	v8 =	vld [tilespmem:$0x1FD60];
	_ =	sdelay $0x3  }
0x247: {  	v30 =	vand.u32 $0xFFFFFF80, v30  }
0x248: {  	v30 =	vor.u32 v8, v30;
	v8 =	vld [tilespmem:$0x1FD70];
	_ =	sdelay $0x3  }
0x249: {  	v43 =	vadd.s32 v33, v10;
	v31 =	vand.u32 $0xFFFFFF80, v31  }
0x24a: {  	v31 =	vor.u32 v8, v31;
	v8 =	vmov v33;
	v33 =	vand.u32 $0xFFFFFF80, v43;
	v43 =	vld [tilespmem:$0x1FD90];
	_ =	sdelay $0x3  }
0x24b: {  	v32 =	vand.u32 $0xFFFFFF80, v32  }
0x24c: {  	v32 =	vor.u32 v43, v32;
	v43 =	vld [tilespmem:$0x1FDA0];
	_ =	sdelay $0x2  }
0x24d: {  	v23 =	vld.idx.msk [tilespmem:v23+s12+$0x0], $0xffff  }
0x24e: {  	v27 =	vld.idx.msk [tilespmem:v27+s12+$0x0], $0xffff  }
0x24f: {  	v10 =	vadd.s32 v43, v10;
	v43 =	vld [tilespmem:$0x1FDB0]  }
0x250: {  	v25 =	vld.idx.msk [tilespmem:v25+s12+$0x0], $0xffff  }
0x251: {  	v24 =	vld.idx.msk [tilespmem:v24+s12+$0x0], $0xffff  }
0x252: {  	v26 =	vld.idx.msk [tilespmem:v26+s12+$0x0], $0xffff;
	v10 =	vand.u32 $0xFFFFFF80, v10  }
0x253: {  	v28 =	vld.idx.msk [tilespmem:v28+s12+$0x0], $0xffff;
	v10 =	vor.u32 v42, v10  }
0x254: {  	v29 =	vld.idx.msk [tilespmem:v29+s12+$0x0], $0xffff;
	v33 =	vor.u32 v43, v33  }
0x255: {  	v30 =	vld.idx.msk [tilespmem:v30+s12+$0x0], $0xffff  }
0x256: {  	v31 =	vld.idx.msk [tilespmem:v31+s12+$0x0], $0xffff  }
0x257: {  	v32 =	vld.idx.msk [tilespmem:v32+s12+$0x0], $0xffff  }
0x258: {  	v10 =	vld.idx.msk [tilespmem:v10+s12+$0x0], $0xffff  }
0x259: {  	v11 =	vadd.f32 v12, v11;
	v12 =	vadd.f32 v14, v13;
	v33 =	vld.idx.msk [tilespmem:v33+s12+$0x0], $0xffff  }
0x25a: {  	v13 =	vadd.f32 v16, v15;
	v14 =	vadd.f32 v18, v17  }
0x25b: {  	v15 =	vadd.f32 v19, v20;
	v16 =	vadd.f32 v22, v21  }
0x25c: {  	v17 =	vadd.f32 v27, v23;
	v18 =	vadd.f32 v24, v25  }
0x25d: {  	v19 =	vadd.f32 v28, v26;
	v20 =	vadd.f32 v30, v29  }
0x25e: {  	v21 =	vadd.f32 v32, v31;
	v10 =	vadd.f32 v10, v33  }
0x25f: {  	v15 =	vadd.f32 v16, v15;
	v16 =	vadd.f32 v18, v17  }
0x260: {  	v17 =	vadd.f32 v20, v19;
	v10 =	vadd.f32 v10, v21  }
0x261: {  	v11 =	vadd.f32 v12, v11;
	v12 =	vadd.f32 v14, v13  }
0x262: {  	v13 =	vadd.f32 v16, v15;
	v10 =	vadd.f32 v10, v17;
	_ =	sdelay $0x1  }
0x263: {  	v11 =	vadd.f32 v12, v11;
	v10 =	vadd.f32 v10, v13;
	_ =	sdelay $0x1  }
0x264: {  	v10 =	vadd.f32 v11, v10;
	_ =	sdelay $0x1  }
0x265: {  	v10 =	vand.u32 $0x7FFFFFFF, v10  }
0x266: {  	v11 =	vmov s2;
	v10 =	vmul.f32 $1.000000000e+03, v10  }
0x267: {  	v11 =	vmul.u32 $0x30, v11  }
0x268: {  	v12 =	vtrunc.f32 v10  }
0x269: {  	v10 =	vbroadcast v11, $0x0;
	v11 =	vcvt.f32.s32 v12;
	_ =	sdelay $0x1  }
0x26a: {  	v12 =	vadd.s32 v51, v10;
	v14 =	vadd.s32 v62, v10;
	v13 =	vand.u32 $0x3F, v11  }
0x26b: {  	s1 =	sadd.s32 $0x10, s1;
	v11 =	vadd.s32 $0x1, v11;
	v12 =	vand.u32 $0xFFFFFF80, v12;
	v14 =	vand.u32 $0xFFFFFF80, v14  }
0x26c: {  	s0 =	sadd.s32 $0x10, s0;
	v11 =	vand.u32 $0x3F, v11;
	[tilespmem:s1+$0x0] =	vst v13;
	v12 =	vor.u32 v45, v12;
	v13 =	vadd.s32 v55, v10  }
0x26d: {  	[tilespmem:s0+$0x0] =	vst v11;
	v11 =	vand.u32 $0xFFFFFF80, v13;
	v13 =	vor.u32 v48, v14;
	v14 =	vadd.s32 v37, v10  }
0x26e: {  	v15 =	vadd.s32 v52, v10;
	v16 =	vor.u32 v46, v11;
	v11 =	vand.u32 $0xFFFFFF80, v14  }
0x26f: {  	v14 =	vand.u32 $0xFFFFFF80, v15;
	v15 =	vadd.s32 v2, v10;
	v17 =	vor.u32 v49, v11  }
0x270: {  	v31 =	vld [tilespmem:$0x1FE60];
	v18 =	vor.u32 v44, v14;
	v14 =	vadd.s32 v7, v10;
	v15 =	vand.u32 $0xFFFFFF80, v15  }
0x271: {  	v19 =	vor.u32 v54, v15;
	v15 =	vadd.s32 v56, v10;
	v11 =	vld.idx.msk [tilespmem:v12+s12+$0x0], $0xffff;
	v12 =	vand.u32 $0xFFFFFF80, v14  }
0x272: {  	v14 =	vadd.s32 v38, v10;
	v15 =	vand.u32 $0xFFFFFF80, v15;
	v20 =	vor.u32 v47, v12;
	v12 =	vld.idx.msk [tilespmem:v13+s12+$0x0], $0xffff  }
0x273: {  	v21 =	vadd.s32 v34, v10;
	v14 =	vand.u32 $0xFFFFFF80, v14;
	v24 =	vor.u32 v3, v15;
	v13 =	vld.idx.msk [tilespmem:v16+s12+$0x0], $0xffff  }
0x274: {  	v22 =	vor.u32 v61, v14;
	v16 =	vand.u32 $0xFFFFFF80, v21;
	v21 =	vadd.s32 v40, v10;
	v14 =	vld.idx.msk [tilespmem:v17+s12+$0x0], $0xffff  }
0x275: {  	v25 =	vor.u32 v53, v16;
	v16 =	vand.u32 $0xFFFFFF80, v21;
	v17 =	vadd.s32 v60, v10;
	v15 =	vld.idx.msk [tilespmem:v18+s12+$0x0], $0xffff  }
0x276: {  	v28 =	vadd.s32 v6, v10;
	v21 =	vor.u32 v59, v16;
	v17 =	vand.u32 $0xFFFFFF80, v17;
	v16 =	vld.idx.msk [tilespmem:v19+s12+$0x0], $0xffff  }
0x277: {  	p0 =	sne.s32 s2, $0x30;
	v18 =	vadd.s32 v39, v10;
	v19 =	vadd.s32 v50, v10;
	v26 =	vor.u32 v1, v17;
	v17 =	vld.idx.msk [tilespmem:v20+s12+$0x0], $0xffff  }
.Ltmp1:
0x278: {  	v30 =	vadd.s32 v41, v10;
	v18 =	vand.u32 $0xFFFFFF80, v18;
	v27 =	vand.u32 $0xFFFFFF80, v19;
	v19 =	vld.idx.msk [tilespmem:v24+s12+$0x0], $0xffff;
	(pc) =	sbr.rel @p0 .LBB2_5-.Ltmp1, $4  }
0x279: {  	v29 =	vadd.s32 v36, v10;
	v23 =	vor.u32 v57, v18;
	v20 =	vadd.s32 v35, v10;
	v18 =	vld.idx.msk [tilespmem:v22+s12+$0x0], $0xffff  }
0x27a: {  	v28 =	vand.u32 $0xFFFFFF80, v28;
	v24 =	vadd.s32 v58, v10;
	v22 =	vand.u32 $0xFFFFFF80, v20;
	v20 =	vld.idx.msk [tilespmem:v25+s12+$0x0], $0xffff  }
0x27b: {  	v27 =	vor.u32 v63, v27;
	v25 =	vor.u32 v5, v22;
	v22 =	vand.u32 $0xFFFFFF80, v24;
	v21 =	vld.idx.msk [tilespmem:v21+s12+$0x0], $0xffff  }
0x27c: {  	v33 =	vmovc v8;
	s2 =	sadd.s32 $0x10, s2;
	v24 =	vor.u32 v4, v22;
	v22 =	vld.idx.msk [tilespmem:v26+s12+$0x0], $0xffff;
	v26 =	vor.u32 v9, v28;
	v28 =	vand.u32 $0xFFFFFF80, v30  }
0x27d: {  	v36 =	vld [tilespmem:$0x1FD80];
	_ =	sdelay $0x1  }
0x27e: {  	[tilespmem:$0x1FC20] =	vst v1;
	v1 =	vld [tilespmem:$0x1FD90];
	_ =	sdelay $0x1  }
0x27f: {  	[tilespmem:$0x1FC70] =	vst v59;
	v59 =	vld [tilespmem:$0x1FD30]  }
0x280: {  	[tilespmem:$0x1FB80] =	vst v60;
	v60 =	vld [tilespmem:$0x1FD40];
	v32 =	vadd.s32 v36, v10  }
0x281: {  	v58 =	vld [tilespmem:$0x1FD50];
	v32 =	vand.u32 $0xFFFFFF80, v32  }
0x282: {  	v32 =	vor.u32 v1, v32;
	v1 =	vld [tilespmem:$0x1FDA0]  }
0x283: {  	[tilespmem:$0x1FC30] =	vst v62;
	v62 =	vld [tilespmem:$0x1FD60]  }
0x284: {  	v63 =	vld [tilespmem:$0x1FD70]  }
0x285: {  	v23 =	vld.idx.msk [tilespmem:v23+s12+$0x0], $0xffff;
	v29 =	vand.u32 $0xFFFFFF80, v29;
	v30 =	vadd.s32 v31, v10  }
0x286: {  	v27 =	vld.idx.msk [tilespmem:v27+s12+$0x0], $0xffff;
	v33 =	vadd.s32 v33, v10;
	v30 =	vand.u32 $0xFFFFFF80, v30;
	v28 =	vor.u32 v59, v28  }
0x287: {  	v61 =	vadd.s32 v60, v10;
	v29 =	vor.u32 v58, v29;
	v10 =	vadd.s32 v1, v10;
	v1 =	vld [tilespmem:$0x1FDB0]  }
0x288: {  	v25 =	vld.idx.msk [tilespmem:v25+s12+$0x0], $0xffff;
	v30 =	vor.u32 v62, v30;
	v31 =	vand.u32 $0xFFFFFF80, v61  }
0x289: {  	v24 =	vld.idx.msk [tilespmem:v24+s12+$0x0], $0xffff;
	v31 =	vor.u32 v63, v31  }
0x28a: {  	v26 =	vld.idx.msk [tilespmem:v26+s12+$0x0], $0xffff;
	v10 =	vand.u32 $0xFFFFFF80, v10  }
0x28b: {  	v33 =	vand.u32 $0xFFFFFF80, v33;
	v28 =	vld.idx.msk [tilespmem:v28+s12+$0x0], $0xffff;
	v10 =	vor.u32 v42, v10  }
0x28c: {  	v29 =	vld.idx.msk [tilespmem:v29+s12+$0x0], $0xffff;
	v33 =	vor.u32 v1, v33  }
0x28d: {  	v30 =	vld.idx.msk [tilespmem:v30+s12+$0x0], $0xffff  }
0x28e: {  	v31 =	vld.idx.msk [tilespmem:v31+s12+$0x0], $0xffff  }
0x28f: {  	v32 =	vld.idx.msk [tilespmem:v32+s12+$0x0], $0xffff  }
0x290: {  	[tilespmem:$0x1FB70] =	vst v41;
	v10 =	vld.idx.msk [tilespmem:v10+s12+$0x0], $0xffff  }
0x291: {  	[tilespmem:$0x1FB90] =	vst v50;
	v11 =	vadd.f32 v12, v11;
	v12 =	vadd.f32 v14, v13;
	v33 =	vld.idx.msk [tilespmem:v33+s12+$0x0], $0xffff  }
0x292: {  	[tilespmem:$0x1FBA0] =	vst v56;
	v13 =	vadd.f32 v16, v15;
	v14 =	vadd.f32 v18, v17  }
0x293: {  	[tilespmem:$0x1FBB0] =	vst v35;
	v15 =	vadd.f32 v19, v20;
	v16 =	vadd.f32 v22, v21  }
0x294: {  	[tilespmem:$0x1FBC0] =	vst v40;
	v17 =	vadd.f32 v27, v23;
	v18 =	vadd.f32 v24, v25  }
0x295: {  	[tilespmem:$0x1FBD0] =	vst v39;
	v19 =	vadd.f32 v28, v26;
	v20 =	vadd.f32 v30, v29  }
0x296: {  	[tilespmem:$0x1FBE0] =	vst v38;
	v21 =	vadd.f32 v32, v31;
	v10 =	vadd.f32 v10, v33  }
0x297: {  	[tilespmem:$0x1FBF0] =	vst v37;
	v15 =	vadd.f32 v16, v15;
	v16 =	vadd.f32 v18, v17  }
0x298: {  	[tilespmem:$0x1FC00] =	vst v9;
	v17 =	vadd.f32 v20, v19;
	v10 =	vadd.f32 v10, v21  }
0x299: {  	[tilespmem:$0x1FC10] =	vst v2;
	v11 =	vadd.f32 v12, v11;
	v12 =	vadd.f32 v14, v13  }
0x29a: {  	[tilespmem:$0x1FC40] =	vst v3;
	v13 =	vadd.f32 v16, v15;
	v10 =	vadd.f32 v10, v17  }
0x29b: {  	[tilespmem:$0x1FC50] =	vst v5  }
0x29c: {  	[tilespmem:$0x1FC60] =	vst v7;
	v11 =	vadd.f32 v12, v11;
	v10 =	vadd.f32 v10, v13  }
0x29d: {  	[tilespmem:$0x1FC80] =	vst v57  }
0x29e: {  	[tilespmem:$0x1FC90] =	vst v55;
	v10 =	vadd.f32 v11, v10  }
0x29f: {  	[tilespmem:$0x1FCA0] =	vst v52  }
0x2a0: {  	[tilespmem:$0x1FCB0] =	vst v51;
	v10 =	vand.u32 $0x7FFFFFFF, v10  }
0x2a1: {  	[tilespmem:$0x1FCC0] =	vst v49;
	v10 =	vmul.f32 $1.000000000e+03, v10  }
0x2a2: {  	[tilespmem:$0x1FCD0] =	vst v54  }
0x2a3: {  	[tilespmem:$0x1FCE0] =	vst v48;
	s2 =	rddreg [dreg:$0x7];
	v10 =	vtrunc.f32 v10  }
0x2a4: {  	[tilespmem:$0x1FCF0] =	vst v46;
	p0 =	seq.s32 s22, $0x7;
	s3 =	rddreg [dreg:$0xd];
	v10 =	vcvt.f32.s32 v10  }
0x2a5: {  	[tilespmem:$0x1FD00] =	vst v44;
	s2 =	sadd.s32 @!p0 s3, s2  }
0x2a6: {  	[tilespmem:$0x1FD10] =	vst v45;
	s1 =	sadd.s32 $0x10, s1;
	s2 =	sshrl.u32 @!p0 s2, $0x3;
	v11 =	vand.u32 $0x3F, v10;
	v10 =	vadd.s32 $0x1, v10  }
0x2a7: {  	s0 =	sadd.s32 $0x10, s0;
	s2 =	smul.u32 @!p0 $0x300, s2;
	v10 =	vand.u32 $0x3F, v10;
	[tilespmem:s1+$0x0] =	vst v11  }
0x2a8: {  	s25 =	simm.s32 $0x0;
	s26 =	simm.s32 $0x2;
	[tilespmem:s0+$0x0] =	vst v10;
	s0 =	rddreg [dreg:$0x0]  }
0x2a9: {  	[tilespmem:$0x1FD20] =	vst v42;
	s1 =	smul.u32 $0x6000, s25;
	s0 =	sadd.s32 @!p0 s0, s2;
	s2 =	simm.s32 @!p0 $0x0  }
0x2aa: {  	[tilespmem:s2], [sflag:$0x1] =	stream.linear.gather @!p0 [hbm4b:s0+s2], $0xC000, $0x38;
	[tilespmem:$0x19400] =	vst v63  }
0x2ab: {  	s11 =	simm.s32 $0x180;
	s1 =	sshra.s32 s1, $0x2;
	_ =	swait.ge [sflag:s26], $0xC000  }
0x2ac: {  	s13 =	sand.u32 $0x380, s11;
	s5 =	sadd.s32 $0xC000, s1;
	[sflag:s26] =	ssyncset.done $0x0  }
0x2ad: {  	s7 =	sor.u32 s13, s5;
	[sflag:s26] =	ssyncadd.s32 $0xFFFF4000  }
0x2ae: {  	s14 =	simm.s32 $0x0;
	v10 =	vld [tilespmem:s7+$0x0]  }
0x2af: {  	s14 =	sand.u32 $0x200, s14;
	v11 =	vld [tilespmem:s7+$0x400]  }
0x2b0: {  	s6 =	sor.u32 s14, s5  }
0x2b1: {  	v12 =	vld [tilespmem:s6+$0x0]  }
0x2b2: {  	v13 =	vld [tilespmem:s7+$0x10]  }
0x2b3: {  	v14 =	vld [tilespmem:s7+$0x410]  }
0x2b4: {  	s15 =	simm.s32 $0x80;
	v15 =	vld [tilespmem:s6+$0x400];
	v10 =	vadd.f32 v11, v10  }
0x2b5: {  	s0 =	sand.u32 $0x280, s15;
	v17 =	vld [tilespmem:s7+$0x20]  }
0x2b6: {  	s4 =	simm.s32 $0x100;
	s16 =	sor.u32 s0, s5;
	v18 =	vld [tilespmem:s7+$0x420];
	v16 =	vperm.xlane v10, v0  }
0x2b7: {  	s4 =	sand.u32 $0x300, s4;
	v19 =	vld [tilespmem:s16+$0x400]  }
0x2b8: {  	s5 =	sor.u32 s4, s5;
	v20 =	vld [tilespmem:s7+$0x430];
	v13 =	vadd.f32 v14, v13;
	v10 =	vadd.f32 v16, v10  }
0x2b9: {  	v21 =	vld [tilespmem:s5+$0x400]  }
0x2ba: {  	v22 =	vld [tilespmem:s7+$0x440];
	v10 =	vadd.f32 v13, v10;
	v13 =	vperm.xlane v13, v0  }
0x2bb: {  	v16 =	vld [tilespmem:s7+$0x30]  }
0x2bc: {  	v23 =	vld [tilespmem:s6+$0x410];
	v10 =	vadd.f32 v10, v13;
	v13 =	vadd.f32 v18, v17  }
0x2bd: {  	v4 =	vld [tilespmem:s7+$0x450]  }
0x2be: {  	v5 =	vld [tilespmem:s16+$0x410];
	v10 =	vadd.f32 v13, v10;
	v13 =	vperm.xlane v13, v0  }
0x2bf: {  	v18 =	vld [tilespmem:s7+$0x40]  }
0x2c0: {  	v36 =	vld [tilespmem:s7+$0x460];
	v10 =	vadd.f32 v10, v13;
	v13 =	vadd.f32 v20, v16  }
0x2c1: {  	v37 =	vld [tilespmem:s5+$0x410]  }
0x2c2: {  	v38 =	vld [tilespmem:s7+$0x70];
	v10 =	vadd.f32 v13, v10;
	v13 =	vperm.xlane v13, v0  }
0x2c3: {  	v20 =	vld [tilespmem:s7+$0x50]  }
0x2c4: {  	v39 =	vld [tilespmem:s7+$0x470];
	v10 =	vadd.f32 v10, v13;
	v13 =	vadd.f32 v22, v18  }
0x2c5: {  	v40 =	vld [tilespmem:s6+$0x420]  }
0x2c6: {  	v41 =	vld [tilespmem:s16+$0x420];
	v10 =	vadd.f32 v13, v10;
	v13 =	vperm.xlane v13, v0  }
0x2c7: {  	v22 =	vld [tilespmem:s7+$0x60]  }
0x2c8: {  	v42 =	vld [tilespmem:s5+$0x20];
	v10 =	vadd.f32 v10, v13;
	v13 =	vadd.f32 v4, v20  }
0x2c9: {  	v43 =	vld [tilespmem:s5+$0x420]  }
0x2ca: {  	v11 =	vld [tilespmem:s16+$0x0];
	v10 =	vadd.f32 v13, v10;
	v13 =	vperm.xlane v13, v0  }
0x2cb: {  	v44 =	vld [tilespmem:s6+$0x30]  }
0x2cc: {  	v14 =	vld [tilespmem:s5+$0x0];
	v10 =	vadd.f32 v10, v13;
	v13 =	vadd.f32 v36, v22  }
0x2cd: {  	v45 =	vld [tilespmem:s6+$0x430]  }
0x2ce: {  	v46 =	vld [tilespmem:s16+$0x430];
	v10 =	vadd.f32 v13, v10;
	v13 =	vperm.xlane v13, v0  }
0x2cf: {  	v12 =	vadd.f32 v15, v12;
	v15 =	vld [tilespmem:s16+$0x30];
	v11 =	vadd.f32 v19, v11  }
0x2d0: {  	v19 =	vld [tilespmem:s5+$0x30];
	v10 =	vadd.f32 v10, v13;
	v13 =	vadd.f32 v39, v38  }
0x2d1: {  	v14 =	vadd.f32 v21, v14;
	v21 =	vld [tilespmem:s5+$0x430]  }
0x2d2: {  	v17 =	vld [tilespmem:s6+$0x10];
	v10 =	vadd.f32 v13, v10;
	v13 =	vperm.xlane v13, v0  }
0x2d3: {  	v16 =	vld [tilespmem:s16+$0x10]  }
0x2d4: {  	v18 =	vld [tilespmem:s5+$0x10];
	v10 =	vadd.f32 v10, v13  }
0x2d5: {  	s24 =	simm.s32 $0x18060;
	s17 =	sadd.s32 $0xC800, s1;
	v20 =	vld [tilespmem:s6+$0x20];
	v13 =	vperm.xlane v12, v0  }
0x2d6: {  	s8 =	sadd.s32 $0xCC00, s1;
	s9 =	sor.u32 s13, s17;
	v22 =	vld [tilespmem:s16+$0x20];
	[tilespmem:s24+$0x30] =	vst v10  }
0x2d7: {  	s10 =	sor.u32 s13, s8;
	v10 =	vadd.f32 v13, v12;
	v12 =	vperm.xlane v11, v0;
	v13 =	vadd.f32 v23, v17;
	v17 =	vld [tilespmem:s9+$0x0]  }
0x2d8: {  	v51 =	vadd.f32 v43, v42;
	v15 =	vadd.f32 v46, v15;
	v23 =	vperm.xlane v14, v0;
	v47 =	vld [tilespmem:s10+$0x0]  }
0x2d9: {  	v11 =	vadd.f32 v12, v11;
	v10 =	vadd.f32 v13, v10;
	v12 =	vperm.xlane v13, v0;
	v13 =	vld [tilespmem:s6+$0x40]  }
0x2da: {  	v16 =	vadd.f32 v5, v16;
	v14 =	vadd.f32 v23, v14;
	v23 =	vld [tilespmem:s6+$0x440]  }
0x2db: {  	v10 =	vadd.f32 v10, v12;
	v12 =	vadd.f32 v37, v18;
	v18 =	vld [tilespmem:s9+$0x10]  }
0x2dc: {  	v25 =	vperm.xlane v16, v0;
	v11 =	vadd.f32 v16, v11;
	v16 =	vadd.f32 v40, v20;
	v20 =	vld [tilespmem:s10+$0x10]  }
0x2dd: {  	v53 =	vld [tilespmem:s5+$0x40];
	v19 =	vadd.f32 v21, v19;
	v17 =	vadd.f32 v47, v17  }
0x2de: {  	v22 =	vadd.f32 v41, v22;
	v50 =	vld [tilespmem:s9+$0x20];
	v27 =	vperm.xlane v12, v0;
	v12 =	vadd.f32 v12, v14  }
0x2df: {  	v52 =	vld [tilespmem:s10+$0x20];
	v11 =	vadd.f32 v11, v25;
	v10 =	vadd.f32 v16, v10;
	v49 =	vperm.xlane v17, v0  }
0x2e0: {  	v14 =	vld [tilespmem:s16+$0x40];
	v48 =	vperm.xlane v16, v0;
	v13 =	vadd.f32 v23, v13;
	v12 =	vadd.f32 v12, v27  }
0x2e1: {  	v16 =	vld [tilespmem:s16+$0x440];
	v18 =	vadd.f32 v20, v18;
	v17 =	vadd.f32 v49, v17  }
0x2e2: {  	v54 =	vld [tilespmem:s5+$0x440];
	v10 =	vadd.f32 v10, v48;
	v11 =	vadd.f32 v22, v11;
	v20 =	vperm.xlane v22, v0  }
0x2e3: {  	v55 =	vld [tilespmem:s9+$0x30];
	v22 =	vadd.f32 v45, v44;
	v17 =	vadd.f32 v18, v17;
	v18 =	vperm.xlane v18, v0  }
0x2e4: {  	v12 =	vadd.f32 v51, v12;
	v11 =	vadd.f32 v11, v20;
	v20 =	vld [tilespmem:s10+$0x30]  }
0x2e5: {  	v56 =	vld [tilespmem:s6+$0x50];
	v25 =	vperm.xlane v51, v0;
	v17 =	vadd.f32 v17, v18;
	v18 =	vadd.f32 v52, v50  }
0x2e6: {  	v59 =	vld [tilespmem:s16+$0x50];
	v57 =	vperm.xlane v22, v0;
	v10 =	vadd.f32 v22, v10;
	v14 =	vadd.f32 v16, v14  }
0x2e7: {  	v58 =	vld [tilespmem:s9+$0x40];
	v12 =	vadd.f32 v12, v25;
	v17 =	vadd.f32 v18, v17;
	v18 =	vperm.xlane v18, v0  }
0x2e8: {  	v21 =	vld [tilespmem:s10+$0x40];
	v11 =	vadd.f32 v15, v11;
	v15 =	vperm.xlane v15, v0;
	v10 =	vadd.f32 v10, v57  }
0x2e9: {  	v60 =	vld [tilespmem:s6+$0x60];
	v17 =	vadd.f32 v17, v18;
	v18 =	vadd.f32 v20, v55  }
0x2ea: {  	v16 =	vld [tilespmem:s10+$0x50];
	v12 =	vadd.f32 v19, v12;
	v11 =	vadd.f32 v11, v15  }
0x2eb: {  	v19 =	vperm.xlane v19, v0;
	v15 =	vld [tilespmem:s16+$0x450];
	v17 =	vadd.f32 v18, v17;
	v18 =	vperm.xlane v18, v0  }
0x2ec: {  	v10 =	vadd.f32 v13, v10;
	v13 =	vperm.xlane v13, v0;
	v11 =	vadd.f32 v14, v11;
	v20 =	vld [tilespmem:s9+$0x50]  }
0x2ed: {  	v22 =	vld [tilespmem:s6+$0x450];
	v14 =	vperm.xlane v14, v0;
	v17 =	vadd.f32 v17, v18;
	v18 =	vadd.f32 v21, v58  }
0x2ee: {  	v61 =	vld [tilespmem:s10+$0x70];
	v12 =	vadd.f32 v12, v19;
	v10 =	vadd.f32 v10, v13  }
0x2ef: {  	v11 =	vadd.f32 v11, v14;
	v21 =	vld [tilespmem:s10+$0x60];
	v13 =	vadd.f32 v18, v17;
	v17 =	vperm.xlane v18, v0  }
0x2f0: {  	v14 =	vadd.f32 v54, v53;
	v15 =	vadd.f32 v15, v59;
	v18 =	vld [tilespmem:s9+$0x60]  }
0x2f1: {  	v23 =	vld [tilespmem:s5+$0x50];
	v16 =	vadd.f32 v16, v20;
	v13 =	vadd.f32 v13, v17  }
0x2f2: {  	v19 =	vld [tilespmem:s5+$0x450];
	v12 =	vadd.f32 v14, v12;
	v17 =	vadd.f32 v22, v56  }
0x2f3: {  	v14 =	vperm.xlane v14, v0;
	v20 =	vld [tilespmem:s6+$0x460];
	v13 =	vadd.f32 v16, v13;
	v16 =	vperm.xlane v16, v0  }
0x2f4: {  	v11 =	vadd.f32 v15, v11;
	v15 =	vperm.xlane v15, v0;
	v22 =	vld [tilespmem:s9+$0x70];
	v10 =	vadd.f32 v17, v10  }
0x2f5: {  	v62 =	vld [tilespmem:s16+$0x60];
	v17 =	vperm.xlane v17, v0;
	v13 =	vadd.f32 v13, v16;
	v16 =	vadd.f32 v21, v18  }
0x2f6: {  	v12 =	vadd.f32 v12, v14;
	v14 =	vld [tilespmem:s16+$0x460];
	v11 =	vadd.f32 v11, v15  }
0x2f7: {  	v15 =	vld [tilespmem:s5+$0x460];
	v10 =	vadd.f32 v10, v17;
	v13 =	vadd.f32 v16, v13;
	v16 =	vperm.xlane v16, v0  }
0x2f8: {  	v17 =	vld [tilespmem:s6+$0x70];
	v18 =	vadd.f32 v19, v23;
	v19 =	vadd.f32 v20, v60  }
0x2f9: {  	v20 =	vld [tilespmem:s6+$0x470];
	v13 =	vadd.f32 v13, v16;
	v16 =	vadd.f32 v61, v22  }
0x2fa: {  	v21 =	vld [tilespmem:s5+$0x60];
	v10 =	vadd.f32 v19, v10;
	v19 =	vperm.xlane v19, v0  }
0x2fb: {  	v14 =	vadd.f32 v14, v62;
	v22 =	vld [tilespmem:s16+$0x70];
	v13 =	vadd.f32 v16, v13;
	v16 =	vperm.xlane v16, v0  }
0x2fc: {  	v12 =	vadd.f32 v18, v12;
	v18 =	vperm.xlane v18, v0;
	v10 =	vadd.f32 v10, v19;
	v19 =	vld [tilespmem:s16+$0x470]  }
0x2fd: {  	v13 =	vadd.f32 v13, v16  }
0x2fe: {  	s18 =	sadd.s32 $0xD000, s1;
	v11 =	vadd.f32 v14, v11;
	v14 =	vperm.xlane v14, v0;
	v12 =	vadd.f32 v12, v18;
	v18 =	vld [tilespmem:s5+$0x470]  }
0x2ff: {  	s2 =	sadd.s32 $0xD400, s1;
	s19 =	sor.u32 s13, s18;
	v16 =	vadd.f32 v20, v17;
	v17 =	vld [tilespmem:s5+$0x70];
	[tilespmem:s24+$0x40] =	vst v13  }
0x300: {  	s1 =	sor.u32 s13, s2;
	v11 =	vadd.f32 v11, v14;
	v15 =	vadd.f32 v15, v21;
	v14 =	vld [tilespmem:s19+$0x0]  }
0x301: {  	v10 =	vadd.f32 v16, v10;
	v13 =	vperm.xlane v16, v0;
	v16 =	vadd.f32 v19, v22;
	v19 =	vld [tilespmem:s1+$0x0]  }
0x302: {  	v20 =	vld [tilespmem:s1+$0x10]  }
0x303: {  	v12 =	vadd.f32 v15, v12;
	v60 =	vld [tilespmem:s19+$0x40];
	v10 =	vadd.f32 v10, v13;
	v13 =	vperm.xlane v15, v0  }
0x304: {  	v15 =	vld [tilespmem:s19+$0x10];
	v11 =	vadd.f32 v16, v11  }
0x305: {  	s23 =	sor.u32 s14, s17;
	v16 =	vperm.xlane v16, v0;
	[tilespmem:s24+$0xFFFFFFA0] =	vst v10;
	v10 =	vadd.f32 v12, v13;
	v13 =	vadd.f32 v18, v17;
	v17 =	vld [tilespmem:s19+$0x20]  }
0x306: {  	s25 =	sor.u32 s14, s8;
	v12 =	vld [tilespmem:s23+$0x0]  }
0x307: {  	v11 =	vadd.f32 v11, v16;
	v16 =	vld [tilespmem:s25+$0x0]  }
0x308: {  	v63 =	vld [tilespmem:s23+$0x10]  }
0x309: {  	v4 =	vld [tilespmem:s25+$0x10]  }
0x30a: {  	v39 =	vld [tilespmem:s23+$0x20]  }
0x30b: {  	v44 =	vld [tilespmem:s25+$0x30]  }
0x30c: {  	v50 =	vld [tilespmem:s25+$0x40]  }
0x30d: {  	v53 =	vld [tilespmem:s23+$0x50]  }
0x30e: {  	[tilespmem:s24+$0xFFFFFFD0] =	vst v11;
	v11 =	vld [tilespmem:s1+$0x20]  }
0x30f: {  	s26 =	sor.u32 s0, s17;
	v14 =	vadd.f32 v19, v14;
	v19 =	vld [tilespmem:s25+$0x20]  }
0x310: {  	s11 =	sor.u32 s0, s8;
	v18 =	vld [tilespmem:s26+$0x0]  }
0x311: {  	v10 =	vadd.f32 v13, v10;
	v13 =	vperm.xlane v13, v0;
	v21 =	vld [tilespmem:s11+$0x0]  }
0x312: {  	v5 =	vld [tilespmem:s26+$0x10]  }
0x313: {  	v36 =	vld [tilespmem:s11+$0x10];
	v13 =	vadd.f32 v10, v13  }
0x314: {  	v40 =	vld [tilespmem:s26+$0x20]  }
0x315: {  	s7 =	sor.u32 s4, s17;
	v45 =	vld [tilespmem:s26+$0x30];
	[tilespmem:s24+$0x0] =	vst v13  }
0x316: {  	s8 =	sor.u32 s4, s8;
	v41 =	vperm.xlane v14, v0;
	v22 =	vld [tilespmem:s7+$0x0]  }
0x317: {  	v15 =	vadd.f32 v20, v15;
	v23 =	vld [tilespmem:s8+$0x0]  }
0x318: {  	v46 =	vld [tilespmem:s11+$0x30];
	v12 =	vadd.f32 v16, v12;
	v14 =	vadd.f32 v41, v14  }
0x319: {  	v51 =	vld [tilespmem:s11+$0x40];
	v24 =	vadd.f32 v4, v63;
	v19 =	vadd.f32 v19, v39  }
0x31a: {  	v16 =	vld [tilespmem:s11+$0x20];
	v11 =	vadd.f32 v11, v17;
	v18 =	vadd.f32 v21, v18  }
0x31b: {  	v37 =	vld [tilespmem:s7+$0x10];
	v42 =	vperm.xlane v12, v0;
	v26 =	vadd.f32 v36, v5;
	v14 =	vadd.f32 v15, v14  }
0x31c: {  	v38 =	vld [tilespmem:s8+$0x10];
	v15 =	vperm.xlane v15, v0;
	v20 =	vperm.xlane v18, v0;
	v22 =	vadd.f32 v23, v22  }
0x31d: {  	v54 =	vld [tilespmem:s26+$0x50];
	v52 =	vadd.f32 v46, v45;
	v12 =	vadd.f32 v42, v12  }
0x31e: {  	v43 =	vld [tilespmem:s8+$0x20];
	v14 =	vadd.f32 v14, v15;
	v18 =	vadd.f32 v20, v18;
	v20 =	vperm.xlane v22, v0  }
0x31f: {  	v21 =	vld [tilespmem:s7+$0x20];
	v16 =	vadd.f32 v16, v40;
	v12 =	vadd.f32 v24, v12;
	v24 =	vperm.xlane v24, v0  }
0x320: {  	v10 =	vld [tilespmem:s19+$0x30];
	v18 =	vadd.f32 v26, v18;
	v20 =	vadd.f32 v20, v22;
	v22 =	vperm.xlane v26, v0  }
0x321: {  	v23 =	vld [tilespmem:s23+$0x30];
	v48 =	vadd.f32 v38, v37;
	v12 =	vadd.f32 v12, v24  }
0x322: {  	v13 =	vld [tilespmem:s1+$0x30];
	v15 =	vperm.xlane v19, v0;
	v14 =	vadd.f32 v11, v14;
	v18 =	vadd.f32 v18, v22  }
0x323: {  	v47 =	vld [tilespmem:s7+$0x30];
	v29 =	vperm.xlane v48, v0;
	v12 =	vadd.f32 v19, v12;
	v20 =	vadd.f32 v48, v20  }
0x324: {  	v49 =	vld [tilespmem:s8+$0x30];
	v21 =	vadd.f32 v43, v21;
	v18 =	vadd.f32 v16, v18;
	v16 =	vperm.xlane v16, v0  }
0x325: {  	v19 =	vld [tilespmem:s26+$0x40];
	v12 =	vadd.f32 v12, v15;
	v20 =	vadd.f32 v20, v29  }
0x326: {  	v11 =	vperm.xlane v11, v0;
	v22 =	vld [tilespmem:s23+$0x40];
	v16 =	vadd.f32 v18, v16;
	v18 =	vadd.f32 v44, v23  }
0x327: {  	v10 =	vadd.f32 v13, v10;
	v15 =	vld [tilespmem:s7+$0x40];
	v20 =	vadd.f32 v21, v20;
	v21 =	vperm.xlane v21, v0  }
0x328: {  	v11 =	vadd.f32 v14, v11;
	v23 =	vld [tilespmem:s8+$0x40];
	v12 =	vadd.f32 v18, v12;
	v17 =	vperm.xlane v18, v0  }
0x329: {  	v56 =	vld [tilespmem:s8+$0x50];
	v20 =	vadd.f32 v20, v21;
	v16 =	vadd.f32 v52, v16;
	v21 =	vperm.xlane v52, v0  }
0x32a: {  	v26 =	vadd.f32 v49, v47;
	v18 =	vld [tilespmem:s25+$0x50];
	v12 =	vadd.f32 v12, v17  }
0x32b: {  	v17 =	vld [tilespmem:s11+$0x50];
	v16 =	vadd.f32 v16, v21;
	v21 =	vadd.f32 v50, v22  }
0x32c: {  	v55 =	vperm.xlane v26, v0;
	v19 =	vadd.f32 v51, v19;
	v22 =	vld [tilespmem:s7+$0x50];
	v20 =	vadd.f32 v26, v20  }
0x32d: {  	v57 =	vld [tilespmem:s23+$0x60];
	v15 =	vadd.f32 v23, v15;
	v12 =	vadd.f32 v21, v12;
	v21 =	vperm.xlane v21, v0  }
0x32e: {  	v58 =	vld [tilespmem:s25+$0x60];
	v20 =	vadd.f32 v20, v55;
	v16 =	vadd.f32 v19, v16;
	v19 =	vperm.xlane v19, v0  }
0x32f: {  	v23 =	vld [tilespmem:s7+$0x60];
	v18 =	vadd.f32 v18, v53;
	v12 =	vadd.f32 v12, v21  }
0x330: {  	v21 =	vld [tilespmem:s26+$0x60];
	v16 =	vadd.f32 v16, v19;
	v20 =	vadd.f32 v15, v20;
	v15 =	vperm.xlane v15, v0  }
0x331: {  	v19 =	vld [tilespmem:s11+$0x60];
	v17 =	vadd.f32 v17, v54;
	v22 =	vadd.f32 v56, v22  }
0x332: {  	v14 =	vperm.xlane v18, v0;
	v12 =	vadd.f32 v18, v12;
	v18 =	vld [tilespmem:s8+$0x60];
	v15 =	vadd.f32 v20, v15  }
0x333: {  	v11 =	vadd.f32 v10, v11;
	v20 =	vld [tilespmem:s23+$0x70];
	v16 =	vadd.f32 v17, v16;
	v17 =	vperm.xlane v17, v0  }
0x334: {  	v10 =	vperm.xlane v10, v0;
	v12 =	vadd.f32 v12, v14;
	v14 =	vld [tilespmem:s25+$0x70];
	v15 =	vadd.f32 v22, v15  }
0x335: {  	v59 =	vld [tilespmem:s26+$0x70];
	v22 =	vperm.xlane v22, v0;
	v16 =	vadd.f32 v16, v17;
	v17 =	vadd.f32 v58, v57  }
0x336: {  	v10 =	vadd.f32 v11, v10;
	v19 =	vadd.f32 v19, v21;
	v21 =	vld [tilespmem:s11+$0x70]  }
0x337: {  	v15 =	vadd.f32 v15, v22;
	v22 =	vld [tilespmem:s1+$0x40];
	v12 =	vadd.f32 v17, v12;
	v13 =	vperm.xlane v17, v0  }
0x338: {  	v16 =	vadd.f32 v19, v16;
	v17 =	vperm.xlane v19, v0;
	v19 =	vld [tilespmem:s7+$0x70];
	v18 =	vadd.f32 v18, v23  }
0x339: {  	v23 =	vld [tilespmem:s19+$0x60];
	v12 =	vadd.f32 v12, v13;
	v14 =	vadd.f32 v14, v20  }
0x33a: {  	v13 =	vld [tilespmem:s8+$0x70];
	v16 =	vadd.f32 v16, v17;
	v15 =	vadd.f32 v18, v15;
	v18 =	vperm.xlane v18, v0  }
0x33b: {  	v17 =	vld [tilespmem:s19+$0x50];
	v20 =	vadd.f32 v21, v59;
	v12 =	vadd.f32 v14, v12;
	v14 =	vperm.xlane v14, v0  }
0x33c: {  	v21 =	vld [tilespmem:s1+$0x50];
	v15 =	vadd.f32 v15, v18;
	v11 =	vadd.f32 v22, v60  }
0x33d: {  	v18 =	vld [tilespmem:s1+$0x60];
	v16 =	vadd.f32 v20, v16;
	v20 =	vperm.xlane v20, v0;
	v12 =	vadd.f32 v12, v14  }
0x33e: {  	v14 =	vld [tilespmem:s19+$0x70];
	v10 =	vadd.f32 v11, v10  }
0x33f: {  	s25 =	sor.u32 s14, s18;
	v11 =	vperm.xlane v11, v0;
	v13 =	vadd.f32 v13, v19;
	v19 =	vld [tilespmem:s1+$0x70];
	v16 =	vadd.f32 v16, v20;
	[tilespmem:s24+$0xFFFFFFB0] =	vst v12  }
0x340: {  	v12 =	vld [tilespmem:s25+$0x0]  }
0x341: {  	s26 =	sor.u32 s0, s18;
	v10 =	vadd.f32 v10, v11;
	v11 =	vadd.f32 v21, v17;
	[tilespmem:s24+$0xFFFFFFE0] =	vst v16;
	v21 =	vld [tilespmem:s25+$0x10]  }
0x342: {  	v16 =	vld [tilespmem:s26+$0x0]  }
0x343: {  	s31 =	sor.u32 s0, s2;
	v15 =	vadd.f32 v13, v15;
	v13 =	vperm.xlane v13, v0;
	v22 =	vld [tilespmem:s26+$0x10]  }
0x344: {  	s28 =	sor.u32 s14, s2;
	v10 =	vadd.f32 v11, v10;
	v11 =	vperm.xlane v11, v0;
	v62 =	vld [tilespmem:s31+$0x20]  }
0x345: {  	v13 =	vadd.f32 v15, v13;
	v15 =	vld [tilespmem:s28+$0x0]  }
0x346: {  	v10 =	vadd.f32 v10, v11;
	v11 =	vadd.f32 v18, v23;
	v18 =	vld [tilespmem:s28+$0x10]  }
0x347: {  	v23 =	vld [tilespmem:s31+$0x10]  }
0x348: {  	s29 =	sor.u32 s4, s18;
	[tilespmem:s24+$0x10] =	vst v13;
	v13 =	vld [tilespmem:s31+$0x0]  }
0x349: {  	s30 =	sor.u32 s4, s2;
	v17 =	vld [tilespmem:s29+$0x0];
	v10 =	vadd.f32 v11, v10;
	v11 =	vperm.xlane v11, v0  }
0x34a: {  	v20 =	vld [tilespmem:s30+$0x0]  }
0x34b: {  	v61 =	vld [tilespmem:s29+$0x10];
	v10 =	vadd.f32 v10, v11;
	v11 =	vadd.f32 v19, v14  }
0x34c: {  	v14 =	vld [tilespmem:s30+$0x10];
	v12 =	vadd.f32 v15, v12  }
0x34d: {  	v15 =	vld [tilespmem:s25+$0x20];
	v10 =	vadd.f32 v11, v10;
	v11 =	vperm.xlane v11, v0;
	v13 =	vadd.f32 v13, v16  }
0x34e: {  	v18 =	vadd.f32 v18, v21;
	v21 =	vld [tilespmem:s29+$0x20];
	v19 =	vperm.xlane v12, v0  }
0x34f: {  	v16 =	vld [tilespmem:s28+$0x20];
	v17 =	vadd.f32 v20, v17;
	v11 =	vadd.f32 v10, v11;
	v10 =	vperm.xlane v13, v0  }
0x350: {  	v20 =	vld [tilespmem:s26+$0x20];
	v12 =	vadd.f32 v19, v12  }
0x351: {  	v19 =	vperm.xlane v17, v0;
	v10 =	vadd.f32 v10, v13;
	v13 =	vadd.f32 v23, v22;
	v22 =	vld [tilespmem:s30+$0x20]  }
0x352: {  	v14 =	vadd.f32 v14, v61;
	v23 =	vperm.xlane v18, v0;
	v12 =	vadd.f32 v18, v12;
	v18 =	vld [tilespmem:s25+$0x30]  }
0x353: {  	v17 =	vadd.f32 v19, v17;
	v19 =	vld [tilespmem:s28+$0x30];
	v10 =	vadd.f32 v13, v10;
	v13 =	vperm.xlane v13, v0  }
0x354: {  	v15 =	vadd.f32 v16, v15;
	v16 =	vld [tilespmem:s26+$0x30];
	v12 =	vadd.f32 v12, v23  }
0x355: {  	v10 =	vadd.f32 v10, v13;
	v13 =	vadd.f32 v14, v17;
	v14 =	vperm.xlane v14, v0;
	v17 =	vld [tilespmem:s31+$0x30]  }
0x356: {  	v20 =	vadd.f32 v62, v20;
	v23 =	vld [tilespmem:s29+$0x30];
	v12 =	vadd.f32 v15, v12;
	v15 =	vperm.xlane v15, v0  }
0x357: {  	v13 =	vadd.f32 v13, v14;
	v14 =	vadd.f32 v22, v21;
	v21 =	vld [tilespmem:s30+$0x30]  }
0x358: {  	v22 =	vadd.f32 v20, v10;
	v20 =	vperm.xlane v20, v0;
	v63 =	vadd.f32 v12, v15;
	v10 =	vld [tilespmem:s25+$0x40]  }
0x359: {  	v18 =	vadd.f32 v19, v18;
	v12 =	vld [tilespmem:s26+$0x40];
	v15 =	vadd.f32 v14, v13;
	v14 =	vperm.xlane v14, v0  }
0x35a: {  	v13 =	vld [tilespmem:s28+$0x40];
	v20 =	vadd.f32 v22, v20;
	v22 =	vadd.f32 v17, v16  }
0x35b: {  	v19 =	vperm.xlane v18, v0;
	v17 =	vadd.f32 v18, v63;
	v15 =	vadd.f32 v15, v14;
	v14 =	vld [tilespmem:s31+$0x40]  }
0x35c: {  	s4 =	simm.s32 $0x0;
	s0 =	simm.s32 $0x18060;
	s14 =	simm.s32 $0x0;
	[tilespmem:s24+$0x50] =	vst v11;
	v11 =	vld [tilespmem:s29+$0x40];
	v16 =	vadd.f32 v22, v20;
	v18 =	vperm.xlane v22, v0;
	v20 =	vadd.f32 v21, v23  }
.LBB2_7:
0x35d: {  	s4 =	sadd.s32 $0x4, s4;
	v17 =	vadd.f32 v17, v19;
	v19 =	vld [tilespmem:s30+$0x40]  }
0x35e: {  	s1 =	sshrl.u32 s4, $0x3;
	v21 =	vld [tilespmem:s25+$0x50];
	v16 =	vadd.f32 v16, v18;
	v15 =	vadd.f32 v20, v15;
	v18 =	vperm.xlane v20, v0  }
0x35f: {  	v10 =	vadd.f32 v13, v10;
	s1 =	smul.u32 $0x6000, s1;
	v13 =	vld [tilespmem:s28+$0x50]  }
0x360: {  	s14 =	sadd.s32 $0x200, s14;
	p0 =	slt.u32 s4, $0x3C;
	v12 =	vadd.f32 v14, v12;
	v14 =	vld [tilespmem:s26+$0x50];
	v15 =	vadd.f32 v15, v18  }
0x361: {  	s2 =	sadd.s32 $0x80, s14;
	s3 =	sadd.s32 $0x180, s14;
	v17 =	vadd.f32 v10, v17;
	v10 =	vperm.xlane v10, v0;
	s1 =	sshra.s32 s1, $0x2;
	v18 =	vld [tilespmem:s31+$0x50]  }
0x362: {  	s6 =	sadd.s32 $0x100, s14;
	s10 =	sand.u32 $0x380, s3;
	s5 =	sadd.s32 $0xC000, s1;
	v16 =	vadd.f32 v12, v16;
	v12 =	vperm.xlane v12, v0;
	v11 =	vadd.f32 v19, v11;
	v19 =	vld [tilespmem:s29+$0x50]  }
0x363: {  	s17 =	sand.u32 $0x280, s2;
	s16 =	sand.u32 $0x300, s6;
	v10 =	vadd.f32 v17, v10;
	s3 =	sor.u32 s10, s5;
	v17 =	vld [tilespmem:s30+$0x50]  }
0x364: {  	s2 =	sand.u32 $0x200, s14;
	s11 =	sor.u32 s17, s5;
	s7 =	sor.u32 s16, s5;
	v20 =	vld [tilespmem:s3+$0x0];
	v12 =	vadd.f32 v16, v12;
	v15 =	vadd.f32 v11, v15;
	v11 =	vperm.xlane v11, v0  }
0x365: {  	s13 =	sor.u32 s2, s5;
	v13 =	vadd.f32 v13, v21;
	v16 =	vld [tilespmem:s3+$0x400]  }
0x366: {  	v21 =	vld [tilespmem:s13+$0x0];
	v14 =	vadd.f32 v18, v14;
	v11 =	vadd.f32 v15, v11  }
0x367: {  	v10 =	vadd.f32 v13, v10;
	v13 =	vperm.xlane v13, v0;
	v15 =	vld [tilespmem:s13+$0x400]  }
0x368: {  	v18 =	vld [tilespmem:s3+$0x10];
	v22 =	vadd.f32 v14, v12;
	v14 =	vperm.xlane v14, v0;
	v17 =	vadd.f32 v17, v19  }
0x369: {  	v12 =	vadd.f32 v10, v13;
	v19 =	vld [tilespmem:s3+$0x410]  }
0x36a: {  	v13 =	vld [tilespmem:s11+$0x0];
	v16 =	vadd.f32 v16, v20;
	v10 =	vadd.f32 v17, v11;
	v17 =	vperm.xlane v17, v0  }
0x36b: {  	v11 =	vadd.f32 v22, v14;
	v20 =	vld [tilespmem:s11+$0x400]  }
0x36c: {  	v14 =	vadd.f32 v15, v21;
	v15 =	vperm.xlane v16, v0;
	v21 =	vld [tilespmem:s3+$0x20];
	v10 =	vadd.f32 v10, v17  }
0x36d: {  	v17 =	vld [tilespmem:s3+$0x420]  }
0x36e: {  	v22 =	vperm.xlane v14, v0;
	v23 =	vld [tilespmem:s7+$0x0];
	v15 =	vadd.f32 v15, v16;
	v16 =	vadd.f32 v19, v18  }
0x36f: {  	v18 =	vld [tilespmem:s7+$0x400]  }
0x370: {  	v13 =	vadd.f32 v20, v13;
	v15 =	vadd.f32 v16, v15;
	v16 =	vperm.xlane v16, v0;
	v19 =	vld [tilespmem:s3+$0x30]  }
0x371: {  	v14 =	vadd.f32 v22, v14;
	v20 =	vld [tilespmem:s3+$0x430]  }
0x372: {  	v22 =	vld [tilespmem:s13+$0x10];
	v24 =	vperm.xlane v13, v0;
	v15 =	vadd.f32 v15, v16;
	v16 =	vadd.f32 v17, v21  }
0x373: {  	v17 =	vld [tilespmem:s13+$0x410]  }
0x374: {  	v18 =	vadd.f32 v18, v23;
	v15 =	vadd.f32 v16, v15;
	v16 =	vperm.xlane v16, v0;
	v21 =	vld [tilespmem:s3+$0x40]  }
0x375: {  	v13 =	vadd.f32 v24, v13;
	v23 =	vld [tilespmem:s3+$0x440]  }
0x376: {  	v24 =	vld [tilespmem:s11+$0x10];
	v25 =	vperm.xlane v18, v0;
	v15 =	vadd.f32 v15, v16;
	v16 =	vadd.f32 v20, v19  }
0x377: {  	v19 =	vld [tilespmem:s11+$0x410]  }
0x378: {  	v18 =	vadd.f32 v25, v18;
	v15 =	vadd.f32 v16, v15;
	v16 =	vperm.xlane v16, v0;
	v20 =	vld [tilespmem:s3+$0x50]  }
0x379: {  	v17 =	vadd.f32 v17, v22;
	v22 =	vld [tilespmem:s3+$0x450]  }
0x37a: {  	v25 =	vld [tilespmem:s7+$0x10];
	v15 =	vadd.f32 v15, v16;
	v16 =	vadd.f32 v23, v21  }
0x37b: {  	v14 =	vadd.f32 v17, v14;
	v17 =	vperm.xlane v17, v0;
	v21 =	vld [tilespmem:s7+$0x410]  }
0x37c: {  	v19 =	vadd.f32 v19, v24;
	v15 =	vadd.f32 v16, v15;
	v16 =	vperm.xlane v16, v0;
	v23 =	vld [tilespmem:s3+$0x60]  }
0x37d: {  	v14 =	vadd.f32 v14, v17;
	v17 =	vld [tilespmem:s3+$0x460]  }
0x37e: {  	v24 =	vld [tilespmem:s13+$0x20];
	v26 =	vperm.xlane v19, v0;
	v15 =	vadd.f32 v15, v16;
	v16 =	vadd.f32 v22, v20  }
0x37f: {  	v13 =	vadd.f32 v19, v13;
	v20 =	vld [tilespmem:s13+$0x420]  }
0x380: {  	v19 =	vadd.f32 v21, v25;
	v15 =	vadd.f32 v16, v15;
	v16 =	vperm.xlane v16, v0;
	v21 =	vld [tilespmem:s3+$0x70]  }
0x381: {  	v13 =	vadd.f32 v13, v26;
	v22 =	vld [tilespmem:s3+$0x470]  }
0x382: {  	v25 =	vld [tilespmem:s11+$0x20];
	v26 =	vperm.xlane v19, v0;
	v15 =	vadd.f32 v15, v16;
	v16 =	vadd.f32 v17, v23  }
0x383: {  	v18 =	vadd.f32 v19, v18;
	v17 =	vld [tilespmem:s11+$0x420]  }
0x384: {  	v19 =	vadd.f32 v20, v24;
	v20 =	vld [tilespmem:s7+$0x20];
	v15 =	vadd.f32 v16, v15;
	v16 =	vperm.xlane v16, v0  }
0x385: {  	v18 =	vadd.f32 v18, v26;
	v23 =	vld [tilespmem:s7+$0x420]  }
0x386: {  	v24 =	vperm.xlane v19, v0;
	v26 =	vld [tilespmem:s13+$0x30];
	v15 =	vadd.f32 v15, v16;
	v16 =	vadd.f32 v22, v21  }
0x387: {  	v14 =	vadd.f32 v19, v14;
	v19 =	vld [tilespmem:s13+$0x430]  }
0x388: {  	v17 =	vadd.f32 v17, v25;
	v21 =	vld [tilespmem:s11+$0x30];
	v15 =	vadd.f32 v16, v15;
	v16 =	vperm.xlane v16, v0  }
0x389: {  	v14 =	vadd.f32 v14, v24;
	v22 =	vld [tilespmem:s11+$0x430]  }
0x38a: {  	v24 =	vperm.xlane v17, v0;
	v20 =	vadd.f32 v23, v20;
	v23 =	vld [tilespmem:s7+$0x30];
	v15 =	vadd.f32 v15, v16  }
0x38b: {  	s24 =	sadd.s32 $0xC0, s24;
	s5 =	sadd.s32 $0xC800, s1;
	v13 =	vadd.f32 v17, v13;
	v16 =	vld [tilespmem:s7+$0x430]  }
0x38c: {  	s19 =	sadd.s32 $0xCC00, s1;
	s8 =	sor.u32 s2, s5;
	s23 =	sor.u32 s10, s5;
	v17 =	vadd.f32 v19, v26;
	v19 =	vld [tilespmem:s13+$0x40];
	v18 =	vadd.f32 v20, v18;
	v20 =	vperm.xlane v20, v0;
	[tilespmem:s24+$0x30] =	vst v15  }
0x38d: {  	s18 =	sor.u32 s10, s19;
	s9 =	sor.u32 s17, s5;
	s3 =	sor.u32 s2, s19;
	v13 =	vadd.f32 v13, v24;
	v15 =	vld [tilespmem:s23+$0x0]  }
0x38e: {  	s15 =	sor.u32 s17, s19;
	s6 =	sor.u32 s16, s5;
	s5 =	sor.u32 s16, s19;
	v24 =	vperm.xlane v17, v0;
	v21 =	vadd.f32 v22, v21;
	v18 =	vadd.f32 v18, v20;
	v20 =	vld [tilespmem:s18+$0x0]  }
0x38f: {  	v14 =	vadd.f32 v17, v14;
	v17 =	vld [tilespmem:s13+$0x440]  }
0x390: {  	v13 =	vadd.f32 v21, v13;
	v21 =	vperm.xlane v21, v0;
	v22 =	vld [tilespmem:s11+$0x40];
	v16 =	vadd.f32 v16, v23  }
0x391: {  	v14 =	vadd.f32 v14, v24;
	v23 =	vld [tilespmem:s23+$0x10]  }
0x392: {  	v13 =	vadd.f32 v13, v21;
	v18 =	vadd.f32 v16, v18;
	v16 =	vperm.xlane v16, v0;
	v21 =	vld [tilespmem:s18+$0x10]  }
0x393: {  	v24 =	vld [tilespmem:s11+$0x440];
	v15 =	vadd.f32 v20, v15  }
0x394: {  	v17 =	vadd.f32 v17, v19;
	v16 =	vadd.f32 v18, v16;
	v18 =	vld [tilespmem:s7+$0x40]  }
0x395: {  	v19 =	vperm.xlane v15, v0;
	v20 =	vld [tilespmem:s23+$0x20]  }
0x396: {  	v14 =	vadd.f32 v17, v14;
	v17 =	vperm.xlane v17, v0;
	v25 =	vld [tilespmem:s18+$0x20]  }
0x397: {  	v26 =	vld [tilespmem:s7+$0x440];
	v15 =	vadd.f32 v19, v15;
	v19 =	vadd.f32 v21, v23  }
0x398: {  	v14 =	vadd.f32 v14, v17;
	v17 =	vld [tilespmem:s13+$0x50];
	v21 =	vadd.f32 v24, v22  }
0x399: {  	v15 =	vadd.f32 v19, v15;
	v19 =	vperm.xlane v19, v0;
	v22 =	vld [tilespmem:s23+$0x30]  }
0x39a: {  	v13 =	vadd.f32 v21, v13;
	v21 =	vperm.xlane v21, v0;
	v23 =	vld [tilespmem:s18+$0x30]  }
0x39b: {  	v24 =	vld [tilespmem:s13+$0x450];
	v15 =	vadd.f32 v15, v19;
	v19 =	vadd.f32 v25, v20  }
0x39c: {  	v13 =	vadd.f32 v13, v21;
	v20 =	vld [tilespmem:s11+$0x50];
	v18 =	vadd.f32 v26, v18  }
0x39d: {  	v15 =	vadd.f32 v19, v15;
	v19 =	vperm.xlane v19, v0;
	v21 =	vld [tilespmem:s23+$0x40]  }
0x39e: {  	v16 =	vadd.f32 v18, v16;
	v18 =	vperm.xlane v18, v0;
	v25 =	vld [tilespmem:s18+$0x40]  }
0x39f: {  	v26 =	vld [tilespmem:s11+$0x450];
	v15 =	vadd.f32 v15, v19;
	v19 =	vadd.f32 v23, v22  }
0x3a0: {  	v17 =	vadd.f32 v24, v17;
	v16 =	vadd.f32 v16, v18;
	v18 =	vld [tilespmem:s7+$0x50]  }
0x3a1: {  	v15 =	vadd.f32 v19, v15;
	v19 =	vperm.xlane v19, v0;
	v22 =	vld [tilespmem:s23+$0x50]  }
0x3a2: {  	v14 =	vadd.f32 v17, v14;
	v17 =	vperm.xlane v17, v0;
	v23 =	vld [tilespmem:s18+$0x50]  }
0x3a3: {  	v24 =	vld [tilespmem:s7+$0x450];
	v15 =	vadd.f32 v15, v19;
	v19 =	vadd.f32 v25, v21  }
0x3a4: {  	v14 =	vadd.f32 v14, v17;
	v17 =	vld [tilespmem:s13+$0x60];
	v20 =	vadd.f32 v26, v20  }
0x3a5: {  	v15 =	vadd.f32 v19, v15;
	v19 =	vperm.xlane v19, v0;
	v21 =	vld [tilespmem:s23+$0x60]  }
0x3a6: {  	v13 =	vadd.f32 v20, v13;
	v20 =	vperm.xlane v20, v0;
	v25 =	vld [tilespmem:s18+$0x60]  }
0x3a7: {  	v26 =	vld [tilespmem:s13+$0x460];
	v15 =	vadd.f32 v15, v19;
	v19 =	vadd.f32 v23, v22  }
0x3a8: {  	v13 =	vadd.f32 v13, v20;
	v20 =	vld [tilespmem:s11+$0x60];
	v18 =	vadd.f32 v24, v18  }
0x3a9: {  	v15 =	vadd.f32 v19, v15;
	v19 =	vperm.xlane v19, v0;
	v22 =	vld [tilespmem:s23+$0x70]  }
0x3aa: {  	v16 =	vadd.f32 v18, v16;
	v18 =	vperm.xlane v18, v0;
	v23 =	vld [tilespmem:s18+$0x70]  }
0x3ab: {  	v24 =	vld [tilespmem:s11+$0x460];
	v15 =	vadd.f32 v15, v19;
	v19 =	vadd.f32 v25, v21  }
0x3ac: {  	v17 =	vadd.f32 v26, v17;
	v16 =	vadd.f32 v16, v18;
	v18 =	vld [tilespmem:s7+$0x60]  }
0x3ad: {  	v21 =	vld [tilespmem:s7+$0x460];
	v15 =	vadd.f32 v19, v15;
	v19 =	vperm.xlane v19, v0  }
0x3ae: {  	v14 =	vadd.f32 v17, v14;
	v17 =	vperm.xlane v17, v0;
	v25 =	vld [tilespmem:s13+$0x70]  }
0x3af: {  	v26 =	vld [tilespmem:s13+$0x470];
	v15 =	vadd.f32 v15, v19;
	v19 =	vadd.f32 v23, v22  }
0x3b0: {  	v14 =	vadd.f32 v14, v17;
	v17 =	vadd.f32 v24, v20;
	v20 =	vld [tilespmem:s11+$0x70]  }
0x3b1: {  	v22 =	vld [tilespmem:s11+$0x470];
	v15 =	vadd.f32 v19, v15;
	v19 =	vperm.xlane v19, v0  }
0x3b2: {  	v13 =	vadd.f32 v17, v13;
	v17 =	vperm.xlane v17, v0;
	v18 =	vadd.f32 v21, v18;
	v21 =	vld [tilespmem:s7+$0x70]  }
0x3b3: {  	v23 =	vld [tilespmem:s7+$0x470];
	v15 =	vadd.f32 v15, v19  }
0x3b4: {  	s19 =	sadd.s32 $0xD000, s1;
	v13 =	vadd.f32 v13, v17;
	v16 =	vadd.f32 v18, v16;
	v17 =	vperm.xlane v18, v0;
	v18 =	vld [tilespmem:s25+$0x60]  }
0x3b5: {  	s1 =	sadd.s32 $0xD400, s1;
	s23 =	sor.u32 s10, s19;
	s11 =	sor.u32 s2, s19;
	v19 =	vadd.f32 v26, v25;
	[tilespmem:s24+$0x40] =	vst v15;
	v15 =	vld [tilespmem:s28+$0x60]  }
0x3b6: {  	s18 =	sor.u32 s10, s1;
	s13 =	sor.u32 s2, s1;
	s7 =	sor.u32 s17, s19;
	v20 =	vadd.f32 v22, v20;
	v16 =	vadd.f32 v16, v17;
	v17 =	vld [tilespmem:s23+$0x0]  }
0x3b7: {  	s10 =	sor.u32 s17, s1;
	s1 =	sor.u32 s16, s1;
	s2 =	sor.u32 s16, s19;
	v14 =	vadd.f32 v19, v14;
	v19 =	vperm.xlane v19, v0;
	v22 =	vld [tilespmem:s18+$0x0]  }
0x3b8: {  	v13 =	vadd.f32 v20, v13;
	v20 =	vperm.xlane v20, v0;
	v21 =	vadd.f32 v23, v21;
	v23 =	vld [tilespmem:s26+$0x60]  }
0x3b9: {  	v14 =	vadd.f32 v14, v19;
	v19 =	vld [tilespmem:s31+$0x60]  }
0x3ba: {  	v13 =	vadd.f32 v13, v20;
	v16 =	vadd.f32 v21, v16;
	v20 =	vperm.xlane v21, v0;
	v21 =	vld [tilespmem:s23+$0x10]  }
0x3bb: {  	v15 =	vadd.f32 v15, v18;
	[tilespmem:s24+$0xFFFFFFA0] =	vst v14;
	v14 =	vld [tilespmem:s18+$0x10]  }
0x3bc: {  	v18 =	vld [tilespmem:s8+$0x0];
	[tilespmem:s24+$0xFFFFFFD0] =	vst v13;
	v13 =	vadd.f32 v16, v20;
	v16 =	vadd.f32 v22, v17  }
0x3bd: {  	v12 =	vadd.f32 v15, v12;
	v15 =	vperm.xlane v15, v0;
	v17 =	vld [tilespmem:s3+$0x0]  }
0x3be: {  	[tilespmem:s24+$0x0] =	vst v13;
	v13 =	vperm.xlane v16, v0;
	v20 =	vld [tilespmem:s23+$0x20];
	v19 =	vadd.f32 v19, v23  }
0x3bf: {  	v12 =	vadd.f32 v12, v15;
	v22 =	vld [tilespmem:s18+$0x20]  }
0x3c0: {  	v15 =	vld [tilespmem:s9+$0x0];
	v13 =	vadd.f32 v13, v16;
	v14 =	vadd.f32 v14, v21;
	v16 =	vperm.xlane v19, v0  }
0x3c1: {  	v11 =	vadd.f32 v19, v11;
	v21 =	vld [tilespmem:s15+$0x0]  }
0x3c2: {  	v17 =	vadd.f32 v17, v18;
	v13 =	vadd.f32 v14, v13;
	v14 =	vperm.xlane v14, v0;
	v18 =	vld [tilespmem:s23+$0x30]  }
0x3c3: {  	v11 =	vadd.f32 v11, v16;
	v19 =	vld [tilespmem:s18+$0x30]  }
0x3c4: {  	v16 =	vperm.xlane v17, v0;
	v23 =	vld [tilespmem:s6+$0x0];
	v13 =	vadd.f32 v13, v14;
	v14 =	vadd.f32 v22, v20  }
0x3c5: {  	v20 =	vld [tilespmem:s5+$0x0]  }
0x3c6: {  	v15 =	vadd.f32 v21, v15;
	v13 =	vadd.f32 v14, v13;
	v14 =	vperm.xlane v14, v0;
	v21 =	vld [tilespmem:s23+$0x40]  }
0x3c7: {  	v16 =	vadd.f32 v16, v17;
	v17 =	vld [tilespmem:s18+$0x40]  }
0x3c8: {  	v22 =	vld [tilespmem:s8+$0x10];
	v24 =	vperm.xlane v15, v0;
	v13 =	vadd.f32 v13, v14;
	v14 =	vadd.f32 v19, v18  }
0x3c9: {  	v18 =	vld [tilespmem:s3+$0x10]  }
0x3ca: {  	v19 =	vadd.f32 v20, v23;
	v13 =	vadd.f32 v14, v13;
	v14 =	vperm.xlane v14, v0;
	v20 =	vld [tilespmem:s23+$0x50]  }
0x3cb: {  	v15 =	vadd.f32 v24, v15;
	v23 =	vld [tilespmem:s18+$0x50]  }
0x3cc: {  	v24 =	vld [tilespmem:s9+$0x10];
	v25 =	vperm.xlane v19, v0;
	v13 =	vadd.f32 v13, v14;
	v14 =	vadd.f32 v17, v21  }
0x3cd: {  	v17 =	vld [tilespmem:s15+$0x10]  }
0x3ce: {  	v19 =	vadd.f32 v25, v19;
	v13 =	vadd.f32 v14, v13;
	v14 =	vperm.xlane v14, v0;
	v21 =	vld [tilespmem:s23+$0x60]  }
0x3cf: {  	v18 =	vadd.f32 v18, v22;
	v22 =	vld [tilespmem:s18+$0x60]  }
0x3d0: {  	v25 =	vld [tilespmem:s6+$0x10];
	v13 =	vadd.f32 v13, v14;
	v14 =	vadd.f32 v23, v20  }
0x3d1: {  	v16 =	vadd.f32 v18, v16;
	v18 =	vperm.xlane v18, v0;
	v20 =	vld [tilespmem:s5+$0x10]  }
0x3d2: {  	v17 =	vadd.f32 v17, v24;
	v13 =	vadd.f32 v14, v13;
	v14 =	vperm.xlane v14, v0;
	v23 =	vld [tilespmem:s23+$0x70]  }
0x3d3: {  	v16 =	vadd.f32 v16, v18;
	v18 =	vld [tilespmem:s18+$0x70]  }
0x3d4: {  	v24 =	vld [tilespmem:s8+$0x20];
	v26 =	vperm.xlane v17, v0;
	v13 =	vadd.f32 v13, v14;
	v14 =	vadd.f32 v22, v21  }
0x3d5: {  	v15 =	vadd.f32 v17, v15;
	v21 =	vld [tilespmem:s3+$0x20]  }
0x3d6: {  	v17 =	vld [tilespmem:s9+$0x20];
	v20 =	vadd.f32 v20, v25;
	v13 =	vadd.f32 v14, v13;
	v14 =	vperm.xlane v14, v0  }
0x3d7: {  	v15 =	vadd.f32 v15, v26;
	v22 =	vld [tilespmem:s15+$0x20]  }
0x3d8: {  	v25 =	vperm.xlane v20, v0;
	v26 =	vld [tilespmem:s6+$0x20];
	v13 =	vadd.f32 v13, v14;
	v14 =	vadd.f32 v18, v23  }
0x3d9: {  	v18 =	vadd.f32 v20, v19;
	v19 =	vld [tilespmem:s5+$0x20]  }
0x3da: {  	v20 =	vadd.f32 v21, v24;
	v21 =	vld [tilespmem:s8+$0x30];
	v13 =	vadd.f32 v14, v13;
	v14 =	vperm.xlane v14, v0  }
0x3db: {  	v18 =	vadd.f32 v18, v25;
	v23 =	vld [tilespmem:s3+$0x30]  }
0x3dc: {  	v24 =	vperm.xlane v20, v0;
	v17 =	vadd.f32 v22, v17;
	v22 =	vld [tilespmem:s9+$0x30];
	v13 =	vadd.f32 v13, v14  }
0x3dd: {  	v14 =	vadd.f32 v20, v16;
	v16 =	vld [tilespmem:s15+$0x30]  }
0x3de: {  	v15 =	vadd.f32 v17, v15;
	v17 =	vperm.xlane v17, v0;
	v19 =	vadd.f32 v19, v26;
	v20 =	vld [tilespmem:s6+$0x30];
	[tilespmem:s24+$0x50] =	vst v13  }
0x3df: {  	v13 =	vadd.f32 v14, v24;
	v14 =	vld [tilespmem:s5+$0x30]  }
0x3e0: {  	v24 =	vld [tilespmem:s8+$0x40];
	v15 =	vadd.f32 v15, v17;
	v17 =	vadd.f32 v19, v18;
	v18 =	vperm.xlane v19, v0  }
0x3e1: {  	v19 =	vadd.f32 v23, v21;
	v21 =	vld [tilespmem:s3+$0x40]  }
0x3e2: {  	v16 =	vadd.f32 v16, v22;
	v22 =	vld [tilespmem:s9+$0x40];
	v17 =	vadd.f32 v17, v18  }
0x3e3: {  	v13 =	vadd.f32 v19, v13;
	v18 =	vperm.xlane v19, v0;
	v19 =	vld [tilespmem:s15+$0x40]  }
0x3e4: {  	v15 =	vadd.f32 v16, v15;
	v16 =	vperm.xlane v16, v0;
	v14 =	vadd.f32 v14, v20;
	v20 =	vld [tilespmem:s6+$0x40]  }
0x3e5: {  	v13 =	vadd.f32 v13, v18;
	v18 =	vld [tilespmem:s5+$0x40]  }
0x3e6: {  	v23 =	vld [tilespmem:s8+$0x50];
	v15 =	vadd.f32 v15, v16;
	v16 =	vadd.f32 v14, v17;
	v14 =	vperm.xlane v14, v0  }
0x3e7: {  	v17 =	vadd.f32 v21, v24;
	v21 =	vld [tilespmem:s3+$0x50]  }
0x3e8: {  	v19 =	vadd.f32 v19, v22;
	v22 =	vld [tilespmem:s9+$0x50];
	v14 =	vadd.f32 v16, v14  }
0x3e9: {  	v13 =	vadd.f32 v17, v13;
	v16 =	vperm.xlane v17, v0;
	v17 =	vld [tilespmem:s15+$0x50]  }
0x3ea: {  	v15 =	vadd.f32 v19, v15;
	v19 =	vperm.xlane v19, v0;
	v18 =	vadd.f32 v18, v20;
	v20 =	vld [tilespmem:s6+$0x50]  }
0x3eb: {  	v13 =	vadd.f32 v13, v16;
	v16 =	vld [tilespmem:s5+$0x50]  }
0x3ec: {  	v24 =	vld [tilespmem:s8+$0x60];
	v15 =	vadd.f32 v15, v19;
	v14 =	vadd.f32 v18, v14;
	v18 =	vperm.xlane v18, v0  }
0x3ed: {  	v19 =	vadd.f32 v21, v23;
	v21 =	vld [tilespmem:s3+$0x60]  }
0x3ee: {  	v17 =	vadd.f32 v17, v22;
	v22 =	vld [tilespmem:s9+$0x60];
	v14 =	vadd.f32 v14, v18  }
0x3ef: {  	v13 =	vadd.f32 v19, v13;
	v18 =	vperm.xlane v19, v0;
	v19 =	vld [tilespmem:s15+$0x60]  }
0x3f0: {  	v15 =	vadd.f32 v17, v15;
	v17 =	vperm.xlane v17, v0;
	v16 =	vadd.f32 v16, v20;
	v20 =	vld [tilespmem:s6+$0x60]  }
0x3f1: {  	v13 =	vadd.f32 v13, v18;
	v18 =	vld [tilespmem:s5+$0x60]  }
0x3f2: {  	v23 =	vld [tilespmem:s8+$0x70];
	v15 =	vadd.f32 v15, v17;
	v14 =	vadd.f32 v16, v14;
	v16 =	vperm.xlane v16, v0  }
0x3f3: {  	v17 =	vadd.f32 v21, v24;
	v21 =	vld [tilespmem:s3+$0x70]  }
0x3f4: {  	v19 =	vadd.f32 v19, v22;
	v22 =	vld [tilespmem:s9+$0x70];
	v14 =	vadd.f32 v14, v16  }
0x3f5: {  	v13 =	vadd.f32 v17, v13;
	v16 =	vperm.xlane v17, v0;
	v17 =	vld [tilespmem:s15+$0x70]  }
0x3f6: {  	v15 =	vadd.f32 v19, v15;
	v19 =	vperm.xlane v19, v0;
	v18 =	vadd.f32 v18, v20;
	v20 =	vld [tilespmem:s6+$0x70]  }
0x3f7: {  	v13 =	vadd.f32 v13, v16;
	v16 =	vld [tilespmem:s5+$0x70]  }
0x3f8: {  	v15 =	vadd.f32 v15, v19;
	v14 =	vadd.f32 v18, v14;
	v18 =	vperm.xlane v18, v0;
	v19 =	vld [tilespmem:s29+$0x60]  }
0x3f9: {  	v21 =	vadd.f32 v21, v23;
	v23 =	vld [tilespmem:s30+$0x60]  }
0x3fa: {  	v17 =	vadd.f32 v17, v22;
	v14 =	vadd.f32 v14, v18;
	v18 =	vld [tilespmem:s25+$0x70];
	s25 =	smov.u32 s11  }
0x3fb: {  	v13 =	vadd.f32 v21, v13;
	v21 =	vperm.xlane v21, v0;
	v22 =	vld [tilespmem:s28+$0x70];
	s28 =	smov.u32 s13  }
0x3fc: {  	v15 =	vadd.f32 v17, v15;
	v17 =	vperm.xlane v17, v0;
	v16 =	vadd.f32 v16, v20;
	v20 =	vld [tilespmem:s26+$0x70];
	s26 =	smov.u32 s7  }
0x3fd: {  	v13 =	vadd.f32 v13, v21;
	v21 =	vld [tilespmem:s31+$0x70];
	s31 =	smov.u32 s10  }
0x3fe: {  	v15 =	vadd.f32 v15, v17;
	v14 =	vadd.f32 v16, v14;
	v16 =	vperm.xlane v16, v0;
	v17 =	vld [tilespmem:s29+$0x70];
	s29 =	smov.u32 s2  }
0x3ff: {  	[tilespmem:s24+$0xFFFFFFB0] =	vst v13;
	v13 =	vadd.f32 v23, v19;
	v19 =	vld [tilespmem:s30+$0x70];
	s30 =	smov.u32 s1  }
0x400: {  	v23 =	vld [tilespmem:s25+$0x0];
	[tilespmem:s24+$0xFFFFFFE0] =	vst v15;
	v14 =	vadd.f32 v14, v16;
	v15 =	vadd.f32 v22, v18  }
0x401: {  	v16 =	vld [tilespmem:s28+$0x0];
	v10 =	vadd.f32 v13, v10;
	v13 =	vperm.xlane v13, v0  }
0x402: {  	v18 =	vld [tilespmem:s26+$0x0];
	[tilespmem:s24+$0x10] =	vst v14;
	v12 =	vadd.f32 v15, v12;
	v14 =	vperm.xlane v15, v0;
	v15 =	vadd.f32 v21, v20  }
0x403: {  	v20 =	vld [tilespmem:s31+$0x0];
	v10 =	vadd.f32 v10, v13  }
0x404: {  	v13 =	vld [tilespmem:s29+$0x0];
	v11 =	vadd.f32 v15, v11;
	v15 =	vperm.xlane v15, v0;
	v17 =	vadd.f32 v19, v17  }
0x405: {  	v12 =	vadd.f32 v12, v14;
	v19 =	vld [tilespmem:s30+$0x0]  }
0x406: {  	v14 =	vadd.f32 v16, v23;
	v16 =	vld [tilespmem:s25+$0x10];
	v10 =	vadd.f32 v17, v10;
	v17 =	vperm.xlane v17, v0  }
0x407: {  	v11 =	vadd.f32 v11, v15;
	v21 =	vld [tilespmem:s28+$0x10];
	[tilespmem:s0+$0xFFFFFFC0] =	vst v12  }
0x408: {  	v12 =	vperm.xlane v14, v0;
	v15 =	vadd.f32 v20, v18;
	v18 =	vld [tilespmem:s26+$0x10];
	v10 =	vadd.f32 v10, v17  }
0x409: {  	v17 =	vld [tilespmem:s31+$0x10];
	[tilespmem:s0+$0xFFFFFFF0] =	vst v11  }
0x40a: {  	v11 =	vadd.f32 v12, v14;
	v12 =	vperm.xlane v15, v0;
	v13 =	vadd.f32 v19, v13;
	v14 =	vld [tilespmem:s29+$0x10];
	[tilespmem:s0+$0x20] =	vst v10;
	s0 =	smov.u32 s24  }
0x40b: {  	v10 =	vld [tilespmem:s30+$0x10]  }
0x40c: {  	v16 =	vadd.f32 v21, v16;
	v19 =	vld [tilespmem:s25+$0x20];
	v12 =	vadd.f32 v12, v15;
	v15 =	vperm.xlane v13, v0  }
0x40d: {  	v20 =	vld [tilespmem:s28+$0x20]  }
0x40e: {  	v21 =	vperm.xlane v16, v0;
	v17 =	vadd.f32 v17, v18;
	v18 =	vld [tilespmem:s26+$0x20];
	v13 =	vadd.f32 v15, v13  }
0x40f: {  	v11 =	vadd.f32 v16, v11;
	v15 =	vld [tilespmem:s31+$0x20]  }
0x410: {  	v12 =	vadd.f32 v17, v12;
	v16 =	vperm.xlane v17, v0;
	v10 =	vadd.f32 v10, v14;
	v14 =	vld [tilespmem:s29+$0x20]  }
0x411: {  	v11 =	vadd.f32 v11, v21;
	v17 =	vld [tilespmem:s30+$0x20]  }
0x412: {  	v21 =	vld [tilespmem:s25+$0x30];
	v12 =	vadd.f32 v12, v16;
	v13 =	vadd.f32 v10, v13;
	v10 =	vperm.xlane v10, v0  }
0x413: {  	v16 =	vadd.f32 v20, v19;
	v19 =	vld [tilespmem:s28+$0x30]  }
0x414: {  	v15 =	vadd.f32 v15, v18;
	v18 =	vld [tilespmem:s26+$0x30];
	v13 =	vadd.f32 v13, v10  }
0x415: {  	v10 =	vadd.f32 v16, v11;
	v11 =	vperm.xlane v16, v0;
	v16 =	vld [tilespmem:s31+$0x30]  }
0x416: {  	v12 =	vadd.f32 v15, v12;
	v15 =	vperm.xlane v15, v0;
	v14 =	vadd.f32 v17, v14;
	v20 =	vld [tilespmem:s29+$0x30]  }
0x417: {  	v11 =	vadd.f32 v10, v11;
	v22 =	vld [tilespmem:s30+$0x30]  }
.Ltmp2:
0x418: {  	v10 =	vld [tilespmem:s25+$0x40];
	v23 =	vadd.f32 v12, v15;
	v15 =	vadd.f32 v14, v13;
	v14 =	vperm.xlane v14, v0;
	(pc) =	sbr.rel @p0 .LBB2_7-.Ltmp2, $4  }
0x419: {  	v19 =	vadd.f32 v19, v21;
	v13 =	vld [tilespmem:s28+$0x40]  }
0x41a: {  	v18 =	vadd.f32 v16, v18;
	v12 =	vld [tilespmem:s26+$0x40];
	v15 =	vadd.f32 v15, v14  }
0x41b: {  	v17 =	vadd.f32 v19, v11;
	v19 =	vperm.xlane v19, v0;
	v14 =	vld [tilespmem:s31+$0x40]  }
0x41c: {  	v16 =	vadd.f32 v18, v23;
	v18 =	vperm.xlane v18, v0;
	v20 =	vadd.f32 v22, v20;
	v11 =	vld [tilespmem:s29+$0x40]  }
0x41d: {  	v21 =	vld [tilespmem:s30+$0x40]  }
0x41e: {  	v22 =	vld [tilespmem:s25+$0x50]  }
0x41f: {  	v23 =	vld [tilespmem:s28+$0x50]  }
0x420: {  	v24 =	vld [tilespmem:s26+$0x50]  }
0x421: {  	v25 =	vld [tilespmem:s31+$0x50];
	v17 =	vadd.f32 v17, v19  }
0x422: {  	v19 =	vld [tilespmem:s29+$0x50];
	v15 =	vadd.f32 v20, v15;
	v10 =	vadd.f32 v13, v10  }
0x423: {  	v20 =	vperm.xlane v20, v0;
	v13 =	vld [tilespmem:s30+$0x50];
	v16 =	vadd.f32 v16, v18;
	v12 =	vadd.f32 v14, v12  }
0x424: {  	v18 =	vld [tilespmem:s28+$0x60];
	v17 =	vadd.f32 v10, v17;
	v10 =	vperm.xlane v10, v0  }
0x425: {  	v14 =	vld [tilespmem:s25+$0x60];
	v15 =	vadd.f32 v15, v20;
	v16 =	vadd.f32 v12, v16  }
0x426: {  	v20 =	vld [tilespmem:s26+$0x60];
	v11 =	vadd.f32 v21, v11;
	v10 =	vadd.f32 v17, v10  }
0x427: {  	v12 =	vperm.xlane v12, v0;
	v17 =	vadd.f32 v23, v22;
	v21 =	vld [tilespmem:s31+$0x60];
	v22 =	vadd.f32 v25, v24  }
0x428: {  	v23 =	vld [tilespmem:s30+$0x60];
	v13 =	vadd.f32 v13, v19;
	v15 =	vadd.f32 v11, v15;
	v11 =	vperm.xlane v11, v0  }
0x429: {  	v12 =	vadd.f32 v16, v12;
	v16 =	vld [tilespmem:s29+$0x60];
	v10 =	vadd.f32 v17, v10  }
0x42a: {  	v17 =	vperm.xlane v17, v0;
	v14 =	vadd.f32 v18, v14;
	v18 =	vld [tilespmem:s26+$0x70];
	v11 =	vadd.f32 v15, v11  }
0x42b: {  	v19 =	vperm.xlane v22, v0;
	v15 =	vld [tilespmem:s25+$0x70];
	v12 =	vadd.f32 v22, v12  }
0x42c: {  	v10 =	vadd.f32 v10, v17;
	v17 =	vld [tilespmem:s28+$0x70];
	v11 =	vadd.f32 v13, v11  }
0x42d: {  	v13 =	vperm.xlane v13, v0;
	v12 =	vadd.f32 v12, v19;
	v19 =	vadd.f32 v21, v20;
	v20 =	vld [tilespmem:s31+$0x70]  }
0x42e: {  	v10 =	vadd.f32 v14, v10;
	v14 =	vperm.xlane v14, v0;
	v21 =	vld [tilespmem:s29+$0x70]  }
0x42f: {  	v11 =	vadd.f32 v11, v13;
	v13 =	vperm.xlane v19, v0;
	v12 =	vadd.f32 v19, v12;
	v19 =	vld [tilespmem:s30+$0x70]  }
0x430: {  	v10 =	vadd.f32 v10, v14;
	v14 =	vadd.f32 v23, v16  }
0x431: {  	v12 =	vadd.f32 v12, v13;
	v13 =	vadd.f32 v17, v15  }
0x432: {  	v43 =	vld [tilespmem:$0x1FCB0];
	v11 =	vadd.f32 v14, v11;
	v14 =	vperm.xlane v14, v0  }
0x433: {  	v55 =	vld [tilespmem:$0x1FC30];
	v16 =	vadd.f32 v20, v18;
	v10 =	vadd.f32 v13, v10;
	v13 =	vperm.xlane v13, v0  }
0x434: {  	v47 =	vld [tilespmem:$0x1FC90];
	v11 =	vadd.f32 v11, v14;
	v14 =	vadd.f32 v19, v21  }
0x435: {  	v35 =	vld [tilespmem:$0x1FD10];
	v12 =	vadd.f32 v16, v12;
	v16 =	vperm.xlane v16, v0;
	v10 =	vadd.f32 v10, v13  }
0x436: {  	v1 =	vld [tilespmem:$0x1FBF0]  }
0x437: {  	v39 =	vld [tilespmem:$0x1FCE0];
	v11 =	vadd.f32 v14, v11;
	v14 =	vperm.xlane v14, v0;
	v12 =	vadd.f32 v12, v16;
	[tilespmem:s0+$0xFFFFFFC0] =	vst v10  }
0x438: {  	v45 =	vld [tilespmem:$0x1FCA0]  }
0x439: {  	v11 =	vadd.f32 v11, v14;
	v37 =	vld [tilespmem:$0x1FCF0];
	[tilespmem:s0+$0xFFFFFFF0] =	vst v12  }
0x43a: {  	s1 =	simm.s32 $0x0;
	v58 =	vld [tilespmem:$0x1FC10]  }
0x43b: {  	v15 =	vmov s1;
	v41 =	vld [tilespmem:$0x1FCC0];
	[tilespmem:s0+$0x20] =	vst v11  }
0x43c: {  	v15 =	vmul.u32 $0x30, v15;
	v36 =	vld [tilespmem:$0x1FD00]  }
0x43d: {  	v50 =	vld [tilespmem:$0x1FC60]  }
0x43e: {  	v15 =	vbroadcast v15, $0x0;
	v40 =	vld [tilespmem:$0x1FCD0]  }
0x43f: {  	v62 =	vld [tilespmem:$0x1FBE0]  }
0x440: {  	v17 =	vadd.s32 v1, v15;
	v1 =	vld [tilespmem:$0x1FBA0]  }
0x441: {  	v38 =	vld [tilespmem:$0x1FDE0]  }
0x442: {  	v34 =	vld [tilespmem:$0x1FFF0]  }
0x443: {  	v42 =	vld [tilespmem:$0x1FDF0]  }
0x444: {  	v53 =	vld [tilespmem:$0x1FC40]  }
0x445: {  	v46 =	vld [tilespmem:$0x1FE00]  }
0x446: {  	v5 =	vld [tilespmem:$0x1FB80]  }
0x447: {  	v49 =	vld [tilespmem:$0x1FC70]  }
0x448: {  	v57 =	vld [tilespmem:$0x1FC20]  }
0x449: {  	v48 =	vld [tilespmem:$0x1FC80]  }
0x44a: {  	v56 =	vld [tilespmem:$0x1FE10]  }
0x44b: {  	v4 =	vld [tilespmem:$0x1FE20]  }
0x44c: {  	v52 =	vld [tilespmem:$0x1FC50]  }
0x44d: {  	v3 =	vld [tilespmem:$0x1FE30]  }
0x44e: {  	v59 =	vld [tilespmem:$0x1FE40]  }
0x44f: {  	v2 =	vld [tilespmem:$0x1FB70]  }
0x450: {  	v19 =	vadd.s32 v1, v15;
	v1 =	vld [tilespmem:$0x1FBC0]  }
0x451: {  	v60 =	vld [tilespmem:$0x1FC00]  }
0x452: {  	v61 =	vld [tilespmem:$0x1FD30]  }
0x453: {  	v7 =	vld [tilespmem:$0x1FE60]  }
0x454: {  	v9 =	vld [tilespmem:$0x1FD40]  }
0x455: {  	v13 =	vadd.s32 v43, v15;
	v21 =	vadd.s32 v1, v15;
	v1 =	vld [tilespmem:$0x1FBD0]  }
0x456: {  	v13 =	vand.u32 $0xFFFFFF80, v13;
	v14 =	vadd.s32 v55, v15;
	v54 =	vld [tilespmem:$0x1FD50]  }
0x457: {  	v16 =	vadd.s32 v47, v15;
	v13 =	vor.u32 v35, v13;
	v14 =	vand.u32 $0xFFFFFF80, v14;
	v63 =	vld [tilespmem:$0x1FD80]  }
0x458: {  	v16 =	vand.u32 $0xFFFFFF80, v16;
	v14 =	vor.u32 v39, v14;
	v51 =	vld [tilespmem:$0x1FD60]  }
0x459: {  	v44 =	vld [tilespmem:$0x1FD70];
	v16 =	vor.u32 v37, v16  }
0x45a: {  	v23 =	vadd.s32 v1, v15;
	v1 =	vld [tilespmem:$0x1FB90]  }
0x45b: {  	v17 =	vand.u32 $0xFFFFFF80, v17;
	v6 =	vld [tilespmem:$0x1FD90];
	v10 =	vadd.s32 v45, v15  }
0x45c: {  	v13 =	vld.idx.msk [tilespmem:v13+s12+$0x0], $0xffff;
	v12 =	vadd.s32 v58, v15;
	v10 =	vand.u32 $0xFFFFFF80, v10;
	v17 =	vor.u32 v41, v17  }
0x45d: {  	v12 =	vand.u32 $0xFFFFFF80, v12;
	v14 =	vld.idx.msk [tilespmem:v14+s12+$0x0], $0xffff;
	v10 =	vor.u32 v36, v10;
	v11 =	vadd.s32 v50, v15  }
0x45e: {  	v12 =	vor.u32 v40, v12;
	v18 =	vadd.s32 v62, v15;
	v32 =	vadd.s32 v63, v15;
	v16 =	vld.idx.msk [tilespmem:v16+s12+$0x0], $0xffff  }
0x45f: {  	v11 =	vand.u32 $0xFFFFFF80, v11;
	v32 =	vand.u32 $0xFFFFFF80, v32;
	v24 =	vadd.s32 v1, v15;
	v1 =	vld [tilespmem:$0x1FBB0]  }
0x460: {  	v18 =	vand.u32 $0xFFFFFF80, v18;
	v11 =	vor.u32 v38, v11;
	v32 =	vor.u32 v6, v32;
	v6 =	vld [tilespmem:$0x1FDA0]  }
0x461: {  	v20 =	vadd.s32 v34, v15;
	v19 =	vand.u32 $0xFFFFFF80, v19;
	v18 =	vor.u32 v42, v18;
	v17 =	vld.idx.msk [tilespmem:v17+s12+$0x0], $0xffff  }
0x462: {  	v20 =	vand.u32 $0xFFFFFF80, v20;
	v19 =	vor.u32 v53, v19;
	v10 =	vld.idx.msk [tilespmem:v10+s12+$0x0], $0xffff  }
0x463: {  	v22 =	vadd.s32 v5, v15;
	v20 =	vor.u32 v46, v20;
	v12 =	vld.idx.msk [tilespmem:v12+s12+$0x0], $0xffff  }
0x464: {  	v26 =	vadd.s32 v4, v15;
	v22 =	vand.u32 $0xFFFFFF80, v22;
	v25 =	vadd.s32 v1, v15;
	v1 =	vld [tilespmem:$0x1FE50]  }
0x465: {  	v27 =	vadd.s32 v3, v15;
	v26 =	vand.u32 $0xFFFFFF80, v26;
	v22 =	vor.u32 v57, v22;
	v11 =	vld.idx.msk [tilespmem:v11+s12+$0x0], $0xffff  }
0x466: {  	v28 =	vadd.s32 v2, v15;
	v27 =	vand.u32 $0xFFFFFF80, v27;
	v26 =	vor.u32 v59, v26;
	v18 =	vld.idx.msk [tilespmem:v18+s12+$0x0], $0xffff  }
0x467: {  	v33 =	vadd.s32 v8, v15;
	v28 =	vand.u32 $0xFFFFFF80, v28;
	v27 =	vor.u32 v60, v27;
	v19 =	vld.idx.msk [tilespmem:v19+s12+$0x0], $0xffff  }
0x468: {  	v30 =	vadd.s32 v7, v15;
	v31 =	vadd.s32 v9, v15;
	v28 =	vor.u32 v61, v28;
	v20 =	vld.idx.msk [tilespmem:v20+s12+$0x0], $0xffff  }
0x469: {  	v30 =	vand.u32 $0xFFFFFF80, v30;
	v29 =	vadd.s32 v1, v15;
	v15 =	vadd.s32 v6, v15;
	v6 =	vld [tilespmem:$0x1FDB0]  }
0x46a: {  	v31 =	vand.u32 $0xFFFFFF80, v31;
	v30 =	vor.u32 v51, v30;
	v22 =	vld.idx.msk [tilespmem:v22+s12+$0x0], $0xffff  }
0x46b: {  	v31 =	vor.u32 v44, v31;
	v26 =	vld.idx.msk [tilespmem:v26+s12+$0x0], $0xffff  }
0x46c: {  	v21 =	vand.u32 $0xFFFFFF80, v21;
	v27 =	vld.idx.msk [tilespmem:v27+s12+$0x0], $0xffff  }
0x46d: {  	v33 =	vand.u32 $0xFFFFFF80, v33;
	v21 =	vor.u32 v49, v21;
	v28 =	vld.idx.msk [tilespmem:v28+s12+$0x0], $0xffff;
	v23 =	vand.u32 $0xFFFFFF80, v23  }
0x46e: {  	v23 =	vor.u32 v48, v23;
	v24 =	vand.u32 $0xFFFFFF80, v24;
	v33 =	vor.u32 v6, v33;
	v6 =	vld [tilespmem:$0x1FD20]  }
0x46f: {  	v30 =	vld.idx.msk [tilespmem:v30+s12+$0x0], $0xffff;
	v24 =	vor.u32 v56, v24;
	v25 =	vand.u32 $0xFFFFFF80, v25  }
0x470: {  	v31 =	vld.idx.msk [tilespmem:v31+s12+$0x0], $0xffff;
	v25 =	vor.u32 v52, v25;
	v29 =	vand.u32 $0xFFFFFF80, v29  }
0x471: {  	v32 =	vld.idx.msk [tilespmem:v32+s12+$0x0], $0xffff;
	v29 =	vor.u32 v54, v29  }
0x472: {  	v21 =	vld.idx.msk [tilespmem:v21+s12+$0x0], $0xffff;
	v15 =	vand.u32 $0xFFFFFF80, v15  }
0x473: {  	v23 =	vld.idx.msk [tilespmem:v23+s12+$0x0], $0xffff;
	v15 =	vor.u32 v6, v15  }
0x474: {  	v24 =	vld.idx.msk [tilespmem:v24+s12+$0x0], $0xffff  }
0x475: {  	v25 =	vld.idx.msk [tilespmem:v25+s12+$0x0], $0xffff  }
0x476: {  	v29 =	vld.idx.msk [tilespmem:v29+s12+$0x0], $0xffff  }
0x477: {  	v33 =	vld.idx.msk [tilespmem:v33+s12+$0x0], $0xffff  }
0x478: {  	v13 =	vadd.f32 v14, v13;
	v14 =	vadd.f32 v17, v16;
	v15 =	vld.idx.msk [tilespmem:v15+s12+$0x0], $0xffff  }
0x479: {  	v10 =	vadd.f32 v12, v10;
	v11 =	vadd.f32 v18, v11  }
0x47a: {  	v12 =	vadd.f32 v19, v20;
	v19 =	vadd.f32 v28, v27  }
0x47b: {  	v16 =	vadd.f32 v22, v21;
	v21 =	vadd.f32 v32, v31  }
0x47c: {  	v17 =	vadd.f32 v24, v23;
	v18 =	vadd.f32 v26, v25  }
0x47d: {  	v20 =	vadd.f32 v30, v29;
	v15 =	vadd.f32 v15, v33  }
0x47e: {  	v12 =	vadd.f32 v16, v12;
	v16 =	vadd.f32 v18, v17  }
0x47f: {  	v17 =	vadd.f32 v20, v19;
	v15 =	vadd.f32 v15, v21  }
0x480: {  	v13 =	vadd.f32 v14, v13;
	v10 =	vadd.f32 v11, v10  }
0x481: {  	s31 =	simm.s32 $0x10;
	v11 =	vadd.f32 v16, v12;
	v12 =	vadd.f32 v15, v17  }
0x482: {  	v14 =	vmov s31  }
0x483: {  	v10 =	vadd.f32 v10, v13;
	v11 =	vadd.f32 v12, v11;
	v12 =	vmul.u32 $0x30, v14  }
0x484: {  	v30 =	vmov v1;
	v1 =	vld [tilespmem:$0x1FBF0]  }
0x485: {  	v23 =	vmov v5;
	v5 =	vld [tilespmem:$0x1FBA0];
	v11 =	vadd.f32 v10, v11;
	v10 =	vbroadcast v12, $0x0;
	_ =	sdelay $0x1  }
0x486: {  	v11 =	vand.u32 $0x7FFFFFFF, v11;
	v12 =	vadd.s32 v43, v10  }
0x487: {  	v13 =	vadd.s32 v45, v10;
	v14 =	vadd.s32 v47, v10;
	v15 =	vadd.s32 v55, v10  }
0x488: {  	v16 =	vadd.s32 v58, v10;
	v17 =	vadd.s32 v1, v10;
	v11 =	vmul.f32 $1.000000000e+03, v11  }
0x489: {  	v19 =	vadd.s32 v5, v10;
	v21 =	vadd.s32 v34, v10;
	v12 =	vand.u32 $0xFFFFFF80, v12  }
0x48a: {  	v15 =	vand.u32 $0xFFFFFF80, v15;
	v14 =	vand.u32 $0xFFFFFF80, v14;
	v11 =	vtrunc.f32 v11  }
0x48b: {  	v17 =	vand.u32 $0xFFFFFF80, v17;
	v12 =	vor.u32 v35, v12;
	v11 =	vcvt.f32.s32 v11  }
0x48c: {  	v28 =	vmovc v4;
	v4 =	vmovc v9;
	v13 =	vand.u32 $0xFFFFFF80, v13;
	v16 =	vand.u32 $0xFFFFFF80, v16;
	v19 =	vand.u32 $0xFFFFFF80, v19  }
0x48d: {  	s4 =	rddreg [dreg:$0xc];
	v31 =	vmovc v2;
	v29 =	vmovc v3;
	v15 =	vor.u32 v39, v15;
	v18 =	vand.u32 $0x3F, v11;
	v11 =	vadd.s32 $0x1, v11  }
0x48e: {  	s3 =	rddreg [dreg:$0xb];
	v34 =	vmovc v35;
	v14 =	vor.u32 v37, v14;
	v17 =	vor.u32 v41, v17;
	v11 =	vand.u32 $0x3F, v11;
	[tilespmem:s4+$0x0] =	vst v18  }
0x48f: {  	v16 =	vor.u32 v40, v16;
	v18 =	vor.u32 v36, v13;
	v13 =	vadd.s32 v50, v10;
	[tilespmem:s3+$0x0] =	vst v11  }
0x490: {  	v35 =	vmovc v36;
	v36 =	vmovc v37;
	v37 =	vmov v38;
	v11 =	vld.idx.msk [tilespmem:v12+s12+$0x0], $0xffff;
	v12 =	vand.u32 $0xFFFFFF80, v13;
	v13 =	vadd.s32 v62, v10  }
0x491: {  	v9 =	vld [tilespmem:$0x1FB90];
	v20 =	vor.u32 v38, v12;
	v38 =	vmovc v39;
	v39 =	vmovc v40;
	v40 =	vmov v41;
	v41 =	vmov v42  }
0x492: {  	v2 =	vld [tilespmem:$0x1FBC0];
	v42 =	vmovc v43;
	v43 =	vmovc v44;
	v44 =	vmov v45;
	v45 =	vmov v46;
	v46 =	vmov v47  }
0x493: {  	v3 =	vld [tilespmem:$0x1FBB0];
	v47 =	vmovc v48;
	v48 =	vmovc v49;
	v49 =	vmov v50;
	v50 =	vmov v51;
	v51 =	vmov v52  }
0x494: {  	v16 =	vld.idx.msk [tilespmem:v16+s12+$0x0], $0xffff;
	v52 =	vmovc v53;
	v53 =	vmovc v54;
	v54 =	vmov v55;
	v55 =	vmov v56;
	v56 =	vmov v57  }
0x495: {  	v57 =	vmovc v58;
	v58 =	vmovc v59;
	v59 =	vmov v60;
	v60 =	vmov v61;
	v61 =	vmov v1;
	v1 =	vld [tilespmem:$0x1FBD0]  }
0x496: {  	v12 =	vld.idx.msk [tilespmem:v15+s12+$0x0], $0xffff;
	v15 =	vand.u32 $0xFFFFFF80, v13;
	v19 =	vor.u32 v52, v19  }
0x497: {  	v13 =	vld.idx.msk [tilespmem:v14+s12+$0x0], $0xffff;
	v22 =	vor.u32 v41, v15;
	v15 =	vand.u32 $0xFFFFFF80, v21;
	v21 =	vadd.s32 v2, v10  }
0x498: {  	v14 =	vld.idx.msk [tilespmem:v17+s12+$0x0], $0xffff;
	v24 =	vor.u32 v45, v15;
	v17 =	vand.u32 $0xFFFFFF80, v21;
	v21 =	vadd.s32 v23, v10  }
0x499: {  	v15 =	vld.idx.msk [tilespmem:v18+s12+$0x0], $0xffff;
	v25 =	vor.u32 v48, v17;
	v17 =	vand.u32 $0xFFFFFF80, v21;
	v21 =	vadd.s32 v9, v10  }
0x49a: {  	v26 =	vor.u32 v56, v17;
	v21 =	vand.u32 $0xFFFFFF80, v21;
	v18 =	vadd.s32 v1, v10;
	v17 =	vld.idx.msk [tilespmem:v20+s12+$0x0], $0xffff  }
0x49b: {  	v20 =	vadd.s32 v3, v10;
	v27 =	vor.u32 v55, v21;
	v18 =	vand.u32 $0xFFFFFF80, v18;
	v19 =	vld.idx.msk [tilespmem:v19+s12+$0x0], $0xffff  }
0x49c: {  	v21 =	vadd.s32 v28, v10;
	v28 =	vadd.s32 v29, v10;
	v23 =	vor.u32 v47, v18;
	v18 =	vld.idx.msk [tilespmem:v22+s12+$0x0], $0xffff  }
0x49d: {  	v29 =	vadd.s32 v31, v10;
	v28 =	vand.u32 $0xFFFFFF80, v28;
	v22 =	vand.u32 $0xFFFFFF80, v20;
	v20 =	vld.idx.msk [tilespmem:v24+s12+$0x0], $0xffff  }
0x49e: {  	v29 =	vand.u32 $0xFFFFFF80, v29;
	v24 =	vor.u32 v51, v22;
	v22 =	vand.u32 $0xFFFFFF80, v21;
	v21 =	vld.idx.msk [tilespmem:v25+s12+$0x0], $0xffff  }
0x49f: {  	s2 =	simm.s32 $0x20;
	s1 =	smov.u32 s4;
	s0 =	smov.u32 s3;
	v25 =	vor.u32 v58, v22;
	v22 =	vld.idx.msk [tilespmem:v26+s12+$0x0], $0xffff;
	v26 =	vor.u32 v59, v28;
	v28 =	vadd.s32 v30, v10  }
.LBB2_9:
0x4a0: {  	v6 =	vld [tilespmem:$0x1FD90];
	_ =	sdelay $0x2  }
0x4a1: {  	v32 =	vadd.s32 v63, v10  }
0x4a2: {  	v32 =	vand.u32 $0xFFFFFF80, v32  }
0x4a3: {  	v32 =	vor.u32 v6, v32;
	v6 =	vld [tilespmem:$0x1FDA0];
	_ =	sdelay $0x3  }
0x4a4: {  	v30 =	vadd.s32 v7, v10  }
0x4a5: {  	v31 =	vadd.s32 v4, v10;
	v33 =	vadd.s32 v8, v10;
	v10 =	vadd.s32 v6, v10;
	v6 =	vld [tilespmem:$0x1FDB0];
	_ =	sdelay $0x2  }
0x4a6: {  	v23 =	vld.idx.msk [tilespmem:v23+s12+$0x0], $0xffff  }
0x4a7: {  	v28 =	vand.u32 $0xFFFFFF80, v28;
	v29 =	vor.u32 v60, v29;
	v27 =	vld.idx.msk [tilespmem:v27+s12+$0x0], $0xffff;
	v33 =	vand.u32 $0xFFFFFF80, v33  }
0x4a8: {  	v28 =	vor.u32 v53, v28;
	v30 =	vand.u32 $0xFFFFFF80, v30;
	v33 =	vor.u32 v6, v33;
	v6 =	vld [tilespmem:$0x1FD20]  }
0x4a9: {  	v24 =	vld.idx.msk [tilespmem:v24+s12+$0x0], $0xffff;
	v31 =	vand.u32 $0xFFFFFF80, v31;
	v30 =	vor.u32 v50, v30  }
0x4aa: {  	v25 =	vld.idx.msk [tilespmem:v25+s12+$0x0], $0xffff;
	v31 =	vor.u32 v43, v31  }
0x4ab: {  	v26 =	vld.idx.msk [tilespmem:v26+s12+$0x0], $0xffff  }
0x4ac: {  	v29 =	vld.idx.msk [tilespmem:v29+s12+$0x0], $0xffff;
	v10 =	vand.u32 $0xFFFFFF80, v10  }
0x4ad: {  	v28 =	vld.idx.msk [tilespmem:v28+s12+$0x0], $0xffff;
	v10 =	vor.u32 v6, v10  }
0x4ae: {  	v30 =	vld.idx.msk [tilespmem:v30+s12+$0x0], $0xffff  }
0x4af: {  	v31 =	vld.idx.msk [tilespmem:v31+s12+$0x0], $0xffff  }
0x4b0: {  	v32 =	vld.idx.msk [tilespmem:v32+s12+$0x0], $0xffff  }
0x4b1: {  	v33 =	vld.idx.msk [tilespmem:v33+s12+$0x0], $0xffff  }
0x4b2: {  	v11 =	vadd.f32 v12, v11;
	v12 =	vadd.f32 v14, v13;
	v10 =	vld.idx.msk [tilespmem:v10+s12+$0x0], $0xffff  }
0x4b3: {  	v14 =	vadd.f32 v18, v17;
	v13 =	vadd.f32 v16, v15  }
0x4b4: {  	v15 =	vadd.f32 v19, v20;
	v16 =	vadd.f32 v22, v21  }
0x4b5: {  	v17 =	vadd.f32 v27, v23;
	v18 =	vadd.f32 v25, v24  }
0x4b6: {  	v19 =	vadd.f32 v29, v26;
	v20 =	vadd.f32 v30, v28  }
0x4b7: {  	v21 =	vadd.f32 v32, v31;
	v10 =	vadd.f32 v10, v33  }
0x4b8: {  	v15 =	vadd.f32 v16, v15;
	v16 =	vadd.f32 v18, v17  }
0x4b9: {  	v17 =	vadd.f32 v20, v19;
	v10 =	vadd.f32 v10, v21  }
0x4ba: {  	v11 =	vadd.f32 v12, v11;
	v12 =	vadd.f32 v14, v13  }
0x4bb: {  	v13 =	vadd.f32 v16, v15;
	v10 =	vadd.f32 v10, v17;
	_ =	sdelay $0x1  }
0x4bc: {  	v11 =	vadd.f32 v12, v11;
	v10 =	vadd.f32 v10, v13  }
0x4bd: {  	v14 =	vmov s2  }
0x4be: {  	v12 =	vmul.u32 $0x30, v14;
	v11 =	vadd.f32 v11, v10;
	_ =	sdelay $0x1  }
0x4bf: {  	v10 =	vbroadcast v12, $0x0;
	v11 =	vand.u32 $0x7FFFFFFF, v11  }
0x4c0: {  	v11 =	vmul.f32 $1.000000000e+03, v11  }
0x4c1: {  	v12 =	vadd.s32 v42, v10  }
0x4c2: {  	v30 =	vld [tilespmem:$0x1FFF0];
	v15 =	vadd.s32 v54, v10;
	v12 =	vand.u32 $0xFFFFFF80, v12;
	v11 =	vtrunc.f32 v11  }
0x4c3: {  	v15 =	vand.u32 $0xFFFFFF80, v15;
	v12 =	vor.u32 v34, v12;
	v11 =	vcvt.f32.s32 v11  }
0x4c4: {  	v13 =	vadd.s32 v44, v10;
	v15 =	vor.u32 v38, v15  }
0x4c5: {  	s1 =	sadd.s32 $0x10, s1;
	v14 =	vadd.s32 v46, v10;
	v18 =	vand.u32 $0x3F, v11;
	v11 =	vadd.s32 $0x1, v11  }
0x4c6: {  	s0 =	sadd.s32 $0x10, s0;
	v17 =	vadd.s32 v61, v10;
	v13 =	vand.u32 $0xFFFFFF80, v13;
	v11 =	vand.u32 $0x3F, v11;
	[tilespmem:s1+$0x0] =	vst v18  }
0x4c7: {  	v21 =	vadd.s32 v30, v10;
	v18 =	vor.u32 v35, v13;
	v13 =	vadd.s32 v49, v10;
	[tilespmem:s0+$0x0] =	vst v11  }
0x4c8: {  	v14 =	vand.u32 $0xFFFFFF80, v14;
	v11 =	vld.idx.msk [tilespmem:v12+s12+$0x0], $0xffff;
	v12 =	vand.u32 $0xFFFFFF80, v13;
	v13 =	vadd.s32 v62, v10  }
0x4c9: {  	v17 =	vand.u32 $0xFFFFFF80, v17;
	v20 =	vor.u32 v37, v12;
	v12 =	vld.idx.msk [tilespmem:v15+s12+$0x0], $0xffff;
	v15 =	vand.u32 $0xFFFFFF80, v13  }
0x4ca: {  	v14 =	vor.u32 v36, v14;
	v22 =	vor.u32 v41, v15;
	v15 =	vand.u32 $0xFFFFFF80, v21  }
0x4cb: {  	v17 =	vor.u32 v40, v17;
	v24 =	vor.u32 v45, v15;
	v15 =	vld [tilespmem:$0x1FB80];
	_ =	sdelay $0x3  }
0x4cc: {  	v13 =	vld.idx.msk [tilespmem:v14+s12+$0x0], $0xffff;
	v21 =	vadd.s32 v2, v10  }
0x4cd: {  	v14 =	vld.idx.msk [tilespmem:v17+s12+$0x0], $0xffff;
	v17 =	vand.u32 $0xFFFFFF80, v21;
	v21 =	vadd.s32 v15, v10  }
0x4ce: {  	v25 =	vor.u32 v48, v17;
	v15 =	vld.idx.msk [tilespmem:v18+s12+$0x0], $0xffff;
	v18 =	vadd.s32 v1, v10;
	v17 =	vand.u32 $0xFFFFFF80, v21  }
0x4cf: {  	v18 =	vand.u32 $0xFFFFFF80, v18;
	v26 =	vor.u32 v56, v17;
	v17 =	vld.idx.msk [tilespmem:v20+s12+$0x0], $0xffff  }
0x4d0: {  	v23 =	vor.u32 v47, v18;
	v20 =	vadd.s32 v3, v10;
	v18 =	vld.idx.msk [tilespmem:v22+s12+$0x0], $0xffff  }
0x4d1: {  	v22 =	vand.u32 $0xFFFFFF80, v20;
	v20 =	vld [tilespmem:$0x1FE20];
	_ =	sdelay $0x2  }
0x4d2: {  	v21 =	vadd.s32 v9, v10  }
0x4d3: {  	v21 =	vand.u32 $0xFFFFFF80, v21  }
0x4d4: {  	v27 =	vor.u32 v55, v21;
	v21 =	vadd.s32 v20, v10;
	v20 =	vld.idx.msk [tilespmem:v24+s12+$0x0], $0xffff  }
0x4d5: {  	v24 =	vor.u32 v51, v22;
	v22 =	vand.u32 $0xFFFFFF80, v21;
	v21 =	vld [tilespmem:$0x1FE30];
	_ =	sdelay $0x4  }
0x4d6: {  	v28 =	vadd.s32 v21, v10;
	v21 =	vld.idx.msk [tilespmem:v25+s12+$0x0], $0xffff  }
0x4d7: {  	v25 =	vor.u32 v58, v22;
	v22 =	vld [tilespmem:$0x1FB70];
	_ =	sdelay $0x2  }
0x4d8: {  	v16 =	vadd.s32 v57, v10;
	v19 =	vadd.s32 v5, v10  }
0x4d9: {  	v16 =	vand.u32 $0xFFFFFF80, v16;
	v19 =	vand.u32 $0xFFFFFF80, v19  }
0x4da: {  	v16 =	vor.u32 v39, v16;
	v28 =	vand.u32 $0xFFFFFF80, v28;
	v29 =	vadd.s32 v22, v10;
	v22 =	vld.idx.msk [tilespmem:v26+s12+$0x0], $0xffff  }
0x4db: {  	p0 =	sne.s32 s2, $0x30;
	v19 =	vor.u32 v52, v19;
	v26 =	vor.u32 v59, v28;
	v28 =	vld [tilespmem:$0x1FE50]  }
.Ltmp3:
0x4dc: {  	_ = 	snop;
	(pc) =	sbr.rel @p0 .LBB2_9-.Ltmp3, $3  }
0x4dd: {  	_ =	sdelay $0x1  }
0x4de: {  	v16 =	vld.idx.msk [tilespmem:v16+s12+$0x0], $0xffff  }
0x4df: {  	s2 =	sadd.s32 $0x10, s2;
	v19 =	vld.idx.msk [tilespmem:v19+s12+$0x0], $0xffff;
	v29 =	vand.u32 $0xFFFFFF80, v29;
	v28 =	vadd.s32 v28, v10  }
0x4e0: {  	_ =	sdelay $0x3  }
0x4e1: {  	v1 =	vld.idx.msk [tilespmem:v23+s12+$0x0], $0xffff  }
0x4e2: {  	v45 =	vld.idx.msk [tilespmem:v27+s12+$0x0], $0xffff  }
0x4e3: {  	v6 =	vld [tilespmem:$0x1FD90]  }
0x4e4: {  	v48 =	vld [tilespmem:$0x1FDA0]  }
0x4e5: {  	v3 =	vand.u32 $0xFFFFFF80, v28;
	v5 =	vmovc v4;
	v44 =	vor.u32 v60, v29;
	v2 =	vadd.s32 v7, v10;
	v49 =	vld [tilespmem:$0x1FDB0]  }
0x4e6: {  	v51 =	vld [tilespmem:$0x1FD20];
	v46 =	vadd.s32 v5, v10;
	v3 =	vor.u32 v53, v3;
	v2 =	vand.u32 $0xFFFFFF80, v2  }
0x4e7: {  	v24 =	vld.idx.msk [tilespmem:v24+s12+$0x0], $0xffff;
	v28 =	vadd.s32 v63, v10;
	v27 =	vand.u32 $0xFFFFFF80, v46;
	v2 =	vor.u32 v50, v2  }
0x4e8: {  	v25 =	vld.idx.msk [tilespmem:v25+s12+$0x0], $0xffff;
	v47 =	vadd.s32 v8, v10;
	v28 =	vand.u32 $0xFFFFFF80, v28;
	v27 =	vor.u32 v43, v27  }
0x4e9: {  	v26 =	vld.idx.msk [tilespmem:v26+s12+$0x0], $0xffff;
	v5 =	vand.u32 $0xFFFFFF80, v47;
	v28 =	vor.u32 v6, v28;
	v9 =	vadd.s32 v48, v10  }
0x4ea: {  	v5 =	vor.u32 v49, v5;
	v4 =	vld.idx.msk [tilespmem:v44+s12+$0x0], $0xffff;
	v50 =	vand.u32 $0xFFFFFF80, v9  }
0x4eb: {  	v3 =	vld.idx.msk [tilespmem:v3+s12+$0x0], $0xffff;
	v7 =	vor.u32 v51, v50  }
0x4ec: {  	v2 =	vld.idx.msk [tilespmem:v2+s12+$0x0], $0xffff  }
0x4ed: {  	v52 =	vld.idx.msk [tilespmem:v27+s12+$0x0], $0xffff  }
0x4ee: {  	v53 =	vld.idx.msk [tilespmem:v28+s12+$0x0], $0xffff  }
0x4ef: {  	v5 =	vld.idx.msk [tilespmem:v5+s12+$0x0], $0xffff  }
0x4f0: {  	v54 =	vadd.f32 v12, v11;
	v55 =	vadd.f32 v14, v13;
	v7 =	vld.idx.msk [tilespmem:v7+s12+$0x0], $0xffff  }
0x4f1: {  	v57 =	vadd.f32 v18, v17;
	v59 =	vadd.f32 v22, v21  }
0x4f2: {  	v56 =	vadd.f32 v16, v15;
	v58 =	vadd.f32 v19, v20  }
0x4f3: {  	v1 =	vadd.f32 v45, v1;
	v60 =	vadd.f32 v25, v24  }
0x4f4: {  	v4 =	vadd.f32 v4, v26;
	v2 =	vadd.f32 v2, v3  }
0x4f5: {  	v3 =	vadd.f32 v53, v52;
	v5 =	vadd.f32 v7, v5  }
0x4f6: {  	v61 =	vadd.f32 v59, v58;
	v1 =	vadd.f32 v60, v1  }
0x4f7: {  	v2 =	vadd.f32 v2, v4;
	v3 =	vadd.f32 v5, v3  }
0x4f8: {  	v62 =	vadd.f32 v55, v54;
	v63 =	vadd.f32 v57, v56  }
0x4f9: {  	v1 =	vadd.f32 v1, v61;
	v2 =	vadd.f32 v3, v2;
	_ =	sdelay $0x1  }
0x4fa: {  	v3 =	vadd.f32 v63, v62;
	v1 =	vadd.f32 v2, v1;
	_ =	sdelay $0x1  }
0x4fb: {  	v1 =	vadd.f32 v3, v1;
	_ =	sdelay $0x1  }
0x4fc: {  	v1 =	vand.u32 $0x7FFFFFFF, v1  }
0x4fd: {  	v1 =	vmul.f32 $1.000000000e+03, v1  }
0x4fe: {  	s22 =	sadd.s32 $0x1, s22  }
0x4ff: {  	p0 =	sne.s32 s22, $0x8;
	v1 =	vtrunc.f32 v1  }
.Ltmp4:
0x500: {  	v1 =	vcvt.f32.s32 v1;
	(pc) =	sbr.rel @p0 .LBB2_2-.Ltmp4, $4  }
0x501: {  	_ = 	snop  }
0x502: {  	s1 =	sadd.s32 $0x10, s1;
	v2 =	vand.u32 $0x3F, v1;
	v1 =	vadd.s32 $0x1, v1  }
0x503: {  	s0 =	sadd.s32 $0x10, s0;
	s21 =	sadd.s32 $0x80, s21;
	v1 =	vand.u32 $0x3F, v1;
	[tilespmem:s1+$0x0] =	vst v2  }
0x504: {  	s20 =	sadd.s32 $0x80, s20;
	s3 =	sadd.s32 $0x80, s3;
	s4 =	sadd.s32 $0x80, s4;
	[tilespmem:s0+$0x0] =	vst v1  }
0x505: {  	s8 =	simm.s32 $0x0  }
0x506: {  	s0 =	rddreg [dreg:$0x8];
	s1 =	simm.s32 $0x18C00;
	s28 =	simm.s32 $0x3  }
0x507: {  	[hbm4b:s0+s8] =	stream.linear.scatter [tilespmem:s1], [sflag:$0x3], $0x400, $0x38;
	[tilespmem:$0x19400] =	vst v63  }
0x508: {  	_ =	swait.ge [sflag:s28], $0x400  }
0x509: {  	[sflag:s28] =	ssyncset.done $0x0  }
0x50a: {  	s2 =	simm.s32 $0x19000;
	s29 =	rddreg [dreg:$0x5];
	[sflag:s28] =	ssyncadd.s32 $0xFFFFFC00  }
0x50b: {  	[hbm4b:s29+s8] =	stream.linear.scatter [tilespmem:s2], [sflag:$0x3], $0x400, $0x38;
	[tilespmem:$0x19400] =	vst v63  }
0x50c: {  	_ =	swait.ge [sflag:s28], $0x400  }
0x50d: {  	s30 =	rddreg [dreg:$0xa]  }
0x50e: {  	s31 =	rddreg [dreg:$0x9];
	s2 =	sadd.s32 $0x1, s30  }
0x50f: {  	p0 =	sne.s32 s2, s31  }
.Ltmp5:
0x510: {  	_ = 	snop;
	(pc) =	sbr.rel @p0 .LBB2_1-.Ltmp5, $3  }
0x511: {  	_ =	sdelay $0x1  }
0x512: {  	[sflag:s28] =	ssyncset.done $0x0  }
0x513: {  	[sflag:s28] =	ssyncadd.s32 $0xFFFFFC00  }
0x514: {  	_ =	sfence.sel $0x180000  }
0x515: {  	[bflag:$0x0] =	sbarrier.arrive $0xFFFF  }
0x516: {  	_ =	strace $0x90000047  }
0x517: {  	s0 =	stileid.u32;
	[bflag:$0x2] =	sbarrier.arrive $0xFFFF  }
0x518: {  	p0 =	sne.s32 s0, $0x0;
	s0 =	rddreg [dreg:$0x3]  }
0x519: {  	s0 =	sadd.s32 @!p0 $0x100000, s0  }
0x51a: {  	[sflag:s0] =	ssyncadd.tile.s32 @!p0 $0x1;
	_ =	shalt  }
.Lfunc_end2:
_tile_overlayer_lowered:
.L_overlay_start_2:
0x51b: {  	(tag) =	ssettag $0x2  }
0x51c: {  	s0 =	rddreg [dreg:$0x0];
	s2 =	stileid.u32  }
0x51d: {  	s1 =	rddreg [dreg:$0x1];
	p0 =	sne.s32 s2, $0x0  }
0x51e: {  	s3 =	rddreg [dreg:$0x2];
	[bflag:$0x3] =	sbarrier.arrive $0xFFFF;
	s2 =	simm.s32 @!p0 $0x1C03  }
0x51f: {  	[timem:s3], [sflag:s2] =	dma.local @!p0 [hbm:s0], s1  }
0x520: {  	s0 =	simm.s32 @!p0 $0x3  }
0x521: {  	_ =	swait.ge @!p0 [sflag:s0], s1  }
0x522: {  	s1 =	ssub.s32 @!p0 $0x0, s1;
	[sflag:s0] =	ssyncset.done @!p0 $0x0  }
0x523: {  	[sflag:s0] =	ssyncadd.s32 @!p0 s1  }
0x524: {  	[bflag:$0x3] =	sbarrier.arrive $0xFFFF  }
0x525: {  	_ =	shalt  }

</sc_bundles>
